<compile_context>
chip_gen: v7x
topology: tpu7x:2x2x1
jax: 0.10.2.dev20260603
libtpu: 0.0.44.dev20260713+nightly
codegen_flags: <defaults>
</compile_context>

<pallas_src>
import jax
import jax.numpy as jnp
from jax import lax
from jax.experimental import pallas as pl
from jax.experimental.pallas import tpu as pltpu
from jax.experimental.pallas import tpu_sc as plsc

B, S, D_MODEL = 1, 2048, 768
RANK = 32
N_COMPRESS = 64
TOP_K = 2

BLK = 1024
NEG = -1e30
NW = 32
TPW = S // NW
L = 16
NCH = TPW // L



def _tc_scores_body(x_ref, wr_ref, scores_ref):
    scores_ref[...] = lax.dot_general(
        x_ref[...], wr_ref[...],
        dimension_numbers=(((1,), (1,)), ((), ())),
        preferred_element_type=jnp.float32)


def _tc_scores(x2d, W_router):
    return pl.pallas_call(
        _tc_scores_body,
        grid=(S // BLK,),
        in_specs=[
            pl.BlockSpec((BLK, D_MODEL), lambda i: (i, 0)),
            pl.BlockSpec((N_COMPRESS, D_MODEL), lambda i: (0, 0)),
        ],
        out_specs=pl.BlockSpec((BLK, N_COMPRESS), lambda i: (i, 0)),
        out_shape=jax.ShapeDtypeStruct((S, N_COMPRESS), jnp.float32),
    )(x2d, W_router)



def _sc_body(scores_hbm, mask_hbm, w_hbm, idx_hbm,
             score_v, mask_v, w_v, ti_v):
    wid = lax.axis_index("s") * 2 + lax.axis_index("c")
    base = wid * TPW
    pltpu.sync_copy(scores_hbm.at[pl.ds(base, TPW)], score_v)

    lanes = lax.iota(jnp.int32, L)
    zero_f = jnp.zeros((L,), jnp.float32)
    zero_i = jnp.zeros((L,), jnp.int32)
    toks = [c * L + lanes for c in range(NCH)]

    for t in range(TPW):
        for q in range(N_COMPRESS // L):
            mask_v[t, pl.ds(q * L, L)] = zero_f

    init = tuple((zero_f + NEG, zero_i, zero_f + NEG, zero_i)
                 for _ in range(NCH))

    def scan_body(nb, carry):
        st = [list(s) for s in carry]
        for j in range(4):
            col = nb * 4 + j + zero_i
            for c in range(NCH):
                m1, i1, m2, i2 = st[c]
                v = plsc.load_gather(score_v, [toks[c], col])
                gt1 = v > m1
                gt2 = jnp.logical_and(jnp.logical_not(gt1), v > m2)
                st[c] = [
                    jnp.where(gt1, v, m1),
                    jnp.where(gt1, col, i1),
                    jnp.where(gt1, m1, jnp.where(gt2, v, m2)),
                    jnp.where(gt1, i1, jnp.where(gt2, col, i2)),
                ]
        return tuple(tuple(s) for s in st)

    state = lax.fori_loop(0, N_COMPRESS // 4, scan_body, init)

    for c in range(NCH):
        m1, i1, m2, i2 = state[c]
        tok = toks[c]
        e = jnp.exp(m2 - m1)
        w1 = 1.0 / (1.0 + e)
        w2 = 1.0 - w1
        plsc.store_scatter(w_v, [tok, zero_i], w1)
        plsc.store_scatter(w_v, [tok, zero_i + 1], w2)
        plsc.store_scatter(ti_v, [tok, zero_i], i1)
        plsc.store_scatter(ti_v, [tok, zero_i + 1], i2)
        plsc.store_scatter(mask_v, [tok, i1], w1)
        plsc.store_scatter(mask_v, [tok, i2], w2)

    pltpu.sync_copy(mask_v, mask_hbm.at[pl.ds(base, TPW)])
    pltpu.sync_copy(w_v, w_hbm.at[0, pl.ds(base, TPW)])
    pltpu.sync_copy(ti_v, idx_hbm.at[0, pl.ds(base, TPW)])


def _sc_stage(scores):
    mesh = plsc.VectorSubcoreMesh(core_axis_name="c", subcore_axis_name="s")
    run = pl.kernel(
        _sc_body,
        mesh=mesh,
        out_type=[
            jax.ShapeDtypeStruct((S, N_COMPRESS), jnp.float32),
            jax.ShapeDtypeStruct((B, S, TOP_K), jnp.float32),
            jax.ShapeDtypeStruct((B, S, TOP_K), jnp.int32),
        ],
        scratch_types=[
            pltpu.VMEM((TPW, N_COMPRESS), jnp.float32),
            pltpu.VMEM((TPW, N_COMPRESS), jnp.float32),
            pltpu.VMEM((TPW, TOP_K), jnp.float32),
            pltpu.VMEM((TPW, TOP_K), jnp.int32),
        ],
        compiler_params=pltpu.CompilerParams(needs_layout_passes=False),
    )
    return run(scores)



def _tc_proj_body(x_ref, wf_ref, mask_ref, out_ref):
    proj = jnp.dot(x_ref[...], wf_ref[...],
                   preferred_element_type=jnp.float32)
    row_n = lax.broadcasted_iota(jnp.int32, (N_COMPRESS, N_COMPRESS * RANK), 0)
    col_n = lax.broadcasted_iota(jnp.int32, (N_COMPRESS, N_COMPRESS * RANK),
                                 1) // RANK
    expand = (row_n == col_n).astype(jnp.float32)
    mask_exp = jnp.dot(mask_ref[...], expand,
                       preferred_element_type=jnp.float32)
    row = lax.broadcasted_iota(jnp.int32, (N_COMPRESS * RANK, RANK), 0) % RANK
    col = lax.broadcasted_iota(jnp.int32, (N_COMPRESS * RANK, RANK), 1)
    gather_eye = (row == col).astype(jnp.float32)
    out_ref[...] = jnp.dot(proj * mask_exp, gather_eye,
                           preferred_element_type=jnp.float32)


def _tc_proj(x2d, wf, mask):
    return pl.pallas_call(
        _tc_proj_body,
        grid=(S // BLK,),
        in_specs=[
            pl.BlockSpec((BLK, D_MODEL), lambda i: (i, 0)),
            pl.BlockSpec((D_MODEL, N_COMPRESS * RANK), lambda i: (0, 0)),
            pl.BlockSpec((BLK, N_COMPRESS), lambda i: (i, 0)),
        ],
        out_specs=pl.BlockSpec((BLK, RANK), lambda i: (i, 0)),
        out_shape=jax.ShapeDtypeStruct((S, RANK), jnp.float32),
    )(x2d, wf, mask)


@jax.jit
def kernel(x, W_router, compress_neurons):
    x2d = x.reshape(S, D_MODEL)
    wf = compress_neurons.transpose(1, 0, 2).reshape(D_MODEL,
                                                     N_COMPRESS * RANK)
    scores = _tc_scores(x2d, W_router)
    mask, w, idx = _sc_stage(scores)
    out = _tc_proj(x2d, wf, mask)
    return (out.reshape(B, S, RANK), w, idx)

# --- scband reference (transcript-rebuilt; emitter-appended) ---
"""Pipeline reference for scband-sparse-compressor-60576218743271 (READ-ONLY COPY).

The authoritative reference and input builder live on the scoring server;
editing this copy changes nothing except your own understanding.
"""

import jax, jax.numpy as jnp
import numpy as np

B, S, D_MODEL = 1, 2048, 768
RANK = 32
N_COMPRESS = 64
TOP_K = 2


def setup_inputs(seed: int = 0) -> dict:
    key = jax.random.key(seed)
    k1, k2, k3 = jax.random.split(key, 3)
    x = jax.random.normal(k1, (B, S, D_MODEL), dtype=jnp.float32)
    # router: nn.Linear(d_model, n_compress, bias=False) -> weight [n_compress, d_model]
    W_router = jax.random.normal(k2, (N_COMPRESS, D_MODEL), dtype=jnp.float32) * 0.02
    # shared compress neurons: [n_compress, d_model, rank]
    compress_neurons = jax.random.normal(k3, (N_COMPRESS, D_MODEL, RANK), dtype=jnp.float32) * 0.02
    return {"x": x, "W_router": W_router, "compress_neurons": compress_neurons}


def reference(x, W_router, compress_neurons):
    # scores = router(x): [B, S, n_compress]
    scores = jnp.einsum('bsd,nd->bsn', x, W_router)
    # top-k routing (add_noise=False / eval path)
    topk_scores, topk_idx = jax.lax.top_k(scores, TOP_K)  # [B, S, k]
    weights = jax.nn.softmax(topk_scores, axis=-1)        # [B, S, k]
    # gather selected neurons: [B, S, k, D, R]
    selected_neurons = jnp.take(compress_neurons, topk_idx, axis=0)
    # proj = einsum('bsod,bskdr->bskr', x.unsqueeze(2), selected) == einsum('bsd,bskdr->bskr', x, selected)
    proj = jnp.einsum('bsd,bskdr->bskr', x, selected_neurons)  # [B, S, k, R]
    output = jnp.sum(proj * weights[..., None], axis=2)        # [B, S, R]
    return (output, weights, topk_idx)

if __name__ == "__main__":
    import jax
    _d = setup_inputs()
    print(jax.jit(kernel)(*tuple(_d.values())))

</pallas_src>

<mosaic_0001>
#map = affine_map<(d0, d1) -> (0, 0)>
#map1 = affine_map<(d0, d1) -> (0, 0, 0)>
module attributes {stable_mosaic.version = 14 : i64} {
  func.func @_sc_body(%arg0: i32, %arg1: i32, %arg2: memref<2048x64xf32, #tpu.memory_space<hbm>>, %arg3: memref<2048x64xf32, #tpu.memory_space<hbm>>, %arg4: memref<1x2048x2xf32, #tpu.memory_space<hbm>>, %arg5: memref<1x2048x2xi32, #tpu.memory_space<hbm>>, %arg6: memref<64x64xf32, #tpu.memory_space<vmem>>, %arg7: memref<64x64xf32, #tpu.memory_space<vmem>>, %arg8: memref<64x2xf32, #tpu.memory_space<vmem>>, %arg9: memref<64x2xi32, #tpu.memory_space<vmem>>) attributes {dimension_semantics = [#tpu.dimension_semantics<core_parallel>, #tpu.dimension_semantics<subcore_parallel>], iteration_bounds = array<i64: 2, 16>, scalar_prefetch = 0 : i64, scratch_operands = 4 : i64, tpu.core_type = #tpu.core_type<sc_vector_subcore>, window_params = [{transform_indices = #map}, {transform_indices = #map}, {transform_indices = #map1}, {transform_indices = #map1}]} {
    %mul3A = arith.constant 2 : i32
    %mul3A_0 = arith.muli %arg1, %mul3A : i32
    %add3A = arith.addi %mul3A_0, %arg0 : i32
    %mul3A_1 = arith.constant 64 : i32
    %mul3A_2 = arith.muli %add3A, %mul3A_1 : i32
    "tpu.region"() ({
      %run_scoped3A_1136 = tpu.sem_alloc : memref<!tpu.dma_semaphore, #tpu.memory_space<semaphore_mem>>
      %dma_start3A = arith.constant 0 : i32
      %dma_start3A_1137 = tpu.memref_slice %arg2[%mul3A_2, %dma_start3A] : memref<2048x64xf32, #tpu.memory_space<hbm>> -> memref<64x64xf32, #tpu.memory_space<hbm>>
      %dma_start3A_1138 = arith.constant 0 : i32
      %dma_start3A_1139 = tpu.memref_slice %arg2[%mul3A_2, %dma_start3A_1138] : memref<2048x64xf32, #tpu.memory_space<hbm>> -> memref<64x64xf32, #tpu.memory_space<hbm>>
      tpu.enqueue_dma source(%dma_start3A_1139 : memref<64x64xf32, #tpu.memory_space<hbm>>) target(%arg6 : memref<64x64xf32, #tpu.memory_space<vmem>>) target_semaphore(%run_scoped3A_1136 : memref<!tpu.dma_semaphore, #tpu.memory_space<semaphore_mem>>)
      %dma_wait3A = arith.constant 0 : i32
      %dma_wait3A_1140 = tpu.memref_slice %arg2[%mul3A_2, %dma_wait3A] : memref<2048x64xf32, #tpu.memory_space<hbm>> -> memref<64x64xf32, #tpu.memory_space<hbm>>
      %dma_wait3A_1141 = arith.constant 0 : i32
      %dma_wait3A_1142 = tpu.memref_slice %arg2[%mul3A_2, %dma_wait3A_1141] : memref<2048x64xf32, #tpu.memory_space<hbm>> -> memref<64x64xf32, #tpu.memory_space<hbm>>
      tpu.wait_dma2 semaphore(%run_scoped3A_1136 : memref<!tpu.dma_semaphore, #tpu.memory_space<semaphore_mem>>) src(%dma_wait3A_1142 : memref<64x64xf32, #tpu.memory_space<hbm>>) dst(%arg6 : memref<64x64xf32, #tpu.memory_space<vmem>>)
      tpu.yield
    }) : () -> ()
    %iota3A = tpu.iota {dimensions = array<i32: 0>} : vector<16xi32>
    %broadcast_in_dim3A = arith.constant 0.000000e+00 : f32
    %broadcast_in_dim3A_3 = vector.broadcast %broadcast_in_dim3A : f32 to vector<16xf32>
    %broadcast_in_dim3A_4 = arith.constant 0 : i32
    %broadcast_in_dim3A_5 = vector.broadcast %broadcast_in_dim3A_4 : i32 to vector<16xi32>
    %add3A_6 = arith.constant 0 : i32
    %add3A_7 = vector.broadcast %add3A_6 : i32 to vector<16xi32>
    %add3A_8 = arith.addi %add3A_7, %iota3A : vector<16xi32>
    %add3A_9 = arith.constant 16 : i32
    %add3A_10 = vector.broadcast %add3A_9 : i32 to vector<16xi32>
    %add3A_11 = arith.addi %add3A_10, %iota3A : vector<16xi32>
    %add3A_12 = arith.constant 32 : i32
    %add3A_13 = vector.broadcast %add3A_12 : i32 to vector<16xi32>
    %add3A_14 = arith.addi %add3A_13, %iota3A : vector<16xi32>
    %add3A_15 = arith.constant 48 : i32
    %add3A_16 = vector.broadcast %add3A_15 : i32 to vector<16xi32>
    %add3A_17 = arith.addi %add3A_16, %iota3A : vector<16xi32>
    %swap3A = arith.constant 0 : i32
    %swap3A_18 = arith.index_cast %swap3A : i32 to index
    %swap3A_19 = arith.constant 0 : index
    %swap3A_20 = tpu.vector_load %arg7[%swap3A_18, %swap3A_19] {strides = array<i32>} : memref<64x64xf32, #tpu.memory_space<vmem>>, vector<16xf32>,
    tpu.vector_store %arg7[%swap3A_18, %swap3A_19], %broadcast_in_dim3A_3 {strides = array<i32>} : memref<64x64xf32, #tpu.memory_space<vmem>>, vector<16xf32>,
    %swap3A_21 = arith.constant 0 : i32
    %swap3A_22 = arith.index_cast %swap3A_21 : i32 to index
    %swap3A_23 = arith.constant 16 : index
    %swap3A_24 = tpu.vector_load %arg7[%swap3A_22, %swap3A_23] {strides = array<i32>} : memref<64x64xf32, #tpu.memory_space<vmem>>, vector<16xf32>,
    tpu.vector_store %arg7[%swap3A_22, %swap3A_23], %broadcast_in_dim3A_3 {strides = array<i32>} : memref<64x64xf32, #tpu.memory_space<vmem>>, vector<16xf32>,
    %swap3A_25 = arith.constant 0 : i32
    %swap3A_26 = arith.index_cast %swap3A_25 : i32 to index
    %swap3A_27 = arith.constant 32 : index
    %swap3A_28 = tpu.vector_load %arg7[%swap3A_26, %swap3A_27] {strides = array<i32>} : memref<64x64xf32, #tpu.memory_space<vmem>>, vector<16xf32>,
    tpu.vector_store %arg7[%swap3A_26, %swap3A_27], %broadcast_in_dim3A_3 {strides = array<i32>} : memref<64x64xf32, #tpu.memory_space<vmem>>, vector<16xf32>,
    %swap3A_29 = arith.constant 0 : i32
    %swap3A_30 = arith.index_cast %swap3A_29 : i32 to index
    %swap3A_31 = arith.constant 48 : index
    %swap3A_32 = tpu.vector_load %arg7[%swap3A_30, %swap3A_31] {strides = array<i32>} : memref<64x64xf32, #tpu.memory_space<vmem>>, vector<16xf32>,
    tpu.vector_store %arg7[%swap3A_30, %swap3A_31], %broadcast_in_dim3A_3 {strides = array<i32>} : memref<64x64xf32, #tpu.memory_space<vmem>>, vector<16xf32>,
    %swap3A_33 = arith.constant 1 : i32
    %swap3A_34 = arith.index_cast %swap3A_33 : i32 to index
    %swap3A_35 = arith.constant 0 : index
    %swap3A_36 = tpu.vector_load %arg7[%swap3A_34, %swap3A_35] {strides = array<i32>} : memref<64x64xf32, #tpu.memory_space<vmem>>, vector<16xf32>,
    tpu.vector_store %arg7[%swap3A_34, %swap3A_35], %broadcast_in_dim3A_3 {strides = array<i32>} : memref<64x64xf32, #tpu.memory_space<vmem>>, vector<16xf32>,
    %swap3A_37 = arith.constant 1 : i32
    %swap3A_38 = arith.index_cast %swap3A_37 : i32 to index
    %swap3A_39 = arith.constant 16 : index
    %swap3A_40 = tpu.vector_load %arg7[%swap3A_38, %swap3A_39] {strides = array<i32>} : memref<64x64xf32, #tpu.memory_space<vmem>>, vector<16xf32>,
    tpu.vector_store %arg7[%swap3A_38, %swap3A_39], %broadcast_in_dim3A_3 {strides = array<i32>} : memref<64x64xf32, #tpu.memory_space<vmem>>, vector<16xf32>,
    %swap3A_41 = arith.constant 1 : i32
    %swap3A_42 = arith.index_cast %swap3A_41 : i32 to index
    %swap3A_43 = arith.constant 32 : index
    %swap3A_44 = tpu.vector_load %arg7[%swap3A_42, %swap3A_43] {strides = array<i32>} : memref<64x64xf32, #tpu.memory_space<vmem>>, vector<16xf32>,
    tpu.vector_store %arg7[%swap3A_42, %swap3A_43], %broadcast_in_dim3A_3 {strides = array<i32>} : memref<64x64xf32, #tpu.memory_space<vmem>>, vector<16xf32>,
    %swap3A_45 = arith.constant 1 : i32
    %swap3A_46 = arith.index_cast %swap3A_45 : i32 to index
    %swap3A_47 = arith.constant 48 : index
    %swap3A_48 = tpu.vector_load %arg7[%swap3A_46, %swap3A_47] {strides = array<i32>} : memref<64x64xf32, #tpu.memory_space<vmem>>, vector<16xf32>,
    tpu.vector_store %arg7[%swap3A_46, %swap3A_47], %broadcast_in_dim3A_3 {strides = array<i32>} : memref<64x64xf32, #tpu.memory_space<vmem>>, vector<16xf32>,
    %swap3A_49 = arith.constant 2 : i32
    %swap3A_50 = arith.index_cast %swap3A_49 : i32 to index
    %swap3A_51 = arith.constant 0 : index
    %swap3A_52 = tpu.vector_load %arg7[%swap3A_50, %swap3A_51] {strides = array<i32>} : memref<64x64xf32, #tpu.memory_space<vmem>>, vector<16xf32>,
    tpu.vector_store %arg7[%swap3A_50, %swap3A_51], %broadcast_in_dim3A_3 {strides = array<i32>} : memref<64x64xf32, #tpu.memory_space<vmem>>, vector<16xf32>,
    %swap3A_53 = arith.constant 2 : i32
    %swap3A_54 = arith.index_cast %swap3A_53 : i32 to index
    %swap3A_55 = arith.constant 16 : index
    %swap3A_56 = tpu.vector_load %arg7[%swap3A_54, %swap3A_55] {strides = array<i32>} : memref<64x64xf32, #tpu.memory_space<vmem>>, vector<16xf32>,
    tpu.vector_store %arg7[%swap3A_54, %swap3A_55], %broadcast_in_dim3A_3 {strides = array<i32>} : memref<64x64xf32, #tpu.memory_space<vmem>>, vector<16xf32>,
    %swap3A_57 = arith.constant 2 : i32
    %swap3A_58 = arith.index_cast %swap3A_57 : i32 to index
    %swap3A_59 = arith.constant 32 : index
    %swap3A_60 = tpu.vector_load %arg7[%swap3A_58, %swap3A_59] {strides = array<i32>} : memref<64x64xf32, #tpu.memory_space<vmem>>, vector<16xf32>,
    tpu.vector_store %arg7[%swap3A_58, %swap3A_59], %broadcast_in_dim3A_3 {strides = array<i32>} : memref<64x64xf32, #tpu.memory_space<vmem>>, vector<16xf32>,
    %swap3A_61 = arith.constant 2 : i32
    %swap3A_62 = arith.index_cast %swap3A_61 : i32 to index
    %swap3A_63 = arith.constant 48 : index
    %swap3A_64 = tpu.vector_load %arg7[%swap3A_62, %swap3A_63] {strides = array<i32>} : memref<64x64xf32, #tpu.memory_space<vmem>>, vector<16xf32>,
    tpu.vector_store %arg7[%swap3A_62, %swap3A_63], %broadcast_in_dim3A_3 {strides = array<i32>} : memref<64x64xf32, #tpu.memory_space<vmem>>, vector<16xf32>,
    %swap3A_65 = arith.constant 3 : i32
    %swap3A_66 = arith.index_cast %swap3A_65 : i32 to index
    %swap3A_67 = arith.constant 0 : index
    %swap3A_68 = tpu.vector_load %arg7[%swap3A_66, %swap3A_67] {strides = array<i32>} : memref<64x64xf32, #tpu.memory_space<vmem>>, vector<16xf32>,
    tpu.vector_store %arg7[%swap3A_66, %swap3A_67], %broadcast_in_dim3A_3 {strides = array<i32>} : memref<64x64xf32, #tpu.memory_space<vmem>>, vector<16xf32>,
    %swap3A_69 = arith.constant 3 : i32
    %swap3A_70 = arith.index_cast %swap3A_69 : i32 to index
    %swap3A_71 = arith.constant 16 : index
    %swap3A_72 = tpu.vector_load %arg7[%swap3A_70, %swap3A_71] {strides = array<i32>} : memref<64x64xf32, #tpu.memory_space<vmem>>, vector<16xf32>,
    tpu.vector_store %arg7[%swap3A_70, %swap3A_71], %broadcast_in_dim3A_3 {strides = array<i32>} : memref<64x64xf32, #tpu.memory_space<vmem>>, vector<16xf32>,
    %swap3A_73 = arith.constant 3 : i32
    %swap3A_74 = arith.index_cast %swap3A_73 : i32 to index
    %swap3A_75 = arith.constant 32 : index
    %swap3A_76 = tpu.vector_load %arg7[%swap3A_74, %swap3A_75] {strides = array<i32>} : memref<64x64xf32, #tpu.memory_space<vmem>>, vector<16xf32>,
    tpu.vector_store %arg7[%swap3A_74, %swap3A_75], %broadcast_in_dim3A_3 {strides = array<i32>} : memref<64x64xf32, #tpu.memory_space<vmem>>, vector<16xf32>,
    %swap3A_77 = arith.constant 3 : i32
    %swap3A_78 = arith.index_cast %swap3A_77 : i32 to index
    %swap3A_79 = arith.constant 48 : index
    %swap3A_80 = tpu.vector_load %arg7[%swap3A_78, %swap3A_79] {strides = array<i32>} : memref<64x64xf32, #tpu.memory_space<vmem>>, vector<16xf32>,
    tpu.vector_store %arg7[%swap3A_78, %swap3A_79], %broadcast_in_dim3A_3 {strides = array<i32>} : memref<64x64xf32, #tpu.memory_space<vmem>>, vector<16xf32>,
    %swap3A_81 = arith.constant 4 : i32
    %swap3A_82 = arith.index_cast %swap3A_81 : i32 to index
    %swap3A_83 = arith.constant 0 : index
    %swap3A_84 = tpu.vector_load %arg7[%swap3A_82, %swap3A_83] {strides = array<i32>} : memref<64x64xf32, #tpu.memory_space<vmem>>, vector<16xf32>,
    tpu.vector_store %arg7[%swap3A_82, %swap3A_83], %broadcast_in_dim3A_3 {strides = array<i32>} : memref<64x64xf32, #tpu.memory_space<vmem>>, vector<16xf32>,
    %swap3A_85 = arith.constant 4 : i32
    %swap3A_86 = arith.index_cast %swap3A_85 : i32 to index
    %swap3A_87 = arith.constant 16 : index
    %swap3A_88 = tpu.vector_load %arg7[%swap3A_86, %swap3A_87] {strides = array<i32>} : memref<64x64xf32, #tpu.memory_space<vmem>>, vector<16xf32>,
    tpu.vector_store %arg7[%swap3A_86, %swap3A_87], %broadcast_in_dim3A_3 {strides = array<i32>} : memref<64x64xf32, #tpu.memory_space<vmem>>, vector<16xf32>,
    %swap3A_89 = arith.constant 4 : i32
    %swap3A_90 = arith.index_cast %swap3A_89 : i32 to index
    %swap3A_91 = arith.constant 32 : index
    %swap3A_92 = tpu.vector_load %arg7[%swap3A_90, %swap3A_91] {strides = array<i32>} : memref<64x64xf32, #tpu.memory_space<vmem>>, vector<16xf32>,
    tpu.vector_store %arg7[%swap3A_90, %swap3A_91], %broadcast_in_dim3A_3 {strides = array<i32>} : memref<64x64xf32, #tpu.memory_space<vmem>>, vector<16xf32>,
    %swap3A_93 = arith.constant 4 : i32
    %swap3A_94 = arith.index_cast %swap3A_93 : i32 to index
    %swap3A_95 = arith.constant 48 : index
    %swap3A_96 = tpu.vector_load %arg7[%swap3A_94, %swap3A_95] {strides = array<i32>} : memref<64x64xf32, #tpu.memory_space<vmem>>, vector<16xf32>,
    tpu.vector_store %arg7[%swap3A_94, %swap3A_95], %broadcast_in_dim3A_3 {strides = array<i32>} : memref<64x64xf32, #tpu.memory_space<vmem>>, vector<16xf32>,
    %swap3A_97 = arith.constant 5 : i32
    %swap3A_98 = arith.index_cast %swap3A_97 : i32 to index
    %swap3A_99 = arith.constant 0 : index
    %swap3A_100 = tpu.vector_load %arg7[%swap3A_98, %swap3A_99] {strides = array<i32>} : memref<64x64xf32, #tpu.memory_space<vmem>>, vector<16xf32>,
    tpu.vector_store %arg7[%swap3A_98, %swap3A_99], %broadcast_in_dim3A_3 {strides = array<i32>} : memref<64x64xf32, #tpu.memory_space<vmem>>, vector<16xf32>,
    %swap3A_101 = arith.constant 5 : i32
    %swap3A_102 = arith.index_cast %swap3A_101 : i32 to index
    %swap3A_103 = arith.constant 16 : index
    %swap3A_104 = tpu.vector_load %arg7[%swap3A_102, %swap3A_103] {strides = array<i32>} : memref<64x64xf32, #tpu.memory_space<vmem>>, vector<16xf32>,
    tpu.vector_store %arg7[%swap3A_102, %swap3A_103], %broadcast_in_dim3A_3 {strides = array<i32>} : memref<64x64xf32, #tpu.memory_space<vmem>>, vector<16xf32>,
    %swap3A_105 = arith.constant 5 : i32
    %swap3A_106 = arith.index_cast %swap3A_105 : i32 to index
    %swap3A_107 = arith.constant 32 : index
    %swap3A_108 = tpu.vector_load %arg7[%swap3A_106, %swap3A_107] {strides = array<i32>} : memref<64x64xf32, #tpu.memory_space<vmem>>, vector<16xf32>,
    tpu.vector_store %arg7[%swap3A_106, %swap3A_107], %broadcast_in_dim3A_3 {strides = array<i32>} : memref<64x64xf32, #tpu.memory_space<vmem>>, vector<16xf32>,
    %swap3A_109 = arith.constant 5 : i32
    %swap3A_110 = arith.index_cast %swap3A_109 : i32 to index
    %swap3A_111 = arith.constant 48 : index
    %swap3A_112 = tpu.vector_load %arg7[%swap3A_110, %swap3A_111] {strides = array<i32>} : memref<64x64xf32, #tpu.memory_space<vmem>>, vector<16xf32>,
    tpu.vector_store %arg7[%swap3A_110, %swap3A_111], %broadcast_in_dim3A_3 {strides = array<i32>} : memref<64x64xf32, #tpu.memory_space<vmem>>, vector<16xf32>,
    %swap3A_113 = arith.constant 6 : i32
    %swap3A_114 = arith.index_cast %swap3A_113 : i32 to index
    %swap3A_115 = arith.constant 0 : index
    %swap3A_116 = tpu.vector_load %arg7[%swap3A_114, %swap3A_115] {strides = array<i32>} : memref<64x64xf32, #tpu.memory_space<vmem>>, vector<16xf32>,
    tpu.vector_store %arg7[%swap3A_114, %swap3A_115], %broadcast_in_dim3A_3 {strides = array<i32>} : memref<64x64xf32, #tpu.memory_space<vmem>>, vector<16xf32>,
    %swap3A_117 = arith.constant 6 : i32
    %swap3A_118 = arith.index_cast %swap3A_117 : i32 to index
    %swap3A_119 = arith.constant 16 : index
    %swap3A_120 = tpu.vector_load %arg7[%swap3A_118, %swap3A_119] {strides = array<i32>} : memref<64x64xf32, #tpu.memory_space<vmem>>, vector<16xf32>,
    tpu.vector_store %arg7[%swap3A_118, %swap3A_119], %broadcast_in_dim3A_3 {strides = array<i32>} : memref<64x64xf32, #tpu.memory_space<vmem>>, vector<16xf32>,
    %swap3A_121 = arith.constant 6 : i32
    %swap3A_122 = arith.index_cast %swap3A_121 : i32 to index
    %swap3A_123 = arith.constant 32 : index
    %swap3A_124 = tpu.vector_load %arg7[%swap3A_122, %swap3A_123] {strides = array<i32>} : memref<64x64xf32, #tpu.memory_space<vmem>>, vector<16xf32>,
    tpu.vector_store %arg7[%swap3A_122, %swap3A_123], %broadcast_in_dim3A_3 {strides = array<i32>} : memref<64x64xf32, #tpu.memory_space<vmem>>, vector<16xf32>,
    %swap3A_125 = arith.constant 6 : i32
    %swap3A_126 = arith.index_cast %swap3A_125 : i32 to index
    %swap3A_127 = arith.constant 48 : index
    %swap3A_128 = tpu.vector_load %arg7[%swap3A_126, %swap3A_127] {strides = array<i32>} : memref<64x64xf32, #tpu.memory_space<vmem>>, vector<16xf32>,
    tpu.vector_store %arg7[%swap3A_126, %swap3A_127], %broadcast_in_dim3A_3 {strides = array<i32>} : memref<64x64xf32, #tpu.memory_space<vmem>>, vector<16xf32>,
    %swap3A_129 = arith.constant 7 : i32
    %swap3A_130 = arith.index_cast %swap3A_129 : i32 to index
    %swap3A_131 = arith.constant 0 : index
    %swap3A_132 = tpu.vector_load %arg7[%swap3A_130, %swap3A_131] {strides = array<i32>} : memref<64x64xf32, #tpu.memory_space<vmem>>, vector<16xf32>,
    tpu.vector_store %arg7[%swap3A_130, %swap3A_131], %broadcast_in_dim3A_3 {strides = array<i32>} : memref<64x64xf32, #tpu.memory_space<vmem>>, vector<16xf32>,
    %swap3A_133 = arith.constant 7 : i32
    %swap3A_134 = arith.index_cast %swap3A_133 : i32 to index
    %swap3A_135 = arith.constant 16 : index
    %swap3A_136 = tpu.vector_load %arg7[%swap3A_134, %swap3A_135] {strides = array<i32>} : memref<64x64xf32, #tpu.memory_space<vmem>>, vector<16xf32>,
    tpu.vector_store %arg7[%swap3A_134, %swap3A_135], %broadcast_in_dim3A_3 {strides = array<i32>} : memref<64x64xf32, #tpu.memory_space<vmem>>, vector<16xf32>,
    %swap3A_137 = arith.constant 7 : i32
    %swap3A_138 = arith.index_cast %swap3A_137 : i32 to index
    %swap3A_139 = arith.constant 32 : index
    %swap3A_140 = tpu.vector_load %arg7[%swap3A_138, %swap3A_139] {strides = array<i32>} : memref<64x64xf32, #tpu.memory_space<vmem>>, vector<16xf32>,
    tpu.vector_store %arg7[%swap3A_138, %swap3A_139], %broadcast_in_dim3A_3 {strides = array<i32>} : memref<64x64xf32, #tpu.memory_space<vmem>>, vector<16xf32>,
    %swap3A_141 = arith.constant 7 : i32
    %swap3A_142 = arith.index_cast %swap3A_141 : i32 to index
    %swap3A_143 = arith.constant 48 : index
    %swap3A_144 = tpu.vector_load %arg7[%swap3A_142, %swap3A_143] {strides = array<i32>} : memref<64x64xf32, #tpu.memory_space<vmem>>, vector<16xf32>,
    tpu.vector_store %arg7[%swap3A_142, %swap3A_143], %broadcast_in_dim3A_3 {strides = array<i32>} : memref<64x64xf32, #tpu.memory_space<vmem>>, vector<16xf32>,
    %swap3A_145 = arith.constant 8 : i32
    %swap3A_146 = arith.index_cast %swap3A_145 : i32 to index
    %swap3A_147 = arith.constant 0 : index
    %swap3A_148 = tpu.vector_load %arg7[%swap3A_146, %swap3A_147] {strides = array<i32>} : memref<64x64xf32, #tpu.memory_space<vmem>>, vector<16xf32>,
    tpu.vector_store %arg7[%swap3A_146, %swap3A_147], %broadcast_in_dim3A_3 {strides = array<i32>} : memref<64x64xf32, #tpu.memory_space<vmem>>, vector<16xf32>,
    %swap3A_149 = arith.constant 8 : i32
    %swap3A_150 = arith.index_cast %swap3A_149 : i32 to index
    %swap3A_151 = arith.constant 16 : index
    %swap3A_152 = tpu.vector_load %arg7[%swap3A_150, %swap3A_151] {strides = array<i32>} : memref<64x64xf32, #tpu.memory_space<vmem>>, vector<16xf32>,
    tpu.vector_store %arg7[%swap3A_150, %swap3A_151], %broadcast_in_dim3A_3 {strides = array<i32>} : memref<64x64xf32, #tpu.memory_space<vmem>>, vector<16xf32>,
    %swap3A_153 = arith.constant 8 : i32
    %swap3A_154 = arith.index_cast %swap3A_153 : i32 to index
    %swap3A_155 = arith.constant 32 : index
    %swap3A_156 = tpu.vector_load %arg7[%swap3A_154, %swap3A_155] {strides = array<i32>} : memref<64x64xf32, #tpu.memory_space<vmem>>, vector<16xf32>,
    tpu.vector_store %arg7[%swap3A_154, %swap3A_155], %broadcast_in_dim3A_3 {strides = array<i32>} : memref<64x64xf32, #tpu.memory_space<vmem>>, vector<16xf32>,
    %swap3A_157 = arith.constant 8 : i32
    %swap3A_158 = arith.index_cast %swap3A_157 : i32 to index
    %swap3A_159 = arith.constant 48 : index
    %swap3A_160 = tpu.vector_load %arg7[%swap3A_158, %swap3A_159] {strides = array<i32>} : memref<64x64xf32, #tpu.memory_space<vmem>>, vector<16xf32>,
    tpu.vector_store %arg7[%swap3A_158, %swap3A_159], %broadcast_in_dim3A_3 {strides = array<i32>} : memref<64x64xf32, #tpu.memory_space<vmem>>, vector<16xf32>,
    %swap3A_161 = arith.constant 9 : i32
    %swap3A_162 = arith.index_cast %swap3A_161 : i32 to index
    %swap3A_163 = arith.constant 0 : index
    %swap3A_164 = tpu.vector_load %arg7[%swap3A_162, %swap3A_163] {strides = array<i32>} : memref<64x64xf32, #tpu.memory_space<vmem>>, vector<16xf32>,
    tpu.vector_store %arg7[%swap3A_162, %swap3A_163], %broadcast_in_dim3A_3 {strides = array<i32>} : memref<64x64xf32, #tpu.memory_space<vmem>>, vector<16xf32>,
    %swap3A_165 = arith.constant 9 : i32
    %swap3A_166 = arith.index_cast %swap3A_165 : i32 to index
    %swap3A_167 = arith.constant 16 : index
    %swap3A_168 = tpu.vector_load %arg7[%swap3A_166, %swap3A_167] {strides = array<i32>} : memref<64x64xf32, #tpu.memory_space<vmem>>, vector<16xf32>,
    tpu.vector_store %arg7[%swap3A_166, %swap3A_167], %broadcast_in_dim3A_3 {strides = array<i32>} : memref<64x64xf32, #tpu.memory_space<vmem>>, vector<16xf32>,
    %swap3A_169 = arith.constant 9 : i32
    %swap3A_170 = arith.index_cast %swap3A_169 : i32 to index
    %swap3A_171 = arith.constant 32 : index
    %swap3A_172 = tpu.vector_load %arg7[%swap3A_170, %swap3A_171] {strides = array<i32>} : memref<64x64xf32, #tpu.memory_space<vmem>>, vector<16xf32>,
    tpu.vector_store %arg7[%swap3A_170, %swap3A_171], %broadcast_in_dim3A_3 {strides = array<i32>} : memref<64x64xf32, #tpu.memory_space<vmem>>, vector<16xf32>,
    %swap3A_173 = arith.constant 9 : i32
    %swap3A_174 = arith.index_cast %swap3A_173 : i32 to index
    %swap3A_175 = arith.constant 48 : index
    %swap3A_176 = tpu.vector_load %arg7[%swap3A_174, %swap3A_175] {strides = array<i32>} : memref<64x64xf32, #tpu.memory_space<vmem>>, vector<16xf32>,
    tpu.vector_store %arg7[%swap3A_174, %swap3A_175], %broadcast_in_dim3A_3 {strides = array<i32>} : memref<64x64xf32, #tpu.memory_space<vmem>>, vector<16xf32>,
    %swap3A_177 = arith.constant 10 : i32
    %swap3A_178 = arith.index_cast %swap3A_177 : i32 to index
    %swap3A_179 = arith.constant 0 : index
    %swap3A_180 = tpu.vector_load %arg7[%swap3A_178, %swap3A_179] {strides = array<i32>} : memref<64x64xf32, #tpu.memory_space<vmem>>, vector<16xf32>,
    tpu.vector_store %arg7[%swap3A_178, %swap3A_179], %broadcast_in_dim3A_3 {strides = array<i32>} : memref<64x64xf32, #tpu.memory_space<vmem>>, vector<16xf32>,
    %swap3A_181 = arith.constant 10 : i32
    %swap3A_182 = arith.index_cast %swap3A_181 : i32 to index
    %swap3A_183 = arith.constant 16 : index
    %swap3A_184 = tpu.vector_load %arg7[%swap3A_182, %swap3A_183] {strides = array<i32>} : memref<64x64xf32, #tpu.memory_space<vmem>>, vector<16xf32>,
    tpu.vector_store %arg7[%swap3A_182, %swap3A_183], %broadcast_in_dim3A_3 {strides = array<i32>} : memref<64x64xf32, #tpu.memory_space<vmem>>, vector<16xf32>,
    %swap3A_185 = arith.constant 10 : i32
    %swap3A_186 = arith.index_cast %swap3A_185 : i32 to index
    %swap3A_187 = arith.constant 32 : index
    %swap3A_188 = tpu.vector_load %arg7[%swap3A_186, %swap3A_187] {strides = array<i32>} : memref<64x64xf32, #tpu.memory_space<vmem>>, vector<16xf32>,
    tpu.vector_store %arg7[%swap3A_186, %swap3A_187], %broadcast_in_dim3A_3 {strides = array<i32>} : memref<64x64xf32, #tpu.memory_space<vmem>>, vector<16xf32>,
    %swap3A_189 = arith.constant 10 : i32
    %swap3A_190 = arith.index_cast %swap3A_189 : i32 to index
    %swap3A_191 = arith.constant 48 : index
    %swap3A_192 = tpu.vector_load %arg7[%swap3A_190, %swap3A_191] {strides = array<i32>} : memref<64x64xf32, #tpu.memory_space<vmem>>, vector<16xf32>,
    tpu.vector_store %arg7[%swap3A_190, %swap3A_191], %broadcast_in_dim3A_3 {strides = array<i32>} : memref<64x64xf32, #tpu.memory_space<vmem>>, vector<16xf32>,
    %swap3A_193 = arith.constant 11 : i32
    %swap3A_194 = arith.index_cast %swap3A_193 : i32 to index
    %swap3A_195 = arith.constant 0 : index
    %swap3A_196 = tpu.vector_load %arg7[%swap3A_194, %swap3A_195] {strides = array<i32>} : memref<64x64xf32, #tpu.memory_space<vmem>>, vector<16xf32>,
    tpu.vector_store %arg7[%swap3A_194, %swap3A_195], %broadcast_in_dim3A_3 {strides = array<i32>} : memref<64x64xf32, #tpu.memory_space<vmem>>, vector<16xf32>,
    %swap3A_197 = arith.constant 11 : i32
    %swap3A_198 = arith.index_cast %swap3A_197 : i32 to index
    %swap3A_199 = arith.constant 16 : index
    %swap3A_200 = tpu.vector_load %arg7[%swap3A_198, %swap3A_199] {strides = array<i32>} : memref<64x64xf32, #tpu.memory_space<vmem>>, vector<16xf32>,
    tpu.vector_store %arg7[%swap3A_198, %swap3A_199], %broadcast_in_dim3A_3 {strides = array<i32>} : memref<64x64xf32, #tpu.memory_space<vmem>>, vector<16xf32>,
    %swap3A_201 = arith.constant 11 : i32
    %swap3A_202 = arith.index_cast %swap3A_201 : i32 to index
    %swap3A_203 = arith.constant 32 : index
    %swap3A_204 = tpu.vector_load %arg7[%swap3A_202, %swap3A_203] {strides = array<i32>} : memref<64x64xf32, #tpu.memory_space<vmem>>, vector<16xf32>,
    tpu.vector_store %arg7[%swap3A_202, %swap3A_203], %broadcast_in_dim3A_3 {strides = array<i32>} : memref<64x64xf32, #tpu.memory_space<vmem>>, vector<16xf32>,
    %swap3A_205 = arith.constant 11 : i32
    %swap3A_206 = arith.index_cast %swap3A_205 : i32 to index
    %swap3A_207 = arith.constant 48 : index
    %swap3A_208 = tpu.vector_load %arg7[%swap3A_206, %swap3A_207] {strides = array<i32>} : memref<64x64xf32, #tpu.memory_space<vmem>>, vector<16xf32>,
    tpu.vector_store %arg7[%swap3A_206, %swap3A_207], %broadcast_in_dim3A_3 {strides = array<i32>} : memref<64x64xf32, #tpu.memory_space<vmem>>, vector<16xf32>,
    %swap3A_209 = arith.constant 12 : i32
    %swap3A_210 = arith.index_cast %swap3A_209 : i32 to index
    %swap3A_211 = arith.constant 0 : index
    %swap3A_212 = tpu.vector_load %arg7[%swap3A_210, %swap3A_211] {strides = array<i32>} : memref<64x64xf32, #tpu.memory_space<vmem>>, vector<16xf32>,
    tpu.vector_store %arg7[%swap3A_210, %swap3A_211], %broadcast_in_dim3A_3 {strides = array<i32>} : memref<64x64xf32, #tpu.memory_space<vmem>>, vector<16xf32>,
    %swap3A_213 = arith.constant 12 : i32
    %swap3A_214 = arith.index_cast %swap3A_213 : i32 to index
    %swap3A_215 = arith.constant 16 : index
    %swap3A_216 = tpu.vector_load %arg7[%swap3A_214, %swap3A_215] {strides = array<i32>} : memref<64x64xf32, #tpu.memory_space<vmem>>, vector<16xf32>,
    tpu.vector_store %arg7[%swap3A_214, %swap3A_215], %broadcast_in_dim3A_3 {strides = array<i32>} : memref<64x64xf32, #tpu.memory_space<vmem>>, vector<16xf32>,
    %swap3A_217 = arith.constant 12 : i32
    %swap3A_218 = arith.index_cast %swap3A_217 : i32 to index
    %swap3A_219 = arith.constant 32 : index
    %swap3A_220 = tpu.vector_load %arg7[%swap3A_218, %swap3A_219] {strides = array<i32>} : memref<64x64xf32, #tpu.memory_space<vmem>>, vector<16xf32>,
    tpu.vector_store %arg7[%swap3A_218, %swap3A_219], %broadcast_in_dim3A_3 {strides = array<i32>} : memref<64x64xf32, #tpu.memory_space<vmem>>, vector<16xf32>,
    %swap3A_221 = arith.constant 12 : i32
    %swap3A_222 = arith.index_cast %swap3A_221 : i32 to index
    %swap3A_223 = arith.constant 48 : index
    %swap3A_224 = tpu.vector_load %arg7[%swap3A_222, %swap3A_223] {strides = array<i32>} : memref<64x64xf32, #tpu.memory_space<vmem>>, vector<16xf32>,
    tpu.vector_store %arg7[%swap3A_222, %swap3A_223], %broadcast_in_dim3A_3 {strides = array<i32>} : memref<64x64xf32, #tpu.memory_space<vmem>>, vector<16xf32>,
    %swap3A_225 = arith.constant 13 : i32
    %swap3A_226 = arith.index_cast %swap3A_225 : i32 to index
    %swap3A_227 = arith.constant 0 : index
    %swap3A_228 = tpu.vector_load %arg7[%swap3A_226, %swap3A_227] {strides = array<i32>} : memref<64x64xf32, #tpu.memory_space<vmem>>, vector<16xf32>,
    tpu.vector_store %arg7[%swap3A_226, %swap3A_227], %broadcast_in_dim3A_3 {strides = array<i32>} : memref<64x64xf32, #tpu.memory_space<vmem>>, vector<16xf32>,
    %swap3A_229 = arith.constant 13 : i32
    %swap3A_230 = arith.index_cast %swap3A_229 : i32 to index
    %swap3A_231 = arith.constant 16 : index
    %swap3A_232 = tpu.vector_load %arg7[%swap3A_230, %swap3A_231] {strides = array<i32>} : memref<64x64xf32, #tpu.memory_space<vmem>>, vector<16xf32>,
    tpu.vector_store %arg7[%swap3A_230, %swap3A_231], %broadcast_in_dim3A_3 {strides = array<i32>} : memref<64x64xf32, #tpu.memory_space<vmem>>, vector<16xf32>,
    %swap3A_233 = arith.constant 13 : i32
    %swap3A_234 = arith.index_cast %swap3A_233 : i32 to index
    %swap3A_235 = arith.constant 32 : index
    %swap3A_236 = tpu.vector_load %arg7[%swap3A_234, %swap3A_235] {strides = array<i32>} : memref<64x64xf32, #tpu.memory_space<vmem>>, vector<16xf32>,
    tpu.vector_store %arg7[%swap3A_234, %swap3A_235], %broadcast_in_dim3A_3 {strides = array<i32>} : memref<64x64xf32, #tpu.memory_space<vmem>>, vector<16xf32>,
    %swap3A_237 = arith.constant 13 : i32
    %swap3A_238 = arith.index_cast %swap3A_237 : i32 to index
    %swap3A_239 = arith.constant 48 : index
    %swap3A_240 = tpu.vector_load %arg7[%swap3A_238, %swap3A_239] {strides = array<i32>} : memref<64x64xf32, #tpu.memory_space<vmem>>, vector<16xf32>,
    tpu.vector_store %arg7[%swap3A_238, %swap3A_239], %broadcast_in_dim3A_3 {strides = array<i32>} : memref<64x64xf32, #tpu.memory_space<vmem>>, vector<16xf32>,
    %swap3A_241 = arith.constant 14 : i32
    %swap3A_242 = arith.index_cast %swap3A_241 : i32 to index
    %swap3A_243 = arith.constant 0 : index
    %swap3A_244 = tpu.vector_load %arg7[%swap3A_242, %swap3A_243] {strides = array<i32>} : memref<64x64xf32, #tpu.memory_space<vmem>>, vector<16xf32>,
    tpu.vector_store %arg7[%swap3A_242, %swap3A_243], %broadcast_in_dim3A_3 {strides = array<i32>} : memref<64x64xf32, #tpu.memory_space<vmem>>, vector<16xf32>,
    %swap3A_245 = arith.constant 14 : i32
    %swap3A_246 = arith.index_cast %swap3A_245 : i32 to index
    %swap3A_247 = arith.constant 16 : index
    %swap3A_248 = tpu.vector_load %arg7[%swap3A_246, %swap3A_247] {strides = array<i32>} : memref<64x64xf32, #tpu.memory_space<vmem>>, vector<16xf32>,
    tpu.vector_store %arg7[%swap3A_246, %swap3A_247], %broadcast_in_dim3A_3 {strides = array<i32>} : memref<64x64xf32, #tpu.memory_space<vmem>>, vector<16xf32>,
    %swap3A_249 = arith.constant 14 : i32
    %swap3A_250 = arith.index_cast %swap3A_249 : i32 to index
    %swap3A_251 = arith.constant 32 : index
    %swap3A_252 = tpu.vector_load %arg7[%swap3A_250, %swap3A_251] {strides = array<i32>} : memref<64x64xf32, #tpu.memory_space<vmem>>, vector<16xf32>,
    tpu.vector_store %arg7[%swap3A_250, %swap3A_251], %broadcast_in_dim3A_3 {strides = array<i32>} : memref<64x64xf32, #tpu.memory_space<vmem>>, vector<16xf32>,
    %swap3A_253 = arith.constant 14 : i32
    %swap3A_254 = arith.index_cast %swap3A_253 : i32 to index
    %swap3A_255 = arith.constant 48 : index
    %swap3A_256 = tpu.vector_load %arg7[%swap3A_254, %swap3A_255] {strides = array<i32>} : memref<64x64xf32, #tpu.memory_space<vmem>>, vector<16xf32>,
    tpu.vector_store %arg7[%swap3A_254, %swap3A_255], %broadcast_in_dim3A_3 {strides = array<i32>} : memref<64x64xf32, #tpu.memory_space<vmem>>, vector<16xf32>,
    %swap3A_257 = arith.constant 15 : i32
    %swap3A_258 = arith.index_cast %swap3A_257 : i32 to index
    %swap3A_259 = arith.constant 0 : index
    %swap3A_260 = tpu.vector_load %arg7[%swap3A_258, %swap3A_259] {strides = array<i32>} : memref<64x64xf32, #tpu.memory_space<vmem>>, vector<16xf32>,
    tpu.vector_store %arg7[%swap3A_258, %swap3A_259], %broadcast_in_dim3A_3 {strides = array<i32>} : memref<64x64xf32, #tpu.memory_space<vmem>>, vector<16xf32>,
    %swap3A_261 = arith.constant 15 : i32
    %swap3A_262 = arith.index_cast %swap3A_261 : i32 to index
    %swap3A_263 = arith.constant 16 : index
    %swap3A_264 = tpu.vector_load %arg7[%swap3A_262, %swap3A_263] {strides = array<i32>} : memref<64x64xf32, #tpu.memory_space<vmem>>, vector<16xf32>,
    tpu.vector_store %arg7[%swap3A_262, %swap3A_263], %broadcast_in_dim3A_3 {strides = array<i32>} : memref<64x64xf32, #tpu.memory_space<vmem>>, vector<16xf32>,
    %swap3A_265 = arith.constant 15 : i32
    %swap3A_266 = arith.index_cast %swap3A_265 : i32 to index
    %swap3A_267 = arith.constant 32 : index
    %swap3A_268 = tpu.vector_load %arg7[%swap3A_266, %swap3A_267] {strides = array<i32>} : memref<64x64xf32, #tpu.memory_space<vmem>>, vector<16xf32>,
    tpu.vector_store %arg7[%swap3A_266, %swap3A_267], %broadcast_in_dim3A_3 {strides = array<i32>} : memref<64x64xf32, #tpu.memory_space<vmem>>, vector<16xf32>,
    %swap3A_269 = arith.constant 15 : i32
    %swap3A_270 = arith.index_cast %swap3A_269 : i32 to index
    %swap3A_271 = arith.constant 48 : index
    %swap3A_272 = tpu.vector_load %arg7[%swap3A_270, %swap3A_271] {strides = array<i32>} : memref<64x64xf32, #tpu.memory_space<vmem>>, vector<16xf32>,
    tpu.vector_store %arg7[%swap3A_270, %swap3A_271], %broadcast_in_dim3A_3 {strides = array<i32>} : memref<64x64xf32, #tpu.memory_space<vmem>>, vector<16xf32>,
    %swap3A_273 = arith.constant 16 : i32
    %swap3A_274 = arith.index_cast %swap3A_273 : i32 to index
    %swap3A_275 = arith.constant 0 : index
    %swap3A_276 = tpu.vector_load %arg7[%swap3A_274, %swap3A_275] {strides = array<i32>} : memref<64x64xf32, #tpu.memory_space<vmem>>, vector<16xf32>,
    tpu.vector_store %arg7[%swap3A_274, %swap3A_275], %broadcast_in_dim3A_3 {strides = array<i32>} : memref<64x64xf32, #tpu.memory_space<vmem>>, vector<16xf32>,
    %swap3A_277 = arith.constant 16 : i32
    %swap3A_278 = arith.index_cast %swap3A_277 : i32 to index
    %swap3A_279 = arith.constant 16 : index
    %swap3A_280 = tpu.vector_load %arg7[%swap3A_278, %swap3A_279] {strides = array<i32>} : memref<64x64xf32, #tpu.memory_space<vmem>>, vector<16xf32>,
    tpu.vector_store %arg7[%swap3A_278, %swap3A_279], %broadcast_in_dim3A_3 {strides = array<i32>} : memref<64x64xf32, #tpu.memory_space<vmem>>, vector<16xf32>,
    %swap3A_281 = arith.constant 16 : i32
    %swap3A_282 = arith.index_cast %swap3A_281 : i32 to index
    %swap3A_283 = arith.constant 32 : index
    %swap3A_284 = tpu.vector_load %arg7[%swap3A_282, %swap3A_283] {strides = array<i32>} : memref<64x64xf32, #tpu.memory_space<vmem>>, vector<16xf32>,
    tpu.vector_store %arg7[%swap3A_282, %swap3A_283], %broadcast_in_dim3A_3 {strides = array<i32>} : memref<64x64xf32, #tpu.memory_space<vmem>>, vector<16xf32>,
    %swap3A_285 = arith.constant 16 : i32
    %swap3A_286 = arith.index_cast %swap3A_285 : i32 to index
    %swap3A_287 = arith.constant 48 : index
    %swap3A_288 = tpu.vector_load %arg7[%swap3A_286, %swap3A_287] {strides = array<i32>} : memref<64x64xf32, #tpu.memory_space<vmem>>, vector<16xf32>,
    tpu.vector_store %arg7[%swap3A_286, %swap3A_287], %broadcast_in_dim3A_3 {strides = array<i32>} : memref<64x64xf32, #tpu.memory_space<vmem>>, vector<16xf32>,
    %swap3A_289 = arith.constant 17 : i32
    %swap3A_290 = arith.index_cast %swap3A_289 : i32 to index
    %swap3A_291 = arith.constant 0 : index
    %swap3A_292 = tpu.vector_load %arg7[%swap3A_290, %swap3A_291] {strides = array<i32>} : memref<64x64xf32, #tpu.memory_space<vmem>>, vector<16xf32>,
    tpu.vector_store %arg7[%swap3A_290, %swap3A_291], %broadcast_in_dim3A_3 {strides = array<i32>} : memref<64x64xf32, #tpu.memory_space<vmem>>, vector<16xf32>,
    %swap3A_293 = arith.constant 17 : i32
    %swap3A_294 = arith.index_cast %swap3A_293 : i32 to index
    %swap3A_295 = arith.constant 16 : index
    %swap3A_296 = tpu.vector_load %arg7[%swap3A_294, %swap3A_295] {strides = array<i32>} : memref<64x64xf32, #tpu.memory_space<vmem>>, vector<16xf32>,
    tpu.vector_store %arg7[%swap3A_294, %swap3A_295], %broadcast_in_dim3A_3 {strides = array<i32>} : memref<64x64xf32, #tpu.memory_space<vmem>>, vector<16xf32>,
    %swap3A_297 = arith.constant 17 : i32
    %swap3A_298 = arith.index_cast %swap3A_297 : i32 to index
    %swap3A_299 = arith.constant 32 : index
    %swap3A_300 = tpu.vector_load %arg7[%swap3A_298, %swap3A_299] {strides = array<i32>} : memref<64x64xf32, #tpu.memory_space<vmem>>, vector<16xf32>,
    tpu.vector_store %arg7[%swap3A_298, %swap3A_299], %broadcast_in_dim3A_3 {strides = array<i32>} : memref<64x64xf32, #tpu.memory_space<vmem>>, vector<16xf32>,
    %swap3A_301 = arith.constant 17 : i32
    %swap3A_302 = arith.index_cast %swap3A_301 : i32 to index
    %swap3A_303 = arith.constant 48 : index
    %swap3A_304 = tpu.vector_load %arg7[%swap3A_302, %swap3A_303] {strides = array<i32>} : memref<64x64xf32, #tpu.memory_space<vmem>>, vector<16xf32>,
    tpu.vector_store %arg7[%swap3A_302, %swap3A_303], %broadcast_in_dim3A_3 {strides = array<i32>} : memref<64x64xf32, #tpu.memory_space<vmem>>, vector<16xf32>,
    %swap3A_305 = arith.constant 18 : i32
    %swap3A_306 = arith.index_cast %swap3A_305 : i32 to index
    %swap3A_307 = arith.constant 0 : index
    %swap3A_308 = tpu.vector_load %arg7[%swap3A_306, %swap3A_307] {strides = array<i32>} : memref<64x64xf32, #tpu.memory_space<vmem>>, vector<16xf32>,
    tpu.vector_store %arg7[%swap3A_306, %swap3A_307], %broadcast_in_dim3A_3 {strides = array<i32>} : memref<64x64xf32, #tpu.memory_space<vmem>>, vector<16xf32>,
    %swap3A_309 = arith.constant 18 : i32
    %swap3A_310 = arith.index_cast %swap3A_309 : i32 to index
    %swap3A_311 = arith.constant 16 : index
    %swap3A_312 = tpu.vector_load %arg7[%swap3A_310, %swap3A_311] {strides = array<i32>} : memref<64x64xf32, #tpu.memory_space<vmem>>, vector<16xf32>,
    tpu.vector_store %arg7[%swap3A_310, %swap3A_311], %broadcast_in_dim3A_3 {strides = array<i32>} : memref<64x64xf32, #tpu.memory_space<vmem>>, vector<16xf32>,
    %swap3A_313 = arith.constant 18 : i32
    %swap3A_314 = arith.index_cast %swap3A_313 : i32 to index
    %swap3A_315 = arith.constant 32 : index
    %swap3A_316 = tpu.vector_load %arg7[%swap3A_314, %swap3A_315] {strides = array<i32>} : memref<64x64xf32, #tpu.memory_space<vmem>>, vector<16xf32>,
    tpu.vector_store %arg7[%swap3A_314, %swap3A_315], %broadcast_in_dim3A_3 {strides = array<i32>} : memref<64x64xf32, #tpu.memory_space<vmem>>, vector<16xf32>,
    %swap3A_317 = arith.constant 18 : i32
    %swap3A_318 = arith.index_cast %swap3A_317 : i32 to index
    %swap3A_319 = arith.constant 48 : index
    %swap3A_320 = tpu.vector_load %arg7[%swap3A_318, %swap3A_319] {strides = array<i32>} : memref<64x64xf32, #tpu.memory_space<vmem>>, vector<16xf32>,
    tpu.vector_store %arg7[%swap3A_318, %swap3A_319], %broadcast_in_dim3A_3 {strides = array<i32>} : memref<64x64xf32, #tpu.memory_space<vmem>>, vector<16xf32>,
    %swap3A_321 = arith.constant 19 : i32
    %swap3A_322 = arith.index_cast %swap3A_321 : i32 to index
    %swap3A_323 = arith.constant 0 : index
    %swap3A_324 = tpu.vector_load %arg7[%swap3A_322, %swap3A_323] {strides = array<i32>} : memref<64x64xf32, #tpu.memory_space<vmem>>, vector<16xf32>,
    tpu.vector_store %arg7[%swap3A_322, %swap3A_323], %broadcast_in_dim3A_3 {strides = array<i32>} : memref<64x64xf32, #tpu.memory_space<vmem>>, vector<16xf32>,
    %swap3A_325 = arith.constant 19 : i32
    %swap3A_326 = arith.index_cast %swap3A_325 : i32 to index
    %swap3A_327 = arith.constant 16 : index
    %swap3A_328 = tpu.vector_load %arg7[%swap3A_326, %swap3A_327] {strides = array<i32>} : memref<64x64xf32, #tpu.memory_space<vmem>>, vector<16xf32>,
    tpu.vector_store %arg7[%swap3A_326, %swap3A_327], %broadcast_in_dim3A_3 {strides = array<i32>} : memref<64x64xf32, #tpu.memory_space<vmem>>, vector<16xf32>,
    %swap3A_329 = arith.constant 19 : i32
    %swap3A_330 = arith.index_cast %swap3A_329 : i32 to index
    %swap3A_331 = arith.constant 32 : index
    %swap3A_332 = tpu.vector_load %arg7[%swap3A_330, %swap3A_331] {strides = array<i32>} : memref<64x64xf32, #tpu.memory_space<vmem>>, vector<16xf32>,
    tpu.vector_store %arg7[%swap3A_330, %swap3A_331], %broadcast_in_dim3A_3 {strides = array<i32>} : memref<64x64xf32, #tpu.memory_space<vmem>>, vector<16xf32>,
    %swap3A_333 = arith.constant 19 : i32
    %swap3A_334 = arith.index_cast %swap3A_333 : i32 to index
    %swap3A_335 = arith.constant 48 : index
    %swap3A_336 = tpu.vector_load %arg7[%swap3A_334, %swap3A_335] {strides = array<i32>} : memref<64x64xf32, #tpu.memory_space<vmem>>, vector<16xf32>,
    tpu.vector_store %arg7[%swap3A_334, %swap3A_335], %broadcast_in_dim3A_3 {strides = array<i32>} : memref<64x64xf32, #tpu.memory_space<vmem>>, vector<16xf32>,
    %swap3A_337 = arith.constant 20 : i32
    %swap3A_338 = arith.index_cast %swap3A_337 : i32 to index
    %swap3A_339 = arith.constant 0 : index
    %swap3A_340 = tpu.vector_load %arg7[%swap3A_338, %swap3A_339] {strides = array<i32>} : memref<64x64xf32, #tpu.memory_space<vmem>>, vector<16xf32>,
    tpu.vector_store %arg7[%swap3A_338, %swap3A_339], %broadcast_in_dim3A_3 {strides = array<i32>} : memref<64x64xf32, #tpu.memory_space<vmem>>, vector<16xf32>,
    %swap3A_341 = arith.constant 20 : i32
    %swap3A_342 = arith.index_cast %swap3A_341 : i32 to index
    %swap3A_343 = arith.constant 16 : index
    %swap3A_344 = tpu.vector_load %arg7[%swap3A_342, %swap3A_343] {strides = array<i32>} : memref<64x64xf32, #tpu.memory_space<vmem>>, vector<16xf32>,
    tpu.vector_store %arg7[%swap3A_342, %swap3A_343], %broadcast_in_dim3A_3 {strides = array<i32>} : memref<64x64xf32, #tpu.memory_space<vmem>>, vector<16xf32>,
    %swap3A_345 = arith.constant 20 : i32
    %swap3A_346 = arith.index_cast %swap3A_345 : i32 to index
    %swap3A_347 = arith.constant 32 : index
    %swap3A_348 = tpu.vector_load %arg7[%swap3A_346, %swap3A_347] {strides = array<i32>} : memref<64x64xf32, #tpu.memory_space<vmem>>, vector<16xf32>,
    tpu.vector_store %arg7[%swap3A_346, %swap3A_347], %broadcast_in_dim3A_3 {strides = array<i32>} : memref<64x64xf32, #tpu.memory_space<vmem>>, vector<16xf32>,
    %swap3A_349 = arith.constant 20 : i32
    %swap3A_350 = arith.index_cast %swap3A_349 : i32 to index
    %swap3A_351 = arith.constant 48 : index
    %swap3A_352 = tpu.vector_load %arg7[%swap3A_350, %swap3A_351] {strides = array<i32>} : memref<64x64xf32, #tpu.memory_space<vmem>>, vector<16xf32>,
    tpu.vector_store %arg7[%swap3A_350, %swap3A_351], %broadcast_in_dim3A_3 {strides = array<i32>} : memref<64x64xf32, #tpu.memory_space<vmem>>, vector<16xf32>,
    %swap3A_353 = arith.constant 21 : i32
    %swap3A_354 = arith.index_cast %swap3A_353 : i32 to index
    %swap3A_355 = arith.constant 0 : index
    %swap3A_356 = tpu.vector_load %arg7[%swap3A_354, %swap3A_355] {strides = array<i32>} : memref<64x64xf32, #tpu.memory_space<vmem>>, vector<16xf32>,
    tpu.vector_store %arg7[%swap3A_354, %swap3A_355], %broadcast_in_dim3A_3 {strides = array<i32>} : memref<64x64xf32, #tpu.memory_space<vmem>>, vector<16xf32>,
    %swap3A_357 = arith.constant 21 : i32
    %swap3A_358 = arith.index_cast %swap3A_357 : i32 to index
    %swap3A_359 = arith.constant 16 : index
    %swap3A_360 = tpu.vector_load %arg7[%swap3A_358, %swap3A_359] {strides = array<i32>} : memref<64x64xf32, #tpu.memory_space<vmem>>, vector<16xf32>,
    tpu.vector_store %arg7[%swap3A_358, %swap3A_359], %broadcast_in_dim3A_3 {strides = array<i32>} : memref<64x64xf32, #tpu.memory_space<vmem>>, vector<16xf32>,
    %swap3A_361 = arith.constant 21 : i32
    %swap3A_362 = arith.index_cast %swap3A_361 : i32 to index
    %swap3A_363 = arith.constant 32 : index
    %swap3A_364 = tpu.vector_load %arg7[%swap3A_362, %swap3A_363] {strides = array<i32>} : memref<64x64xf32, #tpu.memory_space<vmem>>, vector<16xf32>,
    tpu.vector_store %arg7[%swap3A_362, %swap3A_363], %broadcast_in_dim3A_3 {strides = array<i32>} : memref<64x64xf32, #tpu.memory_space<vmem>>, vector<16xf32>,
    %swap3A_365 = arith.constant 21 : i32
    %swap3A_366 = arith.index_cast %swap3A_365 : i32 to index
    %swap3A_367 = arith.constant 48 : index
    %swap3A_368 = tpu.vector_load %arg7[%swap3A_366, %swap3A_367] {strides = array<i32>} : memref<64x64xf32, #tpu.memory_space<vmem>>, vector<16xf32>,
    tpu.vector_store %arg7[%swap3A_366, %swap3A_367], %broadcast_in_dim3A_3 {strides = array<i32>} : memref<64x64xf32, #tpu.memory_space<vmem>>, vector<16xf32>,
    %swap3A_369 = arith.constant 22 : i32
    %swap3A_370 = arith.index_cast %swap3A_369 : i32 to index
    %swap3A_371 = arith.constant 0 : index
    %swap3A_372 = tpu.vector_load %arg7[%swap3A_370, %swap3A_371] {strides = array<i32>} : memref<64x64xf32, #tpu.memory_space<vmem>>, vector<16xf32>,
    tpu.vector_store %arg7[%swap3A_370, %swap3A_371], %broadcast_in_dim3A_3 {strides = array<i32>} : memref<64x64xf32, #tpu.memory_space<vmem>>, vector<16xf32>,
    %swap3A_373 = arith.constant 22 : i32
    %swap3A_374 = arith.index_cast %swap3A_373 : i32 to index
    %swap3A_375 = arith.constant 16 : index
    %swap3A_376 = tpu.vector_load %arg7[%swap3A_374, %swap3A_375] {strides = array<i32>} : memref<64x64xf32, #tpu.memory_space<vmem>>, vector<16xf32>,
    tpu.vector_store %arg7[%swap3A_374, %swap3A_375], %broadcast_in_dim3A_3 {strides = array<i32>} : memref<64x64xf32, #tpu.memory_space<vmem>>, vector<16xf32>,
    %swap3A_377 = arith.constant 22 : i32
    %swap3A_378 = arith.index_cast %swap3A_377 : i32 to index
    %swap3A_379 = arith.constant 32 : index
    %swap3A_380 = tpu.vector_load %arg7[%swap3A_378, %swap3A_379] {strides = array<i32>} : memref<64x64xf32, #tpu.memory_space<vmem>>, vector<16xf32>,
    tpu.vector_store %arg7[%swap3A_378, %swap3A_379], %broadcast_in_dim3A_3 {strides = array<i32>} : memref<64x64xf32, #tpu.memory_space<vmem>>, vector<16xf32>,
    %swap3A_381 = arith.constant 22 : i32
    %swap3A_382 = arith.index_cast %swap3A_381 : i32 to index
    %swap3A_383 = arith.constant 48 : index
    %swap3A_384 = tpu.vector_load %arg7[%swap3A_382, %swap3A_383] {strides = array<i32>} : memref<64x64xf32, #tpu.memory_space<vmem>>, vector<16xf32>,
    tpu.vector_store %arg7[%swap3A_382, %swap3A_383], %broadcast_in_dim3A_3 {strides = array<i32>} : memref<64x64xf32, #tpu.memory_space<vmem>>, vector<16xf32>,
    %swap3A_385 = arith.constant 23 : i32
    %swap3A_386 = arith.index_cast %swap3A_385 : i32 to index
    %swap3A_387 = arith.constant 0 : index
    %swap3A_388 = tpu.vector_load %arg7[%swap3A_386, %swap3A_387] {strides = array<i32>} : memref<64x64xf32, #tpu.memory_space<vmem>>, vector<16xf32>,
    tpu.vector_store %arg7[%swap3A_386, %swap3A_387], %broadcast_in_dim3A_3 {strides = array<i32>} : memref<64x64xf32, #tpu.memory_space<vmem>>, vector<16xf32>,
    %swap3A_389 = arith.constant 23 : i32
    %swap3A_390 = arith.index_cast %swap3A_389 : i32 to index
    %swap3A_391 = arith.constant 16 : index
    %swap3A_392 = tpu.vector_load %arg7[%swap3A_390, %swap3A_391] {strides = array<i32>} : memref<64x64xf32, #tpu.memory_space<vmem>>, vector<16xf32>,
    tpu.vector_store %arg7[%swap3A_390, %swap3A_391], %broadcast_in_dim3A_3 {strides = array<i32>} : memref<64x64xf32, #tpu.memory_space<vmem>>, vector<16xf32>,
    %swap3A_393 = arith.constant 23 : i32
    %swap3A_394 = arith.index_cast %swap3A_393 : i32 to index
    %swap3A_395 = arith.constant 32 : index
    %swap3A_396 = tpu.vector_load %arg7[%swap3A_394, %swap3A_395] {strides = array<i32>} : memref<64x64xf32, #tpu.memory_space<vmem>>, vector<16xf32>,
    tpu.vector_store %arg7[%swap3A_394, %swap3A_395], %broadcast_in_dim3A_3 {strides = array<i32>} : memref<64x64xf32, #tpu.memory_space<vmem>>, vector<16xf32>,
    %swap3A_397 = arith.constant 23 : i32
    %swap3A_398 = arith.index_cast %swap3A_397 : i32 to index
    %swap3A_399 = arith.constant 48 : index
    %swap3A_400 = tpu.vector_load %arg7[%swap3A_398, %swap3A_399] {strides = array<i32>} : memref<64x64xf32, #tpu.memory_space<vmem>>, vector<16xf32>,
    tpu.vector_store %arg7[%swap3A_398, %swap3A_399], %broadcast_in_dim3A_3 {strides = array<i32>} : memref<64x64xf32, #tpu.memory_space<vmem>>, vector<16xf32>,
    %swap3A_401 = arith.constant 24 : i32
    %swap3A_402 = arith.index_cast %swap3A_401 : i32 to index
    %swap3A_403 = arith.constant 0 : index
    %swap3A_404 = tpu.vector_load %arg7[%swap3A_402, %swap3A_403] {strides = array<i32>} : memref<64x64xf32, #tpu.memory_space<vmem>>, vector<16xf32>,
    tpu.vector_store %arg7[%swap3A_402, %swap3A_403], %broadcast_in_dim3A_3 {strides = array<i32>} : memref<64x64xf32, #tpu.memory_space<vmem>>, vector<16xf32>,
    %swap3A_405 = arith.constant 24 : i32
    %swap3A_406 = arith.index_cast %swap3A_405 : i32 to index
    %swap3A_407 = arith.constant 16 : index
    %swap3A_408 = tpu.vector_load %arg7[%swap3A_406, %swap3A_407] {strides = array<i32>} : memref<64x64xf32, #tpu.memory_space<vmem>>, vector<16xf32>,
    tpu.vector_store %arg7[%swap3A_406, %swap3A_407], %broadcast_in_dim3A_3 {strides = array<i32>} : memref<64x64xf32, #tpu.memory_space<vmem>>, vector<16xf32>,
    %swap3A_409 = arith.constant 24 : i32
    %swap3A_410 = arith.index_cast %swap3A_409 : i32 to index
    %swap3A_411 = arith.constant 32 : index
    %swap3A_412 = tpu.vector_load %arg7[%swap3A_410, %swap3A_411] {strides = array<i32>} : memref<64x64xf32, #tpu.memory_space<vmem>>, vector<16xf32>,
    tpu.vector_store %arg7[%swap3A_410, %swap3A_411], %broadcast_in_dim3A_3 {strides = array<i32>} : memref<64x64xf32, #tpu.memory_space<vmem>>, vector<16xf32>,
    %swap3A_413 = arith.constant 24 : i32
    %swap3A_414 = arith.index_cast %swap3A_413 : i32 to index
    %swap3A_415 = arith.constant 48 : index
    %swap3A_416 = tpu.vector_load %arg7[%swap3A_414, %swap3A_415] {strides = array<i32>} : memref<64x64xf32, #tpu.memory_space<vmem>>, vector<16xf32>,
    tpu.vector_store %arg7[%swap3A_414, %swap3A_415], %broadcast_in_dim3A_3 {strides = array<i32>} : memref<64x64xf32, #tpu.memory_space<vmem>>, vector<16xf32>,
    %swap3A_417 = arith.constant 25 : i32
    %swap3A_418 = arith.index_cast %swap3A_417 : i32 to index
    %swap3A_419 = arith.constant 0 : index
    %swap3A_420 = tpu.vector_load %arg7[%swap3A_418, %swap3A_419] {strides = array<i32>} : memref<64x64xf32, #tpu.memory_space<vmem>>, vector<16xf32>,
    tpu.vector_store %arg7[%swap3A_418, %swap3A_419], %broadcast_in_dim3A_3 {strides = array<i32>} : memref<64x64xf32, #tpu.memory_space<vmem>>, vector<16xf32>,
    %swap3A_421 = arith.constant 25 : i32
    %swap3A_422 = arith.index_cast %swap3A_421 : i32 to index
    %swap3A_423 = arith.constant 16 : index
    %swap3A_424 = tpu.vector_load %arg7[%swap3A_422, %swap3A_423] {strides = array<i32>} : memref<64x64xf32, #tpu.memory_space<vmem>>, vector<16xf32>,
    tpu.vector_store %arg7[%swap3A_422, %swap3A_423], %broadcast_in_dim3A_3 {strides = array<i32>} : memref<64x64xf32, #tpu.memory_space<vmem>>, vector<16xf32>,
    %swap3A_425 = arith.constant 25 : i32
    %swap3A_426 = arith.index_cast %swap3A_425 : i32 to index
    %swap3A_427 = arith.constant 32 : index
    %swap3A_428 = tpu.vector_load %arg7[%swap3A_426, %swap3A_427] {strides = array<i32>} : memref<64x64xf32, #tpu.memory_space<vmem>>, vector<16xf32>,
    tpu.vector_store %arg7[%swap3A_426, %swap3A_427], %broadcast_in_dim3A_3 {strides = array<i32>} : memref<64x64xf32, #tpu.memory_space<vmem>>, vector<16xf32>,
    %swap3A_429 = arith.constant 25 : i32
    %swap3A_430 = arith.index_cast %swap3A_429 : i32 to index
    %swap3A_431 = arith.constant 48 : index
    %swap3A_432 = tpu.vector_load %arg7[%swap3A_430, %swap3A_431] {strides = array<i32>} : memref<64x64xf32, #tpu.memory_space<vmem>>, vector<16xf32>,
    tpu.vector_store %arg7[%swap3A_430, %swap3A_431], %broadcast_in_dim3A_3 {strides = array<i32>} : memref<64x64xf32, #tpu.memory_space<vmem>>, vector<16xf32>,
    %swap3A_433 = arith.constant 26 : i32
    %swap3A_434 = arith.index_cast %swap3A_433 : i32 to index
    %swap3A_435 = arith.constant 0 : index
    %swap3A_436 = tpu.vector_load %arg7[%swap3A_434, %swap3A_435] {strides = array<i32>} : memref<64x64xf32, #tpu.memory_space<vmem>>, vector<16xf32>,
    tpu.vector_store %arg7[%swap3A_434, %swap3A_435], %broadcast_in_dim3A_3 {strides = array<i32>} : memref<64x64xf32, #tpu.memory_space<vmem>>, vector<16xf32>,
    %swap3A_437 = arith.constant 26 : i32
    %swap3A_438 = arith.index_cast %swap3A_437 : i32 to index
    %swap3A_439 = arith.constant 16 : index
    %swap3A_440 = tpu.vector_load %arg7[%swap3A_438, %swap3A_439] {strides = array<i32>} : memref<64x64xf32, #tpu.memory_space<vmem>>, vector<16xf32>,
    tpu.vector_store %arg7[%swap3A_438, %swap3A_439], %broadcast_in_dim3A_3 {strides = array<i32>} : memref<64x64xf32, #tpu.memory_space<vmem>>, vector<16xf32>,
    %swap3A_441 = arith.constant 26 : i32
    %swap3A_442 = arith.index_cast %swap3A_441 : i32 to index
    %swap3A_443 = arith.constant 32 : index
    %swap3A_444 = tpu.vector_load %arg7[%swap3A_442, %swap3A_443] {strides = array<i32>} : memref<64x64xf32, #tpu.memory_space<vmem>>, vector<16xf32>,
    tpu.vector_store %arg7[%swap3A_442, %swap3A_443], %broadcast_in_dim3A_3 {strides = array<i32>} : memref<64x64xf32, #tpu.memory_space<vmem>>, vector<16xf32>,
    %swap3A_445 = arith.constant 26 : i32
    %swap3A_446 = arith.index_cast %swap3A_445 : i32 to index
    %swap3A_447 = arith.constant 48 : index
    %swap3A_448 = tpu.vector_load %arg7[%swap3A_446, %swap3A_447] {strides = array<i32>} : memref<64x64xf32, #tpu.memory_space<vmem>>, vector<16xf32>,
    tpu.vector_store %arg7[%swap3A_446, %swap3A_447], %broadcast_in_dim3A_3 {strides = array<i32>} : memref<64x64xf32, #tpu.memory_space<vmem>>, vector<16xf32>,
    %swap3A_449 = arith.constant 27 : i32
    %swap3A_450 = arith.index_cast %swap3A_449 : i32 to index
    %swap3A_451 = arith.constant 0 : index
    %swap3A_452 = tpu.vector_load %arg7[%swap3A_450, %swap3A_451] {strides = array<i32>} : memref<64x64xf32, #tpu.memory_space<vmem>>, vector<16xf32>,
    tpu.vector_store %arg7[%swap3A_450, %swap3A_451], %broadcast_in_dim3A_3 {strides = array<i32>} : memref<64x64xf32, #tpu.memory_space<vmem>>, vector<16xf32>,
    %swap3A_453 = arith.constant 27 : i32
    %swap3A_454 = arith.index_cast %swap3A_453 : i32 to index
    %swap3A_455 = arith.constant 16 : index
    %swap3A_456 = tpu.vector_load %arg7[%swap3A_454, %swap3A_455] {strides = array<i32>} : memref<64x64xf32, #tpu.memory_space<vmem>>, vector<16xf32>,
    tpu.vector_store %arg7[%swap3A_454, %swap3A_455], %broadcast_in_dim3A_3 {strides = array<i32>} : memref<64x64xf32, #tpu.memory_space<vmem>>, vector<16xf32>,
    %swap3A_457 = arith.constant 27 : i32
    %swap3A_458 = arith.index_cast %swap3A_457 : i32 to index
    %swap3A_459 = arith.constant 32 : index
    %swap3A_460 = tpu.vector_load %arg7[%swap3A_458, %swap3A_459] {strides = array<i32>} : memref<64x64xf32, #tpu.memory_space<vmem>>, vector<16xf32>,
    tpu.vector_store %arg7[%swap3A_458, %swap3A_459], %broadcast_in_dim3A_3 {strides = array<i32>} : memref<64x64xf32, #tpu.memory_space<vmem>>, vector<16xf32>,
    %swap3A_461 = arith.constant 27 : i32
    %swap3A_462 = arith.index_cast %swap3A_461 : i32 to index
    %swap3A_463 = arith.constant 48 : index
    %swap3A_464 = tpu.vector_load %arg7[%swap3A_462, %swap3A_463] {strides = array<i32>} : memref<64x64xf32, #tpu.memory_space<vmem>>, vector<16xf32>,
    tpu.vector_store %arg7[%swap3A_462, %swap3A_463], %broadcast_in_dim3A_3 {strides = array<i32>} : memref<64x64xf32, #tpu.memory_space<vmem>>, vector<16xf32>,
    %swap3A_465 = arith.constant 28 : i32
    %swap3A_466 = arith.index_cast %swap3A_465 : i32 to index
    %swap3A_467 = arith.constant 0 : index
    %swap3A_468 = tpu.vector_load %arg7[%swap3A_466, %swap3A_467] {strides = array<i32>} : memref<64x64xf32, #tpu.memory_space<vmem>>, vector<16xf32>,
    tpu.vector_store %arg7[%swap3A_466, %swap3A_467], %broadcast_in_dim3A_3 {strides = array<i32>} : memref<64x64xf32, #tpu.memory_space<vmem>>, vector<16xf32>,
    %swap3A_469 = arith.constant 28 : i32
    %swap3A_470 = arith.index_cast %swap3A_469 : i32 to index
    %swap3A_471 = arith.constant 16 : index
    %swap3A_472 = tpu.vector_load %arg7[%swap3A_470, %swap3A_471] {strides = array<i32>} : memref<64x64xf32, #tpu.memory_space<vmem>>, vector<16xf32>,
    tpu.vector_store %arg7[%swap3A_470, %swap3A_471], %broadcast_in_dim3A_3 {strides = array<i32>} : memref<64x64xf32, #tpu.memory_space<vmem>>, vector<16xf32>,
    %swap3A_473 = arith.constant 28 : i32
    %swap3A_474 = arith.index_cast %swap3A_473 : i32 to index
    %swap3A_475 = arith.constant 32 : index
    %swap3A_476 = tpu.vector_load %arg7[%swap3A_474, %swap3A_475] {strides = array<i32>} : memref<64x64xf32, #tpu.memory_space<vmem>>, vector<16xf32>,
    tpu.vector_store %arg7[%swap3A_474, %swap3A_475], %broadcast_in_dim3A_3 {strides = array<i32>} : memref<64x64xf32, #tpu.memory_space<vmem>>, vector<16xf32>,
    %swap3A_477 = arith.constant 28 : i32
    %swap3A_478 = arith.index_cast %swap3A_477 : i32 to index
    %swap3A_479 = arith.constant 48 : index
    %swap3A_480 = tpu.vector_load %arg7[%swap3A_478, %swap3A_479] {strides = array<i32>} : memref<64x64xf32, #tpu.memory_space<vmem>>, vector<16xf32>,
    tpu.vector_store %arg7[%swap3A_478, %swap3A_479], %broadcast_in_dim3A_3 {strides = array<i32>} : memref<64x64xf32, #tpu.memory_space<vmem>>, vector<16xf32>,
    %swap3A_481 = arith.constant 29 : i32
    %swap3A_482 = arith.index_cast %swap3A_481 : i32 to index
    %swap3A_483 = arith.constant 0 : index
    %swap3A_484 = tpu.vector_load %arg7[%swap3A_482, %swap3A_483] {strides = array<i32>} : memref<64x64xf32, #tpu.memory_space<vmem>>, vector<16xf32>,
    tpu.vector_store %arg7[%swap3A_482, %swap3A_483], %broadcast_in_dim3A_3 {strides = array<i32>} : memref<64x64xf32, #tpu.memory_space<vmem>>, vector<16xf32>,
    %swap3A_485 = arith.constant 29 : i32
    %swap3A_486 = arith.index_cast %swap3A_485 : i32 to index
    %swap3A_487 = arith.constant 16 : index
    %swap3A_488 = tpu.vector_load %arg7[%swap3A_486, %swap3A_487] {strides = array<i32>} : memref<64x64xf32, #tpu.memory_space<vmem>>, vector<16xf32>,
    tpu.vector_store %arg7[%swap3A_486, %swap3A_487], %broadcast_in_dim3A_3 {strides = array<i32>} : memref<64x64xf32, #tpu.memory_space<vmem>>, vector<16xf32>,
    %swap3A_489 = arith.constant 29 : i32
    %swap3A_490 = arith.index_cast %swap3A_489 : i32 to index
    %swap3A_491 = arith.constant 32 : index
    %swap3A_492 = tpu.vector_load %arg7[%swap3A_490, %swap3A_491] {strides = array<i32>} : memref<64x64xf32, #tpu.memory_space<vmem>>, vector<16xf32>,
    tpu.vector_store %arg7[%swap3A_490, %swap3A_491], %broadcast_in_dim3A_3 {strides = array<i32>} : memref<64x64xf32, #tpu.memory_space<vmem>>, vector<16xf32>,
    %swap3A_493 = arith.constant 29 : i32
    %swap3A_494 = arith.index_cast %swap3A_493 : i32 to index
    %swap3A_495 = arith.constant 48 : index
    %swap3A_496 = tpu.vector_load %arg7[%swap3A_494, %swap3A_495] {strides = array<i32>} : memref<64x64xf32, #tpu.memory_space<vmem>>, vector<16xf32>,
    tpu.vector_store %arg7[%swap3A_494, %swap3A_495], %broadcast_in_dim3A_3 {strides = array<i32>} : memref<64x64xf32, #tpu.memory_space<vmem>>, vector<16xf32>,
    %swap3A_497 = arith.constant 30 : i32
    %swap3A_498 = arith.index_cast %swap3A_497 : i32 to index
    %swap3A_499 = arith.constant 0 : index
    %swap3A_500 = tpu.vector_load %arg7[%swap3A_498, %swap3A_499] {strides = array<i32>} : memref<64x64xf32, #tpu.memory_space<vmem>>, vector<16xf32>,
    tpu.vector_store %arg7[%swap3A_498, %swap3A_499], %broadcast_in_dim3A_3 {strides = array<i32>} : memref<64x64xf32, #tpu.memory_space<vmem>>, vector<16xf32>,
    %swap3A_501 = arith.constant 30 : i32
    %swap3A_502 = arith.index_cast %swap3A_501 : i32 to index
    %swap3A_503 = arith.constant 16 : index
    %swap3A_504 = tpu.vector_load %arg7[%swap3A_502, %swap3A_503] {strides = array<i32>} : memref<64x64xf32, #tpu.memory_space<vmem>>, vector<16xf32>,
    tpu.vector_store %arg7[%swap3A_502, %swap3A_503], %broadcast_in_dim3A_3 {strides = array<i32>} : memref<64x64xf32, #tpu.memory_space<vmem>>, vector<16xf32>,
    %swap3A_505 = arith.constant 30 : i32
    %swap3A_506 = arith.index_cast %swap3A_505 : i32 to index
    %swap3A_507 = arith.constant 32 : index
    %swap3A_508 = tpu.vector_load %arg7[%swap3A_506, %swap3A_507] {strides = array<i32>} : memref<64x64xf32, #tpu.memory_space<vmem>>, vector<16xf32>,
    tpu.vector_store %arg7[%swap3A_506, %swap3A_507], %broadcast_in_dim3A_3 {strides = array<i32>} : memref<64x64xf32, #tpu.memory_space<vmem>>, vector<16xf32>,
    %swap3A_509 = arith.constant 30 : i32
    %swap3A_510 = arith.index_cast %swap3A_509 : i32 to index
    %swap3A_511 = arith.constant 48 : index
    %swap3A_512 = tpu.vector_load %arg7[%swap3A_510, %swap3A_511] {strides = array<i32>} : memref<64x64xf32, #tpu.memory_space<vmem>>, vector<16xf32>,
    tpu.vector_store %arg7[%swap3A_510, %swap3A_511], %broadcast_in_dim3A_3 {strides = array<i32>} : memref<64x64xf32, #tpu.memory_space<vmem>>, vector<16xf32>,
    %swap3A_513 = arith.constant 31 : i32
    %swap3A_514 = arith.index_cast %swap3A_513 : i32 to index
    %swap3A_515 = arith.constant 0 : index
    %swap3A_516 = tpu.vector_load %arg7[%swap3A_514, %swap3A_515] {strides = array<i32>} : memref<64x64xf32, #tpu.memory_space<vmem>>, vector<16xf32>,
    tpu.vector_store %arg7[%swap3A_514, %swap3A_515], %broadcast_in_dim3A_3 {strides = array<i32>} : memref<64x64xf32, #tpu.memory_space<vmem>>, vector<16xf32>,
    %swap3A_517 = arith.constant 31 : i32
    %swap3A_518 = arith.index_cast %swap3A_517 : i32 to index
    %swap3A_519 = arith.constant 16 : index
    %swap3A_520 = tpu.vector_load %arg7[%swap3A_518, %swap3A_519] {strides = array<i32>} : memref<64x64xf32, #tpu.memory_space<vmem>>, vector<16xf32>,
    tpu.vector_store %arg7[%swap3A_518, %swap3A_519], %broadcast_in_dim3A_3 {strides = array<i32>} : memref<64x64xf32, #tpu.memory_space<vmem>>, vector<16xf32>,
    %swap3A_521 = arith.constant 31 : i32
    %swap3A_522 = arith.index_cast %swap3A_521 : i32 to index
    %swap3A_523 = arith.constant 32 : index
    %swap3A_524 = tpu.vector_load %arg7[%swap3A_522, %swap3A_523] {strides = array<i32>} : memref<64x64xf32, #tpu.memory_space<vmem>>, vector<16xf32>,
    tpu.vector_store %arg7[%swap3A_522, %swap3A_523], %broadcast_in_dim3A_3 {strides = array<i32>} : memref<64x64xf32, #tpu.memory_space<vmem>>, vector<16xf32>,
    %swap3A_525 = arith.constant 31 : i32
    %swap3A_526 = arith.index_cast %swap3A_525 : i32 to index
    %swap3A_527 = arith.constant 48 : index
    %swap3A_528 = tpu.vector_load %arg7[%swap3A_526, %swap3A_527] {strides = array<i32>} : memref<64x64xf32, #tpu.memory_space<vmem>>, vector<16xf32>,
    tpu.vector_store %arg7[%swap3A_526, %swap3A_527], %broadcast_in_dim3A_3 {strides = array<i32>} : memref<64x64xf32, #tpu.memory_space<vmem>>, vector<16xf32>,
    %swap3A_529 = arith.constant 32 : i32
    %swap3A_530 = arith.index_cast %swap3A_529 : i32 to index
    %swap3A_531 = arith.constant 0 : index
    %swap3A_532 = tpu.vector_load %arg7[%swap3A_530, %swap3A_531] {strides = array<i32>} : memref<64x64xf32, #tpu.memory_space<vmem>>, vector<16xf32>,
    tpu.vector_store %arg7[%swap3A_530, %swap3A_531], %broadcast_in_dim3A_3 {strides = array<i32>} : memref<64x64xf32, #tpu.memory_space<vmem>>, vector<16xf32>,
    %swap3A_533 = arith.constant 32 : i32
    %swap3A_534 = arith.index_cast %swap3A_533 : i32 to index
    %swap3A_535 = arith.constant 16 : index
    %swap3A_536 = tpu.vector_load %arg7[%swap3A_534, %swap3A_535] {strides = array<i32>} : memref<64x64xf32, #tpu.memory_space<vmem>>, vector<16xf32>,
    tpu.vector_store %arg7[%swap3A_534, %swap3A_535], %broadcast_in_dim3A_3 {strides = array<i32>} : memref<64x64xf32, #tpu.memory_space<vmem>>, vector<16xf32>,
    %swap3A_537 = arith.constant 32 : i32
    %swap3A_538 = arith.index_cast %swap3A_537 : i32 to index
    %swap3A_539 = arith.constant 32 : index
    %swap3A_540 = tpu.vector_load %arg7[%swap3A_538, %swap3A_539] {strides = array<i32>} : memref<64x64xf32, #tpu.memory_space<vmem>>, vector<16xf32>,
    tpu.vector_store %arg7[%swap3A_538, %swap3A_539], %broadcast_in_dim3A_3 {strides = array<i32>} : memref<64x64xf32, #tpu.memory_space<vmem>>, vector<16xf32>,
    %swap3A_541 = arith.constant 32 : i32
    %swap3A_542 = arith.index_cast %swap3A_541 : i32 to index
    %swap3A_543 = arith.constant 48 : index
    %swap3A_544 = tpu.vector_load %arg7[%swap3A_542, %swap3A_543] {strides = array<i32>} : memref<64x64xf32, #tpu.memory_space<vmem>>, vector<16xf32>,
    tpu.vector_store %arg7[%swap3A_542, %swap3A_543], %broadcast_in_dim3A_3 {strides = array<i32>} : memref<64x64xf32, #tpu.memory_space<vmem>>, vector<16xf32>,
    %swap3A_545 = arith.constant 33 : i32
    %swap3A_546 = arith.index_cast %swap3A_545 : i32 to index
    %swap3A_547 = arith.constant 0 : index
    %swap3A_548 = tpu.vector_load %arg7[%swap3A_546, %swap3A_547] {strides = array<i32>} : memref<64x64xf32, #tpu.memory_space<vmem>>, vector<16xf32>,
    tpu.vector_store %arg7[%swap3A_546, %swap3A_547], %broadcast_in_dim3A_3 {strides = array<i32>} : memref<64x64xf32, #tpu.memory_space<vmem>>, vector<16xf32>,
    %swap3A_549 = arith.constant 33 : i32
    %swap3A_550 = arith.index_cast %swap3A_549 : i32 to index
    %swap3A_551 = arith.constant 16 : index
    %swap3A_552 = tpu.vector_load %arg7[%swap3A_550, %swap3A_551] {strides = array<i32>} : memref<64x64xf32, #tpu.memory_space<vmem>>, vector<16xf32>,
    tpu.vector_store %arg7[%swap3A_550, %swap3A_551], %broadcast_in_dim3A_3 {strides = array<i32>} : memref<64x64xf32, #tpu.memory_space<vmem>>, vector<16xf32>,
    %swap3A_553 = arith.constant 33 : i32
    %swap3A_554 = arith.index_cast %swap3A_553 : i32 to index
    %swap3A_555 = arith.constant 32 : index
    %swap3A_556 = tpu.vector_load %arg7[%swap3A_554, %swap3A_555] {strides = array<i32>} : memref<64x64xf32, #tpu.memory_space<vmem>>, vector<16xf32>,
    tpu.vector_store %arg7[%swap3A_554, %swap3A_555], %broadcast_in_dim3A_3 {strides = array<i32>} : memref<64x64xf32, #tpu.memory_space<vmem>>, vector<16xf32>,
    %swap3A_557 = arith.constant 33 : i32
    %swap3A_558 = arith.index_cast %swap3A_557 : i32 to index
    %swap3A_559 = arith.constant 48 : index
    %swap3A_560 = tpu.vector_load %arg7[%swap3A_558, %swap3A_559] {strides = array<i32>} : memref<64x64xf32, #tpu.memory_space<vmem>>, vector<16xf32>,
    tpu.vector_store %arg7[%swap3A_558, %swap3A_559], %broadcast_in_dim3A_3 {strides = array<i32>} : memref<64x64xf32, #tpu.memory_space<vmem>>, vector<16xf32>,
    %swap3A_561 = arith.constant 34 : i32
    %swap3A_562 = arith.index_cast %swap3A_561 : i32 to index
    %swap3A_563 = arith.constant 0 : index
    %swap3A_564 = tpu.vector_load %arg7[%swap3A_562, %swap3A_563] {strides = array<i32>} : memref<64x64xf32, #tpu.memory_space<vmem>>, vector<16xf32>,
    tpu.vector_store %arg7[%swap3A_562, %swap3A_563], %broadcast_in_dim3A_3 {strides = array<i32>} : memref<64x64xf32, #tpu.memory_space<vmem>>, vector<16xf32>,
    %swap3A_565 = arith.constant 34 : i32
    %swap3A_566 = arith.index_cast %swap3A_565 : i32 to index
    %swap3A_567 = arith.constant 16 : index
    %swap3A_568 = tpu.vector_load %arg7[%swap3A_566, %swap3A_567] {strides = array<i32>} : memref<64x64xf32, #tpu.memory_space<vmem>>, vector<16xf32>,
    tpu.vector_store %arg7[%swap3A_566, %swap3A_567], %broadcast_in_dim3A_3 {strides = array<i32>} : memref<64x64xf32, #tpu.memory_space<vmem>>, vector<16xf32>,
    %swap3A_569 = arith.constant 34 : i32
    %swap3A_570 = arith.index_cast %swap3A_569 : i32 to index
    %swap3A_571 = arith.constant 32 : index
    %swap3A_572 = tpu.vector_load %arg7[%swap3A_570, %swap3A_571] {strides = array<i32>} : memref<64x64xf32, #tpu.memory_space<vmem>>, vector<16xf32>,
    tpu.vector_store %arg7[%swap3A_570, %swap3A_571], %broadcast_in_dim3A_3 {strides = array<i32>} : memref<64x64xf32, #tpu.memory_space<vmem>>, vector<16xf32>,
    %swap3A_573 = arith.constant 34 : i32
    %swap3A_574 = arith.index_cast %swap3A_573 : i32 to index
    %swap3A_575 = arith.constant 48 : index
    %swap3A_576 = tpu.vector_load %arg7[%swap3A_574, %swap3A_575] {strides = array<i32>} : memref<64x64xf32, #tpu.memory_space<vmem>>, vector<16xf32>,
    tpu.vector_store %arg7[%swap3A_574, %swap3A_575], %broadcast_in_dim3A_3 {strides = array<i32>} : memref<64x64xf32, #tpu.memory_space<vmem>>, vector<16xf32>,
    %swap3A_577 = arith.constant 35 : i32
    %swap3A_578 = arith.index_cast %swap3A_577 : i32 to index
    %swap3A_579 = arith.constant 0 : index
    %swap3A_580 = tpu.vector_load %arg7[%swap3A_578, %swap3A_579] {strides = array<i32>} : memref<64x64xf32, #tpu.memory_space<vmem>>, vector<16xf32>,
    tpu.vector_store %arg7[%swap3A_578, %swap3A_579], %broadcast_in_dim3A_3 {strides = array<i32>} : memref<64x64xf32, #tpu.memory_space<vmem>>, vector<16xf32>,
    %swap3A_581 = arith.constant 35 : i32
    %swap3A_582 = arith.index_cast %swap3A_581 : i32 to index
    %swap3A_583 = arith.constant 16 : index
    %swap3A_584 = tpu.vector_load %arg7[%swap3A_582, %swap3A_583] {strides = array<i32>} : memref<64x64xf32, #tpu.memory_space<vmem>>, vector<16xf32>,
    tpu.vector_store %arg7[%swap3A_582, %swap3A_583], %broadcast_in_dim3A_3 {strides = array<i32>} : memref<64x64xf32, #tpu.memory_space<vmem>>, vector<16xf32>,
    %swap3A_585 = arith.constant 35 : i32
    %swap3A_586 = arith.index_cast %swap3A_585 : i32 to index
    %swap3A_587 = arith.constant 32 : index
    %swap3A_588 = tpu.vector_load %arg7[%swap3A_586, %swap3A_587] {strides = array<i32>} : memref<64x64xf32, #tpu.memory_space<vmem>>, vector<16xf32>,
    tpu.vector_store %arg7[%swap3A_586, %swap3A_587], %broadcast_in_dim3A_3 {strides = array<i32>} : memref<64x64xf32, #tpu.memory_space<vmem>>, vector<16xf32>,
    %swap3A_589 = arith.constant 35 : i32
    %swap3A_590 = arith.index_cast %swap3A_589 : i32 to index
    %swap3A_591 = arith.constant 48 : index
    %swap3A_592 = tpu.vector_load %arg7[%swap3A_590, %swap3A_591] {strides = array<i32>} : memref<64x64xf32, #tpu.memory_space<vmem>>, vector<16xf32>,
    tpu.vector_store %arg7[%swap3A_590, %swap3A_591], %broadcast_in_dim3A_3 {strides = array<i32>} : memref<64x64xf32, #tpu.memory_space<vmem>>, vector<16xf32>,
    %swap3A_593 = arith.constant 36 : i32
    %swap3A_594 = arith.index_cast %swap3A_593 : i32 to index
    %swap3A_595 = arith.constant 0 : index
    %swap3A_596 = tpu.vector_load %arg7[%swap3A_594, %swap3A_595] {strides = array<i32>} : memref<64x64xf32, #tpu.memory_space<vmem>>, vector<16xf32>,
    tpu.vector_store %arg7[%swap3A_594, %swap3A_595], %broadcast_in_dim3A_3 {strides = array<i32>} : memref<64x64xf32, #tpu.memory_space<vmem>>, vector<16xf32>,
    %swap3A_597 = arith.constant 36 : i32
    %swap3A_598 = arith.index_cast %swap3A_597 : i32 to index
    %swap3A_599 = arith.constant 16 : index
    %swap3A_600 = tpu.vector_load %arg7[%swap3A_598, %swap3A_599] {strides = array<i32>} : memref<64x64xf32, #tpu.memory_space<vmem>>, vector<16xf32>,
    tpu.vector_store %arg7[%swap3A_598, %swap3A_599], %broadcast_in_dim3A_3 {strides = array<i32>} : memref<64x64xf32, #tpu.memory_space<vmem>>, vector<16xf32>,
    %swap3A_601 = arith.constant 36 : i32
    %swap3A_602 = arith.index_cast %swap3A_601 : i32 to index
    %swap3A_603 = arith.constant 32 : index
    %swap3A_604 = tpu.vector_load %arg7[%swap3A_602, %swap3A_603] {strides = array<i32>} : memref<64x64xf32, #tpu.memory_space<vmem>>, vector<16xf32>,
    tpu.vector_store %arg7[%swap3A_602, %swap3A_603], %broadcast_in_dim3A_3 {strides = array<i32>} : memref<64x64xf32, #tpu.memory_space<vmem>>, vector<16xf32>,
    %swap3A_605 = arith.constant 36 : i32
    %swap3A_606 = arith.index_cast %swap3A_605 : i32 to index
    %swap3A_607 = arith.constant 48 : index
    %swap3A_608 = tpu.vector_load %arg7[%swap3A_606, %swap3A_607] {strides = array<i32>} : memref<64x64xf32, #tpu.memory_space<vmem>>, vector<16xf32>,
    tpu.vector_store %arg7[%swap3A_606, %swap3A_607], %broadcast_in_dim3A_3 {strides = array<i32>} : memref<64x64xf32, #tpu.memory_space<vmem>>, vector<16xf32>,
    %swap3A_609 = arith.constant 37 : i32
    %swap3A_610 = arith.index_cast %swap3A_609 : i32 to index
    %swap3A_611 = arith.constant 0 : index
    %swap3A_612 = tpu.vector_load %arg7[%swap3A_610, %swap3A_611] {strides = array<i32>} : memref<64x64xf32, #tpu.memory_space<vmem>>, vector<16xf32>,
    tpu.vector_store %arg7[%swap3A_610, %swap3A_611], %broadcast_in_dim3A_3 {strides = array<i32>} : memref<64x64xf32, #tpu.memory_space<vmem>>, vector<16xf32>,
    %swap3A_613 = arith.constant 37 : i32
    %swap3A_614 = arith.index_cast %swap3A_613 : i32 to index
    %swap3A_615 = arith.constant 16 : index
    %swap3A_616 = tpu.vector_load %arg7[%swap3A_614, %swap3A_615] {strides = array<i32>} : memref<64x64xf32, #tpu.memory_space<vmem>>, vector<16xf32>,
    tpu.vector_store %arg7[%swap3A_614, %swap3A_615], %broadcast_in_dim3A_3 {strides = array<i32>} : memref<64x64xf32, #tpu.memory_space<vmem>>, vector<16xf32>,
    %swap3A_617 = arith.constant 37 : i32
    %swap3A_618 = arith.index_cast %swap3A_617 : i32 to index
    %swap3A_619 = arith.constant 32 : index
    %swap3A_620 = tpu.vector_load %arg7[%swap3A_618, %swap3A_619] {strides = array<i32>} : memref<64x64xf32, #tpu.memory_space<vmem>>, vector<16xf32>,
    tpu.vector_store %arg7[%swap3A_618, %swap3A_619], %broadcast_in_dim3A_3 {strides = array<i32>} : memref<64x64xf32, #tpu.memory_space<vmem>>, vector<16xf32>,
    %swap3A_621 = arith.constant 37 : i32
    %swap3A_622 = arith.index_cast %swap3A_621 : i32 to index
    %swap3A_623 = arith.constant 48 : index
    %swap3A_624 = tpu.vector_load %arg7[%swap3A_622, %swap3A_623] {strides = array<i32>} : memref<64x64xf32, #tpu.memory_space<vmem>>, vector<16xf32>,
    tpu.vector_store %arg7[%swap3A_622, %swap3A_623], %broadcast_in_dim3A_3 {strides = array<i32>} : memref<64x64xf32, #tpu.memory_space<vmem>>, vector<16xf32>,
    %swap3A_625 = arith.constant 38 : i32
    %swap3A_626 = arith.index_cast %swap3A_625 : i32 to index
    %swap3A_627 = arith.constant 0 : index
    %swap3A_628 = tpu.vector_load %arg7[%swap3A_626, %swap3A_627] {strides = array<i32>} : memref<64x64xf32, #tpu.memory_space<vmem>>, vector<16xf32>,
    tpu.vector_store %arg7[%swap3A_626, %swap3A_627], %broadcast_in_dim3A_3 {strides = array<i32>} : memref<64x64xf32, #tpu.memory_space<vmem>>, vector<16xf32>,
    %swap3A_629 = arith.constant 38 : i32
    %swap3A_630 = arith.index_cast %swap3A_629 : i32 to index
    %swap3A_631 = arith.constant 16 : index
    %swap3A_632 = tpu.vector_load %arg7[%swap3A_630, %swap3A_631] {strides = array<i32>} : memref<64x64xf32, #tpu.memory_space<vmem>>, vector<16xf32>,
    tpu.vector_store %arg7[%swap3A_630, %swap3A_631], %broadcast_in_dim3A_3 {strides = array<i32>} : memref<64x64xf32, #tpu.memory_space<vmem>>, vector<16xf32>,
    %swap3A_633 = arith.constant 38 : i32
    %swap3A_634 = arith.index_cast %swap3A_633 : i32 to index
    %swap3A_635 = arith.constant 32 : index
    %swap3A_636 = tpu.vector_load %arg7[%swap3A_634, %swap3A_635] {strides = array<i32>} : memref<64x64xf32, #tpu.memory_space<vmem>>, vector<16xf32>,
    tpu.vector_store %arg7[%swap3A_634, %swap3A_635], %broadcast_in_dim3A_3 {strides = array<i32>} : memref<64x64xf32, #tpu.memory_space<vmem>>, vector<16xf32>,
    %swap3A_637 = arith.constant 38 : i32
    %swap3A_638 = arith.index_cast %swap3A_637 : i32 to index
    %swap3A_639 = arith.constant 48 : index
    %swap3A_640 = tpu.vector_load %arg7[%swap3A_638, %swap3A_639] {strides = array<i32>} : memref<64x64xf32, #tpu.memory_space<vmem>>, vector<16xf32>,
    tpu.vector_store %arg7[%swap3A_638, %swap3A_639], %broadcast_in_dim3A_3 {strides = array<i32>} : memref<64x64xf32, #tpu.memory_space<vmem>>, vector<16xf32>,
    %swap3A_641 = arith.constant 39 : i32
    %swap3A_642 = arith.index_cast %swap3A_641 : i32 to index
    %swap3A_643 = arith.constant 0 : index
    %swap3A_644 = tpu.vector_load %arg7[%swap3A_642, %swap3A_643] {strides = array<i32>} : memref<64x64xf32, #tpu.memory_space<vmem>>, vector<16xf32>,
    tpu.vector_store %arg7[%swap3A_642, %swap3A_643], %broadcast_in_dim3A_3 {strides = array<i32>} : memref<64x64xf32, #tpu.memory_space<vmem>>, vector<16xf32>,
    %swap3A_645 = arith.constant 39 : i32
    %swap3A_646 = arith.index_cast %swap3A_645 : i32 to index
    %swap3A_647 = arith.constant 16 : index
    %swap3A_648 = tpu.vector_load %arg7[%swap3A_646, %swap3A_647] {strides = array<i32>} : memref<64x64xf32, #tpu.memory_space<vmem>>, vector<16xf32>,
    tpu.vector_store %arg7[%swap3A_646, %swap3A_647], %broadcast_in_dim3A_3 {strides = array<i32>} : memref<64x64xf32, #tpu.memory_space<vmem>>, vector<16xf32>,
    %swap3A_649 = arith.constant 39 : i32
    %swap3A_650 = arith.index_cast %swap3A_649 : i32 to index
    %swap3A_651 = arith.constant 32 : index
    %swap3A_652 = tpu.vector_load %arg7[%swap3A_650, %swap3A_651] {strides = array<i32>} : memref<64x64xf32, #tpu.memory_space<vmem>>, vector<16xf32>,
    tpu.vector_store %arg7[%swap3A_650, %swap3A_651], %broadcast_in_dim3A_3 {strides = array<i32>} : memref<64x64xf32, #tpu.memory_space<vmem>>, vector<16xf32>,
    %swap3A_653 = arith.constant 39 : i32
    %swap3A_654 = arith.index_cast %swap3A_653 : i32 to index
    %swap3A_655 = arith.constant 48 : index
    %swap3A_656 = tpu.vector_load %arg7[%swap3A_654, %swap3A_655] {strides = array<i32>} : memref<64x64xf32, #tpu.memory_space<vmem>>, vector<16xf32>,
    tpu.vector_store %arg7[%swap3A_654, %swap3A_655], %broadcast_in_dim3A_3 {strides = array<i32>} : memref<64x64xf32, #tpu.memory_space<vmem>>, vector<16xf32>,
    %swap3A_657 = arith.constant 40 : i32
    %swap3A_658 = arith.index_cast %swap3A_657 : i32 to index
    %swap3A_659 = arith.constant 0 : index
    %swap3A_660 = tpu.vector_load %arg7[%swap3A_658, %swap3A_659] {strides = array<i32>} : memref<64x64xf32, #tpu.memory_space<vmem>>, vector<16xf32>,
    tpu.vector_store %arg7[%swap3A_658, %swap3A_659], %broadcast_in_dim3A_3 {strides = array<i32>} : memref<64x64xf32, #tpu.memory_space<vmem>>, vector<16xf32>,
    %swap3A_661 = arith.constant 40 : i32
    %swap3A_662 = arith.index_cast %swap3A_661 : i32 to index
    %swap3A_663 = arith.constant 16 : index
    %swap3A_664 = tpu.vector_load %arg7[%swap3A_662, %swap3A_663] {strides = array<i32>} : memref<64x64xf32, #tpu.memory_space<vmem>>, vector<16xf32>,
    tpu.vector_store %arg7[%swap3A_662, %swap3A_663], %broadcast_in_dim3A_3 {strides = array<i32>} : memref<64x64xf32, #tpu.memory_space<vmem>>, vector<16xf32>,
    %swap3A_665 = arith.constant 40 : i32
    %swap3A_666 = arith.index_cast %swap3A_665 : i32 to index
    %swap3A_667 = arith.constant 32 : index
    %swap3A_668 = tpu.vector_load %arg7[%swap3A_666, %swap3A_667] {strides = array<i32>} : memref<64x64xf32, #tpu.memory_space<vmem>>, vector<16xf32>,
    tpu.vector_store %arg7[%swap3A_666, %swap3A_667], %broadcast_in_dim3A_3 {strides = array<i32>} : memref<64x64xf32, #tpu.memory_space<vmem>>, vector<16xf32>,
    %swap3A_669 = arith.constant 40 : i32
    %swap3A_670 = arith.index_cast %swap3A_669 : i32 to index
    %swap3A_671 = arith.constant 48 : index
    %swap3A_672 = tpu.vector_load %arg7[%swap3A_670, %swap3A_671] {strides = array<i32>} : memref<64x64xf32, #tpu.memory_space<vmem>>, vector<16xf32>,
    tpu.vector_store %arg7[%swap3A_670, %swap3A_671], %broadcast_in_dim3A_3 {strides = array<i32>} : memref<64x64xf32, #tpu.memory_space<vmem>>, vector<16xf32>,
    %swap3A_673 = arith.constant 41 : i32
    %swap3A_674 = arith.index_cast %swap3A_673 : i32 to index
    %swap3A_675 = arith.constant 0 : index
    %swap3A_676 = tpu.vector_load %arg7[%swap3A_674, %swap3A_675] {strides = array<i32>} : memref<64x64xf32, #tpu.memory_space<vmem>>, vector<16xf32>,
    tpu.vector_store %arg7[%swap3A_674, %swap3A_675], %broadcast_in_dim3A_3 {strides = array<i32>} : memref<64x64xf32, #tpu.memory_space<vmem>>, vector<16xf32>,
    %swap3A_677 = arith.constant 41 : i32
    %swap3A_678 = arith.index_cast %swap3A_677 : i32 to index
    %swap3A_679 = arith.constant 16 : index
    %swap3A_680 = tpu.vector_load %arg7[%swap3A_678, %swap3A_679] {strides = array<i32>} : memref<64x64xf32, #tpu.memory_space<vmem>>, vector<16xf32>,
    tpu.vector_store %arg7[%swap3A_678, %swap3A_679], %broadcast_in_dim3A_3 {strides = array<i32>} : memref<64x64xf32, #tpu.memory_space<vmem>>, vector<16xf32>,
    %swap3A_681 = arith.constant 41 : i32
    %swap3A_682 = arith.index_cast %swap3A_681 : i32 to index
    %swap3A_683 = arith.constant 32 : index
    %swap3A_684 = tpu.vector_load %arg7[%swap3A_682, %swap3A_683] {strides = array<i32>} : memref<64x64xf32, #tpu.memory_space<vmem>>, vector<16xf32>,
    tpu.vector_store %arg7[%swap3A_682, %swap3A_683], %broadcast_in_dim3A_3 {strides = array<i32>} : memref<64x64xf32, #tpu.memory_space<vmem>>, vector<16xf32>,
    %swap3A_685 = arith.constant 41 : i32
    %swap3A_686 = arith.index_cast %swap3A_685 : i32 to index
    %swap3A_687 = arith.constant 48 : index
    %swap3A_688 = tpu.vector_load %arg7[%swap3A_686, %swap3A_687] {strides = array<i32>} : memref<64x64xf32, #tpu.memory_space<vmem>>, vector<16xf32>,
    tpu.vector_store %arg7[%swap3A_686, %swap3A_687], %broadcast_in_dim3A_3 {strides = array<i32>} : memref<64x64xf32, #tpu.memory_space<vmem>>, vector<16xf32>,
    %swap3A_689 = arith.constant 42 : i32
    %swap3A_690 = arith.index_cast %swap3A_689 : i32 to index
    %swap3A_691 = arith.constant 0 : index
    %swap3A_692 = tpu.vector_load %arg7[%swap3A_690, %swap3A_691] {strides = array<i32>} : memref<64x64xf32, #tpu.memory_space<vmem>>, vector<16xf32>,
    tpu.vector_store %arg7[%swap3A_690, %swap3A_691], %broadcast_in_dim3A_3 {strides = array<i32>} : memref<64x64xf32, #tpu.memory_space<vmem>>, vector<16xf32>,
    %swap3A_693 = arith.constant 42 : i32
    %swap3A_694 = arith.index_cast %swap3A_693 : i32 to index
    %swap3A_695 = arith.constant 16 : index
    %swap3A_696 = tpu.vector_load %arg7[%swap3A_694, %swap3A_695] {strides = array<i32>} : memref<64x64xf32, #tpu.memory_space<vmem>>, vector<16xf32>,
    tpu.vector_store %arg7[%swap3A_694, %swap3A_695], %broadcast_in_dim3A_3 {strides = array<i32>} : memref<64x64xf32, #tpu.memory_space<vmem>>, vector<16xf32>,
    %swap3A_697 = arith.constant 42 : i32
    %swap3A_698 = arith.index_cast %swap3A_697 : i32 to index
    %swap3A_699 = arith.constant 32 : index
    %swap3A_700 = tpu.vector_load %arg7[%swap3A_698, %swap3A_699] {strides = array<i32>} : memref<64x64xf32, #tpu.memory_space<vmem>>, vector<16xf32>,
    tpu.vector_store %arg7[%swap3A_698, %swap3A_699], %broadcast_in_dim3A_3 {strides = array<i32>} : memref<64x64xf32, #tpu.memory_space<vmem>>, vector<16xf32>,
    %swap3A_701 = arith.constant 42 : i32
    %swap3A_702 = arith.index_cast %swap3A_701 : i32 to index
    %swap3A_703 = arith.constant 48 : index
    %swap3A_704 = tpu.vector_load %arg7[%swap3A_702, %swap3A_703] {strides = array<i32>} : memref<64x64xf32, #tpu.memory_space<vmem>>, vector<16xf32>,
    tpu.vector_store %arg7[%swap3A_702, %swap3A_703], %broadcast_in_dim3A_3 {strides = array<i32>} : memref<64x64xf32, #tpu.memory_space<vmem>>, vector<16xf32>,
    %swap3A_705 = arith.constant 43 : i32
    %swap3A_706 = arith.index_cast %swap3A_705 : i32 to index
    %swap3A_707 = arith.constant 0 : index
    %swap3A_708 = tpu.vector_load %arg7[%swap3A_706, %swap3A_707] {strides = array<i32>} : memref<64x64xf32, #tpu.memory_space<vmem>>, vector<16xf32>,
    tpu.vector_store %arg7[%swap3A_706, %swap3A_707], %broadcast_in_dim3A_3 {strides = array<i32>} : memref<64x64xf32, #tpu.memory_space<vmem>>, vector<16xf32>,
    %swap3A_709 = arith.constant 43 : i32
    %swap3A_710 = arith.index_cast %swap3A_709 : i32 to index
    %swap3A_711 = arith.constant 16 : index
    %swap3A_712 = tpu.vector_load %arg7[%swap3A_710, %swap3A_711] {strides = array<i32>} : memref<64x64xf32, #tpu.memory_space<vmem>>, vector<16xf32>,
    tpu.vector_store %arg7[%swap3A_710, %swap3A_711], %broadcast_in_dim3A_3 {strides = array<i32>} : memref<64x64xf32, #tpu.memory_space<vmem>>, vector<16xf32>,
    %swap3A_713 = arith.constant 43 : i32
    %swap3A_714 = arith.index_cast %swap3A_713 : i32 to index
    %swap3A_715 = arith.constant 32 : index
    %swap3A_716 = tpu.vector_load %arg7[%swap3A_714, %swap3A_715] {strides = array<i32>} : memref<64x64xf32, #tpu.memory_space<vmem>>, vector<16xf32>,
    tpu.vector_store %arg7[%swap3A_714, %swap3A_715], %broadcast_in_dim3A_3 {strides = array<i32>} : memref<64x64xf32, #tpu.memory_space<vmem>>, vector<16xf32>,
    %swap3A_717 = arith.constant 43 : i32
    %swap3A_718 = arith.index_cast %swap3A_717 : i32 to index
    %swap3A_719 = arith.constant 48 : index
    %swap3A_720 = tpu.vector_load %arg7[%swap3A_718, %swap3A_719] {strides = array<i32>} : memref<64x64xf32, #tpu.memory_space<vmem>>, vector<16xf32>,
    tpu.vector_store %arg7[%swap3A_718, %swap3A_719], %broadcast_in_dim3A_3 {strides = array<i32>} : memref<64x64xf32, #tpu.memory_space<vmem>>, vector<16xf32>,
    %swap3A_721 = arith.constant 44 : i32
    %swap3A_722 = arith.index_cast %swap3A_721 : i32 to index
    %swap3A_723 = arith.constant 0 : index
    %swap3A_724 = tpu.vector_load %arg7[%swap3A_722, %swap3A_723] {strides = array<i32>} : memref<64x64xf32, #tpu.memory_space<vmem>>, vector<16xf32>,
    tpu.vector_store %arg7[%swap3A_722, %swap3A_723], %broadcast_in_dim3A_3 {strides = array<i32>} : memref<64x64xf32, #tpu.memory_space<vmem>>, vector<16xf32>,
    %swap3A_725 = arith.constant 44 : i32
    %swap3A_726 = arith.index_cast %swap3A_725 : i32 to index
    %swap3A_727 = arith.constant 16 : index
    %swap3A_728 = tpu.vector_load %arg7[%swap3A_726, %swap3A_727] {strides = array<i32>} : memref<64x64xf32, #tpu.memory_space<vmem>>, vector<16xf32>,
    tpu.vector_store %arg7[%swap3A_726, %swap3A_727], %broadcast_in_dim3A_3 {strides = array<i32>} : memref<64x64xf32, #tpu.memory_space<vmem>>, vector<16xf32>,
    %swap3A_729 = arith.constant 44 : i32
    %swap3A_730 = arith.index_cast %swap3A_729 : i32 to index
    %swap3A_731 = arith.constant 32 : index
    %swap3A_732 = tpu.vector_load %arg7[%swap3A_730, %swap3A_731] {strides = array<i32>} : memref<64x64xf32, #tpu.memory_space<vmem>>, vector<16xf32>,
    tpu.vector_store %arg7[%swap3A_730, %swap3A_731], %broadcast_in_dim3A_3 {strides = array<i32>} : memref<64x64xf32, #tpu.memory_space<vmem>>, vector<16xf32>,
    %swap3A_733 = arith.constant 44 : i32
    %swap3A_734 = arith.index_cast %swap3A_733 : i32 to index
    %swap3A_735 = arith.constant 48 : index
    %swap3A_736 = tpu.vector_load %arg7[%swap3A_734, %swap3A_735] {strides = array<i32>} : memref<64x64xf32, #tpu.memory_space<vmem>>, vector<16xf32>,
    tpu.vector_store %arg7[%swap3A_734, %swap3A_735], %broadcast_in_dim3A_3 {strides = array<i32>} : memref<64x64xf32, #tpu.memory_space<vmem>>, vector<16xf32>,
    %swap3A_737 = arith.constant 45 : i32
    %swap3A_738 = arith.index_cast %swap3A_737 : i32 to index
    %swap3A_739 = arith.constant 0 : index
    %swap3A_740 = tpu.vector_load %arg7[%swap3A_738, %swap3A_739] {strides = array<i32>} : memref<64x64xf32, #tpu.memory_space<vmem>>, vector<16xf32>,
    tpu.vector_store %arg7[%swap3A_738, %swap3A_739], %broadcast_in_dim3A_3 {strides = array<i32>} : memref<64x64xf32, #tpu.memory_space<vmem>>, vector<16xf32>,
    %swap3A_741 = arith.constant 45 : i32
    %swap3A_742 = arith.index_cast %swap3A_741 : i32 to index
    %swap3A_743 = arith.constant 16 : index
    %swap3A_744 = tpu.vector_load %arg7[%swap3A_742, %swap3A_743] {strides = array<i32>} : memref<64x64xf32, #tpu.memory_space<vmem>>, vector<16xf32>,
    tpu.vector_store %arg7[%swap3A_742, %swap3A_743], %broadcast_in_dim3A_3 {strides = array<i32>} : memref<64x64xf32, #tpu.memory_space<vmem>>, vector<16xf32>,
    %swap3A_745 = arith.constant 45 : i32
    %swap3A_746 = arith.index_cast %swap3A_745 : i32 to index
    %swap3A_747 = arith.constant 32 : index
    %swap3A_748 = tpu.vector_load %arg7[%swap3A_746, %swap3A_747] {strides = array<i32>} : memref<64x64xf32, #tpu.memory_space<vmem>>, vector<16xf32>,
    tpu.vector_store %arg7[%swap3A_746, %swap3A_747], %broadcast_in_dim3A_3 {strides = array<i32>} : memref<64x64xf32, #tpu.memory_space<vmem>>, vector<16xf32>,
    %swap3A_749 = arith.constant 45 : i32
    %swap3A_750 = arith.index_cast %swap3A_749 : i32 to index
    %swap3A_751 = arith.constant 48 : index
    %swap3A_752 = tpu.vector_load %arg7[%swap3A_750, %swap3A_751] {strides = array<i32>} : memref<64x64xf32, #tpu.memory_space<vmem>>, vector<16xf32>,
    tpu.vector_store %arg7[%swap3A_750, %swap3A_751], %broadcast_in_dim3A_3 {strides = array<i32>} : memref<64x64xf32, #tpu.memory_space<vmem>>, vector<16xf32>,
    %swap3A_753 = arith.constant 46 : i32
    %swap3A_754 = arith.index_cast %swap3A_753 : i32 to index
    %swap3A_755 = arith.constant 0 : index
    %swap3A_756 = tpu.vector_load %arg7[%swap3A_754, %swap3A_755] {strides = array<i32>} : memref<64x64xf32, #tpu.memory_space<vmem>>, vector<16xf32>,
    tpu.vector_store %arg7[%swap3A_754, %swap3A_755], %broadcast_in_dim3A_3 {strides = array<i32>} : memref<64x64xf32, #tpu.memory_space<vmem>>, vector<16xf32>,
    %swap3A_757 = arith.constant 46 : i32
    %swap3A_758 = arith.index_cast %swap3A_757 : i32 to index
    %swap3A_759 = arith.constant 16 : index
    %swap3A_760 = tpu.vector_load %arg7[%swap3A_758, %swap3A_759] {strides = array<i32>} : memref<64x64xf32, #tpu.memory_space<vmem>>, vector<16xf32>,
    tpu.vector_store %arg7[%swap3A_758, %swap3A_759], %broadcast_in_dim3A_3 {strides = array<i32>} : memref<64x64xf32, #tpu.memory_space<vmem>>, vector<16xf32>,
    %swap3A_761 = arith.constant 46 : i32
    %swap3A_762 = arith.index_cast %swap3A_761 : i32 to index
    %swap3A_763 = arith.constant 32 : index
    %swap3A_764 = tpu.vector_load %arg7[%swap3A_762, %swap3A_763] {strides = array<i32>} : memref<64x64xf32, #tpu.memory_space<vmem>>, vector<16xf32>,
    tpu.vector_store %arg7[%swap3A_762, %swap3A_763], %broadcast_in_dim3A_3 {strides = array<i32>} : memref<64x64xf32, #tpu.memory_space<vmem>>, vector<16xf32>,
    %swap3A_765 = arith.constant 46 : i32
    %swap3A_766 = arith.index_cast %swap3A_765 : i32 to index
    %swap3A_767 = arith.constant 48 : index
    %swap3A_768 = tpu.vector_load %arg7[%swap3A_766, %swap3A_767] {strides = array<i32>} : memref<64x64xf32, #tpu.memory_space<vmem>>, vector<16xf32>,
    tpu.vector_store %arg7[%swap3A_766, %swap3A_767], %broadcast_in_dim3A_3 {strides = array<i32>} : memref<64x64xf32, #tpu.memory_space<vmem>>, vector<16xf32>,
    %swap3A_769 = arith.constant 47 : i32
    %swap3A_770 = arith.index_cast %swap3A_769 : i32 to index
    %swap3A_771 = arith.constant 0 : index
    %swap3A_772 = tpu.vector_load %arg7[%swap3A_770, %swap3A_771] {strides = array<i32>} : memref<64x64xf32, #tpu.memory_space<vmem>>, vector<16xf32>,
    tpu.vector_store %arg7[%swap3A_770, %swap3A_771], %broadcast_in_dim3A_3 {strides = array<i32>} : memref<64x64xf32, #tpu.memory_space<vmem>>, vector<16xf32>,
    %swap3A_773 = arith.constant 47 : i32
    %swap3A_774 = arith.index_cast %swap3A_773 : i32 to index
    %swap3A_775 = arith.constant 16 : index
    %swap3A_776 = tpu.vector_load %arg7[%swap3A_774, %swap3A_775] {strides = array<i32>} : memref<64x64xf32, #tpu.memory_space<vmem>>, vector<16xf32>,
    tpu.vector_store %arg7[%swap3A_774, %swap3A_775], %broadcast_in_dim3A_3 {strides = array<i32>} : memref<64x64xf32, #tpu.memory_space<vmem>>, vector<16xf32>,
    %swap3A_777 = arith.constant 47 : i32
    %swap3A_778 = arith.index_cast %swap3A_777 : i32 to index
    %swap3A_779 = arith.constant 32 : index
    %swap3A_780 = tpu.vector_load %arg7[%swap3A_778, %swap3A_779] {strides = array<i32>} : memref<64x64xf32, #tpu.memory_space<vmem>>, vector<16xf32>,
    tpu.vector_store %arg7[%swap3A_778, %swap3A_779], %broadcast_in_dim3A_3 {strides = array<i32>} : memref<64x64xf32, #tpu.memory_space<vmem>>, vector<16xf32>,
    %swap3A_781 = arith.constant 47 : i32
    %swap3A_782 = arith.index_cast %swap3A_781 : i32 to index
    %swap3A_783 = arith.constant 48 : index
    %swap3A_784 = tpu.vector_load %arg7[%swap3A_782, %swap3A_783] {strides = array<i32>} : memref<64x64xf32, #tpu.memory_space<vmem>>, vector<16xf32>,
    tpu.vector_store %arg7[%swap3A_782, %swap3A_783], %broadcast_in_dim3A_3 {strides = array<i32>} : memref<64x64xf32, #tpu.memory_space<vmem>>, vector<16xf32>,
    %swap3A_785 = arith.constant 48 : i32
    %swap3A_786 = arith.index_cast %swap3A_785 : i32 to index
    %swap3A_787 = arith.constant 0 : index
    %swap3A_788 = tpu.vector_load %arg7[%swap3A_786, %swap3A_787] {strides = array<i32>} : memref<64x64xf32, #tpu.memory_space<vmem>>, vector<16xf32>,
    tpu.vector_store %arg7[%swap3A_786, %swap3A_787], %broadcast_in_dim3A_3 {strides = array<i32>} : memref<64x64xf32, #tpu.memory_space<vmem>>, vector<16xf32>,
    %swap3A_789 = arith.constant 48 : i32
    %swap3A_790 = arith.index_cast %swap3A_789 : i32 to index
    %swap3A_791 = arith.constant 16 : index
    %swap3A_792 = tpu.vector_load %arg7[%swap3A_790, %swap3A_791] {strides = array<i32>} : memref<64x64xf32, #tpu.memory_space<vmem>>, vector<16xf32>,
    tpu.vector_store %arg7[%swap3A_790, %swap3A_791], %broadcast_in_dim3A_3 {strides = array<i32>} : memref<64x64xf32, #tpu.memory_space<vmem>>, vector<16xf32>,
    %swap3A_793 = arith.constant 48 : i32
    %swap3A_794 = arith.index_cast %swap3A_793 : i32 to index
    %swap3A_795 = arith.constant 32 : index
    %swap3A_796 = tpu.vector_load %arg7[%swap3A_794, %swap3A_795] {strides = array<i32>} : memref<64x64xf32, #tpu.memory_space<vmem>>, vector<16xf32>,
    tpu.vector_store %arg7[%swap3A_794, %swap3A_795], %broadcast_in_dim3A_3 {strides = array<i32>} : memref<64x64xf32, #tpu.memory_space<vmem>>, vector<16xf32>,
    %swap3A_797 = arith.constant 48 : i32
    %swap3A_798 = arith.index_cast %swap3A_797 : i32 to index
    %swap3A_799 = arith.constant 48 : index
    %swap3A_800 = tpu.vector_load %arg7[%swap3A_798, %swap3A_799] {strides = array<i32>} : memref<64x64xf32, #tpu.memory_space<vmem>>, vector<16xf32>,
    tpu.vector_store %arg7[%swap3A_798, %swap3A_799], %broadcast_in_dim3A_3 {strides = array<i32>} : memref<64x64xf32, #tpu.memory_space<vmem>>, vector<16xf32>,
    %swap3A_801 = arith.constant 49 : i32
    %swap3A_802 = arith.index_cast %swap3A_801 : i32 to index
    %swap3A_803 = arith.constant 0 : index
    %swap3A_804 = tpu.vector_load %arg7[%swap3A_802, %swap3A_803] {strides = array<i32>} : memref<64x64xf32, #tpu.memory_space<vmem>>, vector<16xf32>,
    tpu.vector_store %arg7[%swap3A_802, %swap3A_803], %broadcast_in_dim3A_3 {strides = array<i32>} : memref<64x64xf32, #tpu.memory_space<vmem>>, vector<16xf32>,
    %swap3A_805 = arith.constant 49 : i32
    %swap3A_806 = arith.index_cast %swap3A_805 : i32 to index
    %swap3A_807 = arith.constant 16 : index
    %swap3A_808 = tpu.vector_load %arg7[%swap3A_806, %swap3A_807] {strides = array<i32>} : memref<64x64xf32, #tpu.memory_space<vmem>>, vector<16xf32>,
    tpu.vector_store %arg7[%swap3A_806, %swap3A_807], %broadcast_in_dim3A_3 {strides = array<i32>} : memref<64x64xf32, #tpu.memory_space<vmem>>, vector<16xf32>,
    %swap3A_809 = arith.constant 49 : i32
    %swap3A_810 = arith.index_cast %swap3A_809 : i32 to index
    %swap3A_811 = arith.constant 32 : index
    %swap3A_812 = tpu.vector_load %arg7[%swap3A_810, %swap3A_811] {strides = array<i32>} : memref<64x64xf32, #tpu.memory_space<vmem>>, vector<16xf32>,
    tpu.vector_store %arg7[%swap3A_810, %swap3A_811], %broadcast_in_dim3A_3 {strides = array<i32>} : memref<64x64xf32, #tpu.memory_space<vmem>>, vector<16xf32>,
    %swap3A_813 = arith.constant 49 : i32
    %swap3A_814 = arith.index_cast %swap3A_813 : i32 to index
    %swap3A_815 = arith.constant 48 : index
    %swap3A_816 = tpu.vector_load %arg7[%swap3A_814, %swap3A_815] {strides = array<i32>} : memref<64x64xf32, #tpu.memory_space<vmem>>, vector<16xf32>,
    tpu.vector_store %arg7[%swap3A_814, %swap3A_815], %broadcast_in_dim3A_3 {strides = array<i32>} : memref<64x64xf32, #tpu.memory_space<vmem>>, vector<16xf32>,
    %swap3A_817 = arith.constant 50 : i32
    %swap3A_818 = arith.index_cast %swap3A_817 : i32 to index
    %swap3A_819 = arith.constant 0 : index
    %swap3A_820 = tpu.vector_load %arg7[%swap3A_818, %swap3A_819] {strides = array<i32>} : memref<64x64xf32, #tpu.memory_space<vmem>>, vector<16xf32>,
    tpu.vector_store %arg7[%swap3A_818, %swap3A_819], %broadcast_in_dim3A_3 {strides = array<i32>} : memref<64x64xf32, #tpu.memory_space<vmem>>, vector<16xf32>,
    %swap3A_821 = arith.constant 50 : i32
    %swap3A_822 = arith.index_cast %swap3A_821 : i32 to index
    %swap3A_823 = arith.constant 16 : index
    %swap3A_824 = tpu.vector_load %arg7[%swap3A_822, %swap3A_823] {strides = array<i32>} : memref<64x64xf32, #tpu.memory_space<vmem>>, vector<16xf32>,
    tpu.vector_store %arg7[%swap3A_822, %swap3A_823], %broadcast_in_dim3A_3 {strides = array<i32>} : memref<64x64xf32, #tpu.memory_space<vmem>>, vector<16xf32>,
    %swap3A_825 = arith.constant 50 : i32
    %swap3A_826 = arith.index_cast %swap3A_825 : i32 to index
    %swap3A_827 = arith.constant 32 : index
    %swap3A_828 = tpu.vector_load %arg7[%swap3A_826, %swap3A_827] {strides = array<i32>} : memref<64x64xf32, #tpu.memory_space<vmem>>, vector<16xf32>,
    tpu.vector_store %arg7[%swap3A_826, %swap3A_827], %broadcast_in_dim3A_3 {strides = array<i32>} : memref<64x64xf32, #tpu.memory_space<vmem>>, vector<16xf32>,
    %swap3A_829 = arith.constant 50 : i32
    %swap3A_830 = arith.index_cast %swap3A_829 : i32 to index
    %swap3A_831 = arith.constant 48 : index
    %swap3A_832 = tpu.vector_load %arg7[%swap3A_830, %swap3A_831] {strides = array<i32>} : memref<64x64xf32, #tpu.memory_space<vmem>>, vector<16xf32>,
    tpu.vector_store %arg7[%swap3A_830, %swap3A_831], %broadcast_in_dim3A_3 {strides = array<i32>} : memref<64x64xf32, #tpu.memory_space<vmem>>, vector<16xf32>,
    %swap3A_833 = arith.constant 51 : i32
    %swap3A_834 = arith.index_cast %swap3A_833 : i32 to index
    %swap3A_835 = arith.constant 0 : index
    %swap3A_836 = tpu.vector_load %arg7[%swap3A_834, %swap3A_835] {strides = array<i32>} : memref<64x64xf32, #tpu.memory_space<vmem>>, vector<16xf32>,
    tpu.vector_store %arg7[%swap3A_834, %swap3A_835], %broadcast_in_dim3A_3 {strides = array<i32>} : memref<64x64xf32, #tpu.memory_space<vmem>>, vector<16xf32>,
    %swap3A_837 = arith.constant 51 : i32
    %swap3A_838 = arith.index_cast %swap3A_837 : i32 to index
    %swap3A_839 = arith.constant 16 : index
    %swap3A_840 = tpu.vector_load %arg7[%swap3A_838, %swap3A_839] {strides = array<i32>} : memref<64x64xf32, #tpu.memory_space<vmem>>, vector<16xf32>,
    tpu.vector_store %arg7[%swap3A_838, %swap3A_839], %broadcast_in_dim3A_3 {strides = array<i32>} : memref<64x64xf32, #tpu.memory_space<vmem>>, vector<16xf32>,
    %swap3A_841 = arith.constant 51 : i32
    %swap3A_842 = arith.index_cast %swap3A_841 : i32 to index
    %swap3A_843 = arith.constant 32 : index
    %swap3A_844 = tpu.vector_load %arg7[%swap3A_842, %swap3A_843] {strides = array<i32>} : memref<64x64xf32, #tpu.memory_space<vmem>>, vector<16xf32>,
    tpu.vector_store %arg7[%swap3A_842, %swap3A_843], %broadcast_in_dim3A_3 {strides = array<i32>} : memref<64x64xf32, #tpu.memory_space<vmem>>, vector<16xf32>,
    %swap3A_845 = arith.constant 51 : i32
    %swap3A_846 = arith.index_cast %swap3A_845 : i32 to index
    %swap3A_847 = arith.constant 48 : index
    %swap3A_848 = tpu.vector_load %arg7[%swap3A_846, %swap3A_847] {strides = array<i32>} : memref<64x64xf32, #tpu.memory_space<vmem>>, vector<16xf32>,
    tpu.vector_store %arg7[%swap3A_846, %swap3A_847], %broadcast_in_dim3A_3 {strides = array<i32>} : memref<64x64xf32, #tpu.memory_space<vmem>>, vector<16xf32>,
    %swap3A_849 = arith.constant 52 : i32
    %swap3A_850 = arith.index_cast %swap3A_849 : i32 to index
    %swap3A_851 = arith.constant 0 : index
    %swap3A_852 = tpu.vector_load %arg7[%swap3A_850, %swap3A_851] {strides = array<i32>} : memref<64x64xf32, #tpu.memory_space<vmem>>, vector<16xf32>,
    tpu.vector_store %arg7[%swap3A_850, %swap3A_851], %broadcast_in_dim3A_3 {strides = array<i32>} : memref<64x64xf32, #tpu.memory_space<vmem>>, vector<16xf32>,
    %swap3A_853 = arith.constant 52 : i32
    %swap3A_854 = arith.index_cast %swap3A_853 : i32 to index
    %swap3A_855 = arith.constant 16 : index
    %swap3A_856 = tpu.vector_load %arg7[%swap3A_854, %swap3A_855] {strides = array<i32>} : memref<64x64xf32, #tpu.memory_space<vmem>>, vector<16xf32>,
    tpu.vector_store %arg7[%swap3A_854, %swap3A_855], %broadcast_in_dim3A_3 {strides = array<i32>} : memref<64x64xf32, #tpu.memory_space<vmem>>, vector<16xf32>,
    %swap3A_857 = arith.constant 52 : i32
    %swap3A_858 = arith.index_cast %swap3A_857 : i32 to index
    %swap3A_859 = arith.constant 32 : index
    %swap3A_860 = tpu.vector_load %arg7[%swap3A_858, %swap3A_859] {strides = array<i32>} : memref<64x64xf32, #tpu.memory_space<vmem>>, vector<16xf32>,
    tpu.vector_store %arg7[%swap3A_858, %swap3A_859], %broadcast_in_dim3A_3 {strides = array<i32>} : memref<64x64xf32, #tpu.memory_space<vmem>>, vector<16xf32>,
    %swap3A_861 = arith.constant 52 : i32
    %swap3A_862 = arith.index_cast %swap3A_861 : i32 to index
    %swap3A_863 = arith.constant 48 : index
    %swap3A_864 = tpu.vector_load %arg7[%swap3A_862, %swap3A_863] {strides = array<i32>} : memref<64x64xf32, #tpu.memory_space<vmem>>, vector<16xf32>,
    tpu.vector_store %arg7[%swap3A_862, %swap3A_863], %broadcast_in_dim3A_3 {strides = array<i32>} : memref<64x64xf32, #tpu.memory_space<vmem>>, vector<16xf32>,
    %swap3A_865 = arith.constant 53 : i32
    %swap3A_866 = arith.index_cast %swap3A_865 : i32 to index
    %swap3A_867 = arith.constant 0 : index
    %swap3A_868 = tpu.vector_load %arg7[%swap3A_866, %swap3A_867] {strides = array<i32>} : memref<64x64xf32, #tpu.memory_space<vmem>>, vector<16xf32>,
    tpu.vector_store %arg7[%swap3A_866, %swap3A_867], %broadcast_in_dim3A_3 {strides = array<i32>} : memref<64x64xf32, #tpu.memory_space<vmem>>, vector<16xf32>,
    %swap3A_869 = arith.constant 53 : i32
    %swap3A_870 = arith.index_cast %swap3A_869 : i32 to index
    %swap3A_871 = arith.constant 16 : index
    %swap3A_872 = tpu.vector_load %arg7[%swap3A_870, %swap3A_871] {strides = array<i32>} : memref<64x64xf32, #tpu.memory_space<vmem>>, vector<16xf32>,
    tpu.vector_store %arg7[%swap3A_870, %swap3A_871], %broadcast_in_dim3A_3 {strides = array<i32>} : memref<64x64xf32, #tpu.memory_space<vmem>>, vector<16xf32>,
    %swap3A_873 = arith.constant 53 : i32
    %swap3A_874 = arith.index_cast %swap3A_873 : i32 to index
    %swap3A_875 = arith.constant 32 : index
    %swap3A_876 = tpu.vector_load %arg7[%swap3A_874, %swap3A_875] {strides = array<i32>} : memref<64x64xf32, #tpu.memory_space<vmem>>, vector<16xf32>,
    tpu.vector_store %arg7[%swap3A_874, %swap3A_875], %broadcast_in_dim3A_3 {strides = array<i32>} : memref<64x64xf32, #tpu.memory_space<vmem>>, vector<16xf32>,
    %swap3A_877 = arith.constant 53 : i32
    %swap3A_878 = arith.index_cast %swap3A_877 : i32 to index
    %swap3A_879 = arith.constant 48 : index
    %swap3A_880 = tpu.vector_load %arg7[%swap3A_878, %swap3A_879] {strides = array<i32>} : memref<64x64xf32, #tpu.memory_space<vmem>>, vector<16xf32>,
    tpu.vector_store %arg7[%swap3A_878, %swap3A_879], %broadcast_in_dim3A_3 {strides = array<i32>} : memref<64x64xf32, #tpu.memory_space<vmem>>, vector<16xf32>,
    %swap3A_881 = arith.constant 54 : i32
    %swap3A_882 = arith.index_cast %swap3A_881 : i32 to index
    %swap3A_883 = arith.constant 0 : index
    %swap3A_884 = tpu.vector_load %arg7[%swap3A_882, %swap3A_883] {strides = array<i32>} : memref<64x64xf32, #tpu.memory_space<vmem>>, vector<16xf32>,
    tpu.vector_store %arg7[%swap3A_882, %swap3A_883], %broadcast_in_dim3A_3 {strides = array<i32>} : memref<64x64xf32, #tpu.memory_space<vmem>>, vector<16xf32>,
    %swap3A_885 = arith.constant 54 : i32
    %swap3A_886 = arith.index_cast %swap3A_885 : i32 to index
    %swap3A_887 = arith.constant 16 : index
    %swap3A_888 = tpu.vector_load %arg7[%swap3A_886, %swap3A_887] {strides = array<i32>} : memref<64x64xf32, #tpu.memory_space<vmem>>, vector<16xf32>,
    tpu.vector_store %arg7[%swap3A_886, %swap3A_887], %broadcast_in_dim3A_3 {strides = array<i32>} : memref<64x64xf32, #tpu.memory_space<vmem>>, vector<16xf32>,
    %swap3A_889 = arith.constant 54 : i32
    %swap3A_890 = arith.index_cast %swap3A_889 : i32 to index
    %swap3A_891 = arith.constant 32 : index
    %swap3A_892 = tpu.vector_load %arg7[%swap3A_890, %swap3A_891] {strides = array<i32>} : memref<64x64xf32, #tpu.memory_space<vmem>>, vector<16xf32>,
    tpu.vector_store %arg7[%swap3A_890, %swap3A_891], %broadcast_in_dim3A_3 {strides = array<i32>} : memref<64x64xf32, #tpu.memory_space<vmem>>, vector<16xf32>,
    %swap3A_893 = arith.constant 54 : i32
    %swap3A_894 = arith.index_cast %swap3A_893 : i32 to index
    %swap3A_895 = arith.constant 48 : index
    %swap3A_896 = tpu.vector_load %arg7[%swap3A_894, %swap3A_895] {strides = array<i32>} : memref<64x64xf32, #tpu.memory_space<vmem>>, vector<16xf32>,
    tpu.vector_store %arg7[%swap3A_894, %swap3A_895], %broadcast_in_dim3A_3 {strides = array<i32>} : memref<64x64xf32, #tpu.memory_space<vmem>>, vector<16xf32>,
    %swap3A_897 = arith.constant 55 : i32
    %swap3A_898 = arith.index_cast %swap3A_897 : i32 to index
    %swap3A_899 = arith.constant 0 : index
    %swap3A_900 = tpu.vector_load %arg7[%swap3A_898, %swap3A_899] {strides = array<i32>} : memref<64x64xf32, #tpu.memory_space<vmem>>, vector<16xf32>,
    tpu.vector_store %arg7[%swap3A_898, %swap3A_899], %broadcast_in_dim3A_3 {strides = array<i32>} : memref<64x64xf32, #tpu.memory_space<vmem>>, vector<16xf32>,
    %swap3A_901 = arith.constant 55 : i32
    %swap3A_902 = arith.index_cast %swap3A_901 : i32 to index
    %swap3A_903 = arith.constant 16 : index
    %swap3A_904 = tpu.vector_load %arg7[%swap3A_902, %swap3A_903] {strides = array<i32>} : memref<64x64xf32, #tpu.memory_space<vmem>>, vector<16xf32>,
    tpu.vector_store %arg7[%swap3A_902, %swap3A_903], %broadcast_in_dim3A_3 {strides = array<i32>} : memref<64x64xf32, #tpu.memory_space<vmem>>, vector<16xf32>,
    %swap3A_905 = arith.constant 55 : i32
    %swap3A_906 = arith.index_cast %swap3A_905 : i32 to index
    %swap3A_907 = arith.constant 32 : index
    %swap3A_908 = tpu.vector_load %arg7[%swap3A_906, %swap3A_907] {strides = array<i32>} : memref<64x64xf32, #tpu.memory_space<vmem>>, vector<16xf32>,
    tpu.vector_store %arg7[%swap3A_906, %swap3A_907], %broadcast_in_dim3A_3 {strides = array<i32>} : memref<64x64xf32, #tpu.memory_space<vmem>>, vector<16xf32>,
    %swap3A_909 = arith.constant 55 : i32
    %swap3A_910 = arith.index_cast %swap3A_909 : i32 to index
    %swap3A_911 = arith.constant 48 : index
    %swap3A_912 = tpu.vector_load %arg7[%swap3A_910, %swap3A_911] {strides = array<i32>} : memref<64x64xf32, #tpu.memory_space<vmem>>, vector<16xf32>,
    tpu.vector_store %arg7[%swap3A_910, %swap3A_911], %broadcast_in_dim3A_3 {strides = array<i32>} : memref<64x64xf32, #tpu.memory_space<vmem>>, vector<16xf32>,
    %swap3A_913 = arith.constant 56 : i32
    %swap3A_914 = arith.index_cast %swap3A_913 : i32 to index
    %swap3A_915 = arith.constant 0 : index
    %swap3A_916 = tpu.vector_load %arg7[%swap3A_914, %swap3A_915] {strides = array<i32>} : memref<64x64xf32, #tpu.memory_space<vmem>>, vector<16xf32>,
    tpu.vector_store %arg7[%swap3A_914, %swap3A_915], %broadcast_in_dim3A_3 {strides = array<i32>} : memref<64x64xf32, #tpu.memory_space<vmem>>, vector<16xf32>,
    %swap3A_917 = arith.constant 56 : i32
    %swap3A_918 = arith.index_cast %swap3A_917 : i32 to index
    %swap3A_919 = arith.constant 16 : index
    %swap3A_920 = tpu.vector_load %arg7[%swap3A_918, %swap3A_919] {strides = array<i32>} : memref<64x64xf32, #tpu.memory_space<vmem>>, vector<16xf32>,
    tpu.vector_store %arg7[%swap3A_918, %swap3A_919], %broadcast_in_dim3A_3 {strides = array<i32>} : memref<64x64xf32, #tpu.memory_space<vmem>>, vector<16xf32>,
    %swap3A_921 = arith.constant 56 : i32
    %swap3A_922 = arith.index_cast %swap3A_921 : i32 to index
    %swap3A_923 = arith.constant 32 : index
    %swap3A_924 = tpu.vector_load %arg7[%swap3A_922, %swap3A_923] {strides = array<i32>} : memref<64x64xf32, #tpu.memory_space<vmem>>, vector<16xf32>,
    tpu.vector_store %arg7[%swap3A_922, %swap3A_923], %broadcast_in_dim3A_3 {strides = array<i32>} : memref<64x64xf32, #tpu.memory_space<vmem>>, vector<16xf32>,
    %swap3A_925 = arith.constant 56 : i32
    %swap3A_926 = arith.index_cast %swap3A_925 : i32 to index
    %swap3A_927 = arith.constant 48 : index
    %swap3A_928 = tpu.vector_load %arg7[%swap3A_926, %swap3A_927] {strides = array<i32>} : memref<64x64xf32, #tpu.memory_space<vmem>>, vector<16xf32>,
    tpu.vector_store %arg7[%swap3A_926, %swap3A_927], %broadcast_in_dim3A_3 {strides = array<i32>} : memref<64x64xf32, #tpu.memory_space<vmem>>, vector<16xf32>,
    %swap3A_929 = arith.constant 57 : i32
    %swap3A_930 = arith.index_cast %swap3A_929 : i32 to index
    %swap3A_931 = arith.constant 0 : index
    %swap3A_932 = tpu.vector_load %arg7[%swap3A_930, %swap3A_931] {strides = array<i32>} : memref<64x64xf32, #tpu.memory_space<vmem>>, vector<16xf32>,
    tpu.vector_store %arg7[%swap3A_930, %swap3A_931], %broadcast_in_dim3A_3 {strides = array<i32>} : memref<64x64xf32, #tpu.memory_space<vmem>>, vector<16xf32>,
    %swap3A_933 = arith.constant 57 : i32
    %swap3A_934 = arith.index_cast %swap3A_933 : i32 to index
    %swap3A_935 = arith.constant 16 : index
    %swap3A_936 = tpu.vector_load %arg7[%swap3A_934, %swap3A_935] {strides = array<i32>} : memref<64x64xf32, #tpu.memory_space<vmem>>, vector<16xf32>,
    tpu.vector_store %arg7[%swap3A_934, %swap3A_935], %broadcast_in_dim3A_3 {strides = array<i32>} : memref<64x64xf32, #tpu.memory_space<vmem>>, vector<16xf32>,
    %swap3A_937 = arith.constant 57 : i32
    %swap3A_938 = arith.index_cast %swap3A_937 : i32 to index
    %swap3A_939 = arith.constant 32 : index
    %swap3A_940 = tpu.vector_load %arg7[%swap3A_938, %swap3A_939] {strides = array<i32>} : memref<64x64xf32, #tpu.memory_space<vmem>>, vector<16xf32>,
    tpu.vector_store %arg7[%swap3A_938, %swap3A_939], %broadcast_in_dim3A_3 {strides = array<i32>} : memref<64x64xf32, #tpu.memory_space<vmem>>, vector<16xf32>,
    %swap3A_941 = arith.constant 57 : i32
    %swap3A_942 = arith.index_cast %swap3A_941 : i32 to index
    %swap3A_943 = arith.constant 48 : index
    %swap3A_944 = tpu.vector_load %arg7[%swap3A_942, %swap3A_943] {strides = array<i32>} : memref<64x64xf32, #tpu.memory_space<vmem>>, vector<16xf32>,
    tpu.vector_store %arg7[%swap3A_942, %swap3A_943], %broadcast_in_dim3A_3 {strides = array<i32>} : memref<64x64xf32, #tpu.memory_space<vmem>>, vector<16xf32>,
    %swap3A_945 = arith.constant 58 : i32
    %swap3A_946 = arith.index_cast %swap3A_945 : i32 to index
    %swap3A_947 = arith.constant 0 : index
    %swap3A_948 = tpu.vector_load %arg7[%swap3A_946, %swap3A_947] {strides = array<i32>} : memref<64x64xf32, #tpu.memory_space<vmem>>, vector<16xf32>,
    tpu.vector_store %arg7[%swap3A_946, %swap3A_947], %broadcast_in_dim3A_3 {strides = array<i32>} : memref<64x64xf32, #tpu.memory_space<vmem>>, vector<16xf32>,
    %swap3A_949 = arith.constant 58 : i32
    %swap3A_950 = arith.index_cast %swap3A_949 : i32 to index
    %swap3A_951 = arith.constant 16 : index
    %swap3A_952 = tpu.vector_load %arg7[%swap3A_950, %swap3A_951] {strides = array<i32>} : memref<64x64xf32, #tpu.memory_space<vmem>>, vector<16xf32>,
    tpu.vector_store %arg7[%swap3A_950, %swap3A_951], %broadcast_in_dim3A_3 {strides = array<i32>} : memref<64x64xf32, #tpu.memory_space<vmem>>, vector<16xf32>,
    %swap3A_953 = arith.constant 58 : i32
    %swap3A_954 = arith.index_cast %swap3A_953 : i32 to index
    %swap3A_955 = arith.constant 32 : index
    %swap3A_956 = tpu.vector_load %arg7[%swap3A_954, %swap3A_955] {strides = array<i32>} : memref<64x64xf32, #tpu.memory_space<vmem>>, vector<16xf32>,
    tpu.vector_store %arg7[%swap3A_954, %swap3A_955], %broadcast_in_dim3A_3 {strides = array<i32>} : memref<64x64xf32, #tpu.memory_space<vmem>>, vector<16xf32>,
    %swap3A_957 = arith.constant 58 : i32
    %swap3A_958 = arith.index_cast %swap3A_957 : i32 to index
    %swap3A_959 = arith.constant 48 : index
    %swap3A_960 = tpu.vector_load %arg7[%swap3A_958, %swap3A_959] {strides = array<i32>} : memref<64x64xf32, #tpu.memory_space<vmem>>, vector<16xf32>,
    tpu.vector_store %arg7[%swap3A_958, %swap3A_959], %broadcast_in_dim3A_3 {strides = array<i32>} : memref<64x64xf32, #tpu.memory_space<vmem>>, vector<16xf32>,
    %swap3A_961 = arith.constant 59 : i32
    %swap3A_962 = arith.index_cast %swap3A_961 : i32 to index
    %swap3A_963 = arith.constant 0 : index
    %swap3A_964 = tpu.vector_load %arg7[%swap3A_962, %swap3A_963] {strides = array<i32>} : memref<64x64xf32, #tpu.memory_space<vmem>>, vector<16xf32>,
    tpu.vector_store %arg7[%swap3A_962, %swap3A_963], %broadcast_in_dim3A_3 {strides = array<i32>} : memref<64x64xf32, #tpu.memory_space<vmem>>, vector<16xf32>,
    %swap3A_965 = arith.constant 59 : i32
    %swap3A_966 = arith.index_cast %swap3A_965 : i32 to index
    %swap3A_967 = arith.constant 16 : index
    %swap3A_968 = tpu.vector_load %arg7[%swap3A_966, %swap3A_967] {strides = array<i32>} : memref<64x64xf32, #tpu.memory_space<vmem>>, vector<16xf32>,
    tpu.vector_store %arg7[%swap3A_966, %swap3A_967], %broadcast_in_dim3A_3 {strides = array<i32>} : memref<64x64xf32, #tpu.memory_space<vmem>>, vector<16xf32>,
    %swap3A_969 = arith.constant 59 : i32
    %swap3A_970 = arith.index_cast %swap3A_969 : i32 to index
    %swap3A_971 = arith.constant 32 : index
    %swap3A_972 = tpu.vector_load %arg7[%swap3A_970, %swap3A_971] {strides = array<i32>} : memref<64x64xf32, #tpu.memory_space<vmem>>, vector<16xf32>,
    tpu.vector_store %arg7[%swap3A_970, %swap3A_971], %broadcast_in_dim3A_3 {strides = array<i32>} : memref<64x64xf32, #tpu.memory_space<vmem>>, vector<16xf32>,
    %swap3A_973 = arith.constant 59 : i32
    %swap3A_974 = arith.index_cast %swap3A_973 : i32 to index
    %swap3A_975 = arith.constant 48 : index
    %swap3A_976 = tpu.vector_load %arg7[%swap3A_974, %swap3A_975] {strides = array<i32>} : memref<64x64xf32, #tpu.memory_space<vmem>>, vector<16xf32>,
    tpu.vector_store %arg7[%swap3A_974, %swap3A_975], %broadcast_in_dim3A_3 {strides = array<i32>} : memref<64x64xf32, #tpu.memory_space<vmem>>, vector<16xf32>,
    %swap3A_977 = arith.constant 60 : i32
    %swap3A_978 = arith.index_cast %swap3A_977 : i32 to index
    %swap3A_979 = arith.constant 0 : index
    %swap3A_980 = tpu.vector_load %arg7[%swap3A_978, %swap3A_979] {strides = array<i32>} : memref<64x64xf32, #tpu.memory_space<vmem>>, vector<16xf32>,
    tpu.vector_store %arg7[%swap3A_978, %swap3A_979], %broadcast_in_dim3A_3 {strides = array<i32>} : memref<64x64xf32, #tpu.memory_space<vmem>>, vector<16xf32>,
    %swap3A_981 = arith.constant 60 : i32
    %swap3A_982 = arith.index_cast %swap3A_981 : i32 to index
    %swap3A_983 = arith.constant 16 : index
    %swap3A_984 = tpu.vector_load %arg7[%swap3A_982, %swap3A_983] {strides = array<i32>} : memref<64x64xf32, #tpu.memory_space<vmem>>, vector<16xf32>,
    tpu.vector_store %arg7[%swap3A_982, %swap3A_983], %broadcast_in_dim3A_3 {strides = array<i32>} : memref<64x64xf32, #tpu.memory_space<vmem>>, vector<16xf32>,
    %swap3A_985 = arith.constant 60 : i32
    %swap3A_986 = arith.index_cast %swap3A_985 : i32 to index
    %swap3A_987 = arith.constant 32 : index
    %swap3A_988 = tpu.vector_load %arg7[%swap3A_986, %swap3A_987] {strides = array<i32>} : memref<64x64xf32, #tpu.memory_space<vmem>>, vector<16xf32>,
    tpu.vector_store %arg7[%swap3A_986, %swap3A_987], %broadcast_in_dim3A_3 {strides = array<i32>} : memref<64x64xf32, #tpu.memory_space<vmem>>, vector<16xf32>,
    %swap3A_989 = arith.constant 60 : i32
    %swap3A_990 = arith.index_cast %swap3A_989 : i32 to index
    %swap3A_991 = arith.constant 48 : index
    %swap3A_992 = tpu.vector_load %arg7[%swap3A_990, %swap3A_991] {strides = array<i32>} : memref<64x64xf32, #tpu.memory_space<vmem>>, vector<16xf32>,
    tpu.vector_store %arg7[%swap3A_990, %swap3A_991], %broadcast_in_dim3A_3 {strides = array<i32>} : memref<64x64xf32, #tpu.memory_space<vmem>>, vector<16xf32>,
    %swap3A_993 = arith.constant 61 : i32
    %swap3A_994 = arith.index_cast %swap3A_993 : i32 to index
    %swap3A_995 = arith.constant 0 : index
    %swap3A_996 = tpu.vector_load %arg7[%swap3A_994, %swap3A_995] {strides = array<i32>} : memref<64x64xf32, #tpu.memory_space<vmem>>, vector<16xf32>,
    tpu.vector_store %arg7[%swap3A_994, %swap3A_995], %broadcast_in_dim3A_3 {strides = array<i32>} : memref<64x64xf32, #tpu.memory_space<vmem>>, vector<16xf32>,
    %swap3A_997 = arith.constant 61 : i32
    %swap3A_998 = arith.index_cast %swap3A_997 : i32 to index
    %swap3A_999 = arith.constant 16 : index
    %swap3A_1000 = tpu.vector_load %arg7[%swap3A_998, %swap3A_999] {strides = array<i32>} : memref<64x64xf32, #tpu.memory_space<vmem>>, vector<16xf32>,
    tpu.vector_store %arg7[%swap3A_998, %swap3A_999], %broadcast_in_dim3A_3 {strides = array<i32>} : memref<64x64xf32, #tpu.memory_space<vmem>>, vector<16xf32>,
    %swap3A_1001 = arith.constant 61 : i32
    %swap3A_1002 = arith.index_cast %swap3A_1001 : i32 to index
    %swap3A_1003 = arith.constant 32 : index
    %swap3A_1004 = tpu.vector_load %arg7[%swap3A_1002, %swap3A_1003] {strides = array<i32>} : memref<64x64xf32, #tpu.memory_space<vmem>>, vector<16xf32>,
    tpu.vector_store %arg7[%swap3A_1002, %swap3A_1003], %broadcast_in_dim3A_3 {strides = array<i32>} : memref<64x64xf32, #tpu.memory_space<vmem>>, vector<16xf32>,
    %swap3A_1005 = arith.constant 61 : i32
    %swap3A_1006 = arith.index_cast %swap3A_1005 : i32 to index
    %swap3A_1007 = arith.constant 48 : index
    %swap3A_1008 = tpu.vector_load %arg7[%swap3A_1006, %swap3A_1007] {strides = array<i32>} : memref<64x64xf32, #tpu.memory_space<vmem>>, vector<16xf32>,
    tpu.vector_store %arg7[%swap3A_1006, %swap3A_1007], %broadcast_in_dim3A_3 {strides = array<i32>} : memref<64x64xf32, #tpu.memory_space<vmem>>, vector<16xf32>,
    %swap3A_1009 = arith.constant 62 : i32
    %swap3A_1010 = arith.index_cast %swap3A_1009 : i32 to index
    %swap3A_1011 = arith.constant 0 : index
    %swap3A_1012 = tpu.vector_load %arg7[%swap3A_1010, %swap3A_1011] {strides = array<i32>} : memref<64x64xf32, #tpu.memory_space<vmem>>, vector<16xf32>,
    tpu.vector_store %arg7[%swap3A_1010, %swap3A_1011], %broadcast_in_dim3A_3 {strides = array<i32>} : memref<64x64xf32, #tpu.memory_space<vmem>>, vector<16xf32>,
    %swap3A_1013 = arith.constant 62 : i32
    %swap3A_1014 = arith.index_cast %swap3A_1013 : i32 to index
    %swap3A_1015 = arith.constant 16 : index
    %swap3A_1016 = tpu.vector_load %arg7[%swap3A_1014, %swap3A_1015] {strides = array<i32>} : memref<64x64xf32, #tpu.memory_space<vmem>>, vector<16xf32>,
    tpu.vector_store %arg7[%swap3A_1014, %swap3A_1015], %broadcast_in_dim3A_3 {strides = array<i32>} : memref<64x64xf32, #tpu.memory_space<vmem>>, vector<16xf32>,
    %swap3A_1017 = arith.constant 62 : i32
    %swap3A_1018 = arith.index_cast %swap3A_1017 : i32 to index
    %swap3A_1019 = arith.constant 32 : index
    %swap3A_1020 = tpu.vector_load %arg7[%swap3A_1018, %swap3A_1019] {strides = array<i32>} : memref<64x64xf32, #tpu.memory_space<vmem>>, vector<16xf32>,
    tpu.vector_store %arg7[%swap3A_1018, %swap3A_1019], %broadcast_in_dim3A_3 {strides = array<i32>} : memref<64x64xf32, #tpu.memory_space<vmem>>, vector<16xf32>,
    %swap3A_1021 = arith.constant 62 : i32
    %swap3A_1022 = arith.index_cast %swap3A_1021 : i32 to index
    %swap3A_1023 = arith.constant 48 : index
    %swap3A_1024 = tpu.vector_load %arg7[%swap3A_1022, %swap3A_1023] {strides = array<i32>} : memref<64x64xf32, #tpu.memory_space<vmem>>, vector<16xf32>,
    tpu.vector_store %arg7[%swap3A_1022, %swap3A_1023], %broadcast_in_dim3A_3 {strides = array<i32>} : memref<64x64xf32, #tpu.memory_space<vmem>>, vector<16xf32>,
    %swap3A_1025 = arith.constant 63 : i32
    %swap3A_1026 = arith.index_cast %swap3A_1025 : i32 to index
    %swap3A_1027 = arith.constant 0 : index
    %swap3A_1028 = tpu.vector_load %arg7[%swap3A_1026, %swap3A_1027] {strides = array<i32>} : memref<64x64xf32, #tpu.memory_space<vmem>>, vector<16xf32>,
    tpu.vector_store %arg7[%swap3A_1026, %swap3A_1027], %broadcast_in_dim3A_3 {strides = array<i32>} : memref<64x64xf32, #tpu.memory_space<vmem>>, vector<16xf32>,
    %swap3A_1029 = arith.constant 63 : i32
    %swap3A_1030 = arith.index_cast %swap3A_1029 : i32 to index
    %swap3A_1031 = arith.constant 16 : index
    %swap3A_1032 = tpu.vector_load %arg7[%swap3A_1030, %swap3A_1031] {strides = array<i32>} : memref<64x64xf32, #tpu.memory_space<vmem>>, vector<16xf32>,
    tpu.vector_store %arg7[%swap3A_1030, %swap3A_1031], %broadcast_in_dim3A_3 {strides = array<i32>} : memref<64x64xf32, #tpu.memory_space<vmem>>, vector<16xf32>,
    %swap3A_1033 = arith.constant 63 : i32
    %swap3A_1034 = arith.index_cast %swap3A_1033 : i32 to index
    %swap3A_1035 = arith.constant 32 : index
    %swap3A_1036 = tpu.vector_load %arg7[%swap3A_1034, %swap3A_1035] {strides = array<i32>} : memref<64x64xf32, #tpu.memory_space<vmem>>, vector<16xf32>,
    tpu.vector_store %arg7[%swap3A_1034, %swap3A_1035], %broadcast_in_dim3A_3 {strides = array<i32>} : memref<64x64xf32, #tpu.memory_space<vmem>>, vector<16xf32>,
    %swap3A_1037 = arith.constant 63 : i32
    %swap3A_1038 = arith.index_cast %swap3A_1037 : i32 to index
    %swap3A_1039 = arith.constant 48 : index
    %swap3A_1040 = tpu.vector_load %arg7[%swap3A_1038, %swap3A_1039] {strides = array<i32>} : memref<64x64xf32, #tpu.memory_space<vmem>>, vector<16xf32>,
    tpu.vector_store %arg7[%swap3A_1038, %swap3A_1039], %broadcast_in_dim3A_3 {strides = array<i32>} : memref<64x64xf32, #tpu.memory_space<vmem>>, vector<16xf32>,
    %add3A_1041 = arith.constant -1.000000e+30 : f32
    %add3A_1042 = vector.broadcast %add3A_1041 : f32 to vector<16xf32>
    %add3A_1043 = arith.addf %broadcast_in_dim3A_3, %add3A_1042 : vector<16xf32>
    %add3A_1044 = arith.constant -1.000000e+30 : f32
    %add3A_1045 = vector.broadcast %add3A_1044 : f32 to vector<16xf32>
    %add3A_1046 = arith.addf %broadcast_in_dim3A_3, %add3A_1045 : vector<16xf32>
    %add3A_1047 = arith.constant -1.000000e+30 : f32
    %add3A_1048 = vector.broadcast %add3A_1047 : f32 to vector<16xf32>
    %add3A_1049 = arith.addf %broadcast_in_dim3A_3, %add3A_1048 : vector<16xf32>
    %add3A_1050 = arith.constant -1.000000e+30 : f32
    %add3A_1051 = vector.broadcast %add3A_1050 : f32 to vector<16xf32>
    %add3A_1052 = arith.addf %broadcast_in_dim3A_3, %add3A_1051 : vector<16xf32>
    %add3A_1053 = arith.constant -1.000000e+30 : f32
    %add3A_1054 = vector.broadcast %add3A_1053 : f32 to vector<16xf32>
    %add3A_1055 = arith.addf %broadcast_in_dim3A_3, %add3A_1054 : vector<16xf32>
    %add3A_1056 = arith.constant -1.000000e+30 : f32
    %add3A_1057 = vector.broadcast %add3A_1056 : f32 to vector<16xf32>
    %add3A_1058 = arith.addf %broadcast_in_dim3A_3, %add3A_1057 : vector<16xf32>
    %add3A_1059 = arith.constant -1.000000e+30 : f32
    %add3A_1060 = vector.broadcast %add3A_1059 : f32 to vector<16xf32>
    %add3A_1061 = arith.addf %broadcast_in_dim3A_3, %add3A_1060 : vector<16xf32>
    %add3A_1062 = arith.constant -1.000000e+30 : f32
    %add3A_1063 = vector.broadcast %add3A_1062 : f32 to vector<16xf32>
    %add3A_1064 = arith.addf %broadcast_in_dim3A_3, %add3A_1063 : vector<16xf32>
    %scan3A = arith.constant 0 : i32
    %scan3A_1065 = arith.constant 16 : i32
    %scan3A_1066 = arith.addi %scan3A, %scan3A_1065 : i32
    %scan3A_1067 = arith.constant 1 : i32
    %scan3A_1068:16 = scf.for %scan3A_1136 = %scan3A to %scan3A_1066 step %scan3A_1067 iter_args(%scan3A_1137 = %add3A_1043, %scan3A_1138 = %broadcast_in_dim3A_5, %scan3A_1139 = %add3A_1046, %scan3A_1140 = %broadcast_in_dim3A_5, %scan3A_1141 = %add3A_1049, %scan3A_1142 = %broadcast_in_dim3A_5, %scan3A_1143 = %add3A_1052, %scan3A_1144 = %broadcast_in_dim3A_5, %scan3A_1145 = %add3A_1055, %scan3A_1146 = %broadcast_in_dim3A_5, %scan3A_1147 = %add3A_1058, %scan3A_1148 = %broadcast_in_dim3A_5, %scan3A_1149 = %add3A_1061, %scan3A_1150 = %broadcast_in_dim3A_5, %scan3A_1151 = %add3A_1064, %scan3A_1152 = %broadcast_in_dim3A_5) -> (vector<16xf32>, vector<16xi32>, vector<16xf32>, vector<16xi32>, vector<16xf32>, vector<16xi32>, vector<16xf32>, vector<16xi32>, vector<16xf32>, vector<16xi32>, vector<16xf32>, vector<16xi32>, vector<16xf32>, vector<16xi32>, vector<16xf32>, vector<16xi32>)  : i32 {
      %mul3A_1153 = arith.constant 4 : i32
      %mul3A_1154 = arith.muli %scan3A_1136, %mul3A_1153 : i32
      %add3A_1155 = arith.constant 0 : i32
      %add3A_1156 = arith.addi %mul3A_1154, %add3A_1155 : i32
      %add3A_1157 = vector.broadcast %add3A_1156 : i32 to vector<16xi32>
      %add3A_1158 = arith.addi %add3A_1157, %broadcast_in_dim3A_5 : vector<16xi32>
      %gather3A = tpu.vector_load_idx %arg6[%add3A_8, %add3A_1158] : memref<64x64xf32, #tpu.memory_space<vmem>>[vector<16xi32>, vector<16xi32>], vector<16xf32>,
      %gt3A = arith.cmpf ogt, %gather3A, %scan3A_1137 : vector<16xf32>
      %not3A = arith.constant dense<true> : vector<16xi1>
      %not3A_1159 = arith.xori %gt3A, %not3A : vector<16xi1>
      %gt3A_1160 = arith.cmpf ogt, %gather3A, %scan3A_1139 : vector<16xf32>
      %and3A = arith.andi %not3A_1159, %gt3A_1160 : vector<16xi1>
      %select_n3A = arith.select %gt3A, %gather3A, %scan3A_1137 : vector<16xi1>, vector<16xf32>
      %select_n3A_1161 = arith.select %gt3A, %add3A_1158, %scan3A_1138 : vector<16xi1>, vector<16xi32>
      %select_n3A_1162 = arith.select %and3A, %gather3A, %scan3A_1139 : vector<16xi1>, vector<16xf32>
      %select_n3A_1163 = arith.select %gt3A, %scan3A_1137, %select_n3A_1162 : vector<16xi1>, vector<16xf32>
      %select_n3A_1164 = arith.select %and3A, %add3A_1158, %scan3A_1140 : vector<16xi1>, vector<16xi32>
      %select_n3A_1165 = arith.select %gt3A, %scan3A_1138, %select_n3A_1164 : vector<16xi1>, vector<16xi32>
      %gather3A_1166 = tpu.vector_load_idx %arg6[%add3A_11, %add3A_1158] : memref<64x64xf32, #tpu.memory_space<vmem>>[vector<16xi32>, vector<16xi32>], vector<16xf32>,
      %gt3A_1167 = arith.cmpf ogt, %gather3A_1166, %scan3A_1141 : vector<16xf32>
      %not3A_1168 = arith.constant dense<true> : vector<16xi1>
      %not3A_1169 = arith.xori %gt3A_1167, %not3A_1168 : vector<16xi1>
      %gt3A_1170 = arith.cmpf ogt, %gather3A_1166, %scan3A_1143 : vector<16xf32>
      %and3A_1171 = arith.andi %not3A_1169, %gt3A_1170 : vector<16xi1>
      %select_n3A_1172 = arith.select %gt3A_1167, %gather3A_1166, %scan3A_1141 : vector<16xi1>, vector<16xf32>
      %select_n3A_1173 = arith.select %gt3A_1167, %add3A_1158, %scan3A_1142 : vector<16xi1>, vector<16xi32>
      %select_n3A_1174 = arith.select %and3A_1171, %gather3A_1166, %scan3A_1143 : vector<16xi1>, vector<16xf32>
      %select_n3A_1175 = arith.select %gt3A_1167, %scan3A_1141, %select_n3A_1174 : vector<16xi1>, vector<16xf32>
      %select_n3A_1176 = arith.select %and3A_1171, %add3A_1158, %scan3A_1144 : vector<16xi1>, vector<16xi32>
      %select_n3A_1177 = arith.select %gt3A_1167, %scan3A_1142, %select_n3A_1176 : vector<16xi1>, vector<16xi32>
      %gather3A_1178 = tpu.vector_load_idx %arg6[%add3A_14, %add3A_1158] : memref<64x64xf32, #tpu.memory_space<vmem>>[vector<16xi32>, vector<16xi32>], vector<16xf32>,
      %gt3A_1179 = arith.cmpf ogt, %gather3A_1178, %scan3A_1145 : vector<16xf32>
      %not3A_1180 = arith.constant dense<true> : vector<16xi1>
      %not3A_1181 = arith.xori %gt3A_1179, %not3A_1180 : vector<16xi1>
      %gt3A_1182 = arith.cmpf ogt, %gather3A_1178, %scan3A_1147 : vector<16xf32>
      %and3A_1183 = arith.andi %not3A_1181, %gt3A_1182 : vector<16xi1>
      %select_n3A_1184 = arith.select %gt3A_1179, %gather3A_1178, %scan3A_1145 : vector<16xi1>, vector<16xf32>
      %select_n3A_1185 = arith.select %gt3A_1179, %add3A_1158, %scan3A_1146 : vector<16xi1>, vector<16xi32>
      %select_n3A_1186 = arith.select %and3A_1183, %gather3A_1178, %scan3A_1147 : vector<16xi1>, vector<16xf32>
      %select_n3A_1187 = arith.select %gt3A_1179, %scan3A_1145, %select_n3A_1186 : vector<16xi1>, vector<16xf32>
      %select_n3A_1188 = arith.select %and3A_1183, %add3A_1158, %scan3A_1148 : vector<16xi1>, vector<16xi32>
      %select_n3A_1189 = arith.select %gt3A_1179, %scan3A_1146, %select_n3A_1188 : vector<16xi1>, vector<16xi32>
      %gather3A_1190 = tpu.vector_load_idx %arg6[%add3A_17, %add3A_1158] : memref<64x64xf32, #tpu.memory_space<vmem>>[vector<16xi32>, vector<16xi32>], vector<16xf32>,
      %gt3A_1191 = arith.cmpf ogt, %gather3A_1190, %scan3A_1149 : vector<16xf32>
      %not3A_1192 = arith.constant dense<true> : vector<16xi1>
      %not3A_1193 = arith.xori %gt3A_1191, %not3A_1192 : vector<16xi1>
      %gt3A_1194 = arith.cmpf ogt, %gather3A_1190, %scan3A_1151 : vector<16xf32>
      %and3A_1195 = arith.andi %not3A_1193, %gt3A_1194 : vector<16xi1>
      %select_n3A_1196 = arith.select %gt3A_1191, %gather3A_1190, %scan3A_1149 : vector<16xi1>, vector<16xf32>
      %select_n3A_1197 = arith.select %gt3A_1191, %add3A_1158, %scan3A_1150 : vector<16xi1>, vector<16xi32>
      %select_n3A_1198 = arith.select %and3A_1195, %gather3A_1190, %scan3A_1151 : vector<16xi1>, vector<16xf32>
      %select_n3A_1199 = arith.select %gt3A_1191, %scan3A_1149, %select_n3A_1198 : vector<16xi1>, vector<16xf32>
      %select_n3A_1200 = arith.select %and3A_1195, %add3A_1158, %scan3A_1152 : vector<16xi1>, vector<16xi32>
      %select_n3A_1201 = arith.select %gt3A_1191, %scan3A_1150, %select_n3A_1200 : vector<16xi1>, vector<16xi32>
      %mul3A_1202 = arith.constant 4 : i32
      %mul3A_1203 = arith.muli %scan3A_1136, %mul3A_1202 : i32
      %add3A_1204 = arith.constant 1 : i32
      %add3A_1205 = arith.addi %mul3A_1203, %add3A_1204 : i32
      %add3A_1206 = vector.broadcast %add3A_1205 : i32 to vector<16xi32>
      %add3A_1207 = arith.addi %add3A_1206, %broadcast_in_dim3A_5 : vector<16xi32>
      %gather3A_1208 = tpu.vector_load_idx %arg6[%add3A_8, %add3A_1207] : memref<64x64xf32, #tpu.memory_space<vmem>>[vector<16xi32>, vector<16xi32>], vector<16xf32>,
      %gt3A_1209 = arith.cmpf ogt, %gather3A_1208, %select_n3A : vector<16xf32>
      %not3A_1210 = arith.constant dense<true> : vector<16xi1>
      %not3A_1211 = arith.xori %gt3A_1209, %not3A_1210 : vector<16xi1>
      %gt3A_1212 = arith.cmpf ogt, %gather3A_1208, %select_n3A_1163 : vector<16xf32>
      %and3A_1213 = arith.andi %not3A_1211, %gt3A_1212 : vector<16xi1>
      %select_n3A_1214 = arith.select %gt3A_1209, %gather3A_1208, %select_n3A : vector<16xi1>, vector<16xf32>
      %select_n3A_1215 = arith.select %gt3A_1209, %add3A_1207, %select_n3A_1161 : vector<16xi1>, vector<16xi32>
      %select_n3A_1216 = arith.select %and3A_1213, %gather3A_1208, %select_n3A_1163 : vector<16xi1>, vector<16xf32>
      %select_n3A_1217 = arith.select %gt3A_1209, %select_n3A, %select_n3A_1216 : vector<16xi1>, vector<16xf32>
      %select_n3A_1218 = arith.select %and3A_1213, %add3A_1207, %select_n3A_1165 : vector<16xi1>, vector<16xi32>
      %select_n3A_1219 = arith.select %gt3A_1209, %select_n3A_1161, %select_n3A_1218 : vector<16xi1>, vector<16xi32>
      %gather3A_1220 = tpu.vector_load_idx %arg6[%add3A_11, %add3A_1207] : memref<64x64xf32, #tpu.memory_space<vmem>>[vector<16xi32>, vector<16xi32>], vector<16xf32>,
      %gt3A_1221 = arith.cmpf ogt, %gather3A_1220, %select_n3A_1172 : vector<16xf32>
      %not3A_1222 = arith.constant dense<true> : vector<16xi1>
      %not3A_1223 = arith.xori %gt3A_1221, %not3A_1222 : vector<16xi1>
      %gt3A_1224 = arith.cmpf ogt, %gather3A_1220, %select_n3A_1175 : vector<16xf32>
      %and3A_1225 = arith.andi %not3A_1223, %gt3A_1224 : vector<16xi1>
      %select_n3A_1226 = arith.select %gt3A_1221, %gather3A_1220, %select_n3A_1172 : vector<16xi1>, vector<16xf32>
      %select_n3A_1227 = arith.select %gt3A_1221, %add3A_1207, %select_n3A_1173 : vector<16xi1>, vector<16xi32>
      %select_n3A_1228 = arith.select %and3A_1225, %gather3A_1220, %select_n3A_1175 : vector<16xi1>, vector<16xf32>
      %select_n3A_1229 = arith.select %gt3A_1221, %select_n3A_1172, %select_n3A_1228 : vector<16xi1>, vector<16xf32>
      %select_n3A_1230 = arith.select %and3A_1225, %add3A_1207, %select_n3A_1177 : vector<16xi1>, vector<16xi32>
      %select_n3A_1231 = arith.select %gt3A_1221, %select_n3A_1173, %select_n3A_1230 : vector<16xi1>, vector<16xi32>
      %gather3A_1232 = tpu.vector_load_idx %arg6[%add3A_14, %add3A_1207] : memref<64x64xf32, #tpu.memory_space<vmem>>[vector<16xi32>, vector<16xi32>], vector<16xf32>,
      %gt3A_1233 = arith.cmpf ogt, %gather3A_1232, %select_n3A_1184 : vector<16xf32>
      %not3A_1234 = arith.constant dense<true> : vector<16xi1>
      %not3A_1235 = arith.xori %gt3A_1233, %not3A_1234 : vector<16xi1>
      %gt3A_1236 = arith.cmpf ogt, %gather3A_1232, %select_n3A_1187 : vector<16xf32>
      %and3A_1237 = arith.andi %not3A_1235, %gt3A_1236 : vector<16xi1>
      %select_n3A_1238 = arith.select %gt3A_1233, %gather3A_1232, %select_n3A_1184 : vector<16xi1>, vector<16xf32>
      %select_n3A_1239 = arith.select %gt3A_1233, %add3A_1207, %select_n3A_1185 : vector<16xi1>, vector<16xi32>
      %select_n3A_1240 = arith.select %and3A_1237, %gather3A_1232, %select_n3A_1187 : vector<16xi1>, vector<16xf32>
      %select_n3A_1241 = arith.select %gt3A_1233, %select_n3A_1184, %select_n3A_1240 : vector<16xi1>, vector<16xf32>
      %select_n3A_1242 = arith.select %and3A_1237, %add3A_1207, %select_n3A_1189 : vector<16xi1>, vector<16xi32>
      %select_n3A_1243 = arith.select %gt3A_1233, %select_n3A_1185, %select_n3A_1242 : vector<16xi1>, vector<16xi32>
      %gather3A_1244 = tpu.vector_load_idx %arg6[%add3A_17, %add3A_1207] : memref<64x64xf32, #tpu.memory_space<vmem>>[vector<16xi32>, vector<16xi32>], vector<16xf32>,
      %gt3A_1245 = arith.cmpf ogt, %gather3A_1244, %select_n3A_1196 : vector<16xf32>
      %not3A_1246 = arith.constant dense<true> : vector<16xi1>
      %not3A_1247 = arith.xori %gt3A_1245, %not3A_1246 : vector<16xi1>
      %gt3A_1248 = arith.cmpf ogt, %gather3A_1244, %select_n3A_1199 : vector<16xf32>
      %and3A_1249 = arith.andi %not3A_1247, %gt3A_1248 : vector<16xi1>
      %select_n3A_1250 = arith.select %gt3A_1245, %gather3A_1244, %select_n3A_1196 : vector<16xi1>, vector<16xf32>
      %select_n3A_1251 = arith.select %gt3A_1245, %add3A_1207, %select_n3A_1197 : vector<16xi1>, vector<16xi32>
      %select_n3A_1252 = arith.select %and3A_1249, %gather3A_1244, %select_n3A_1199 : vector<16xi1>, vector<16xf32>
      %select_n3A_1253 = arith.select %gt3A_1245, %select_n3A_1196, %select_n3A_1252 : vector<16xi1>, vector<16xf32>
      %select_n3A_1254 = arith.select %and3A_1249, %add3A_1207, %select_n3A_1201 : vector<16xi1>, vector<16xi32>
      %select_n3A_1255 = arith.select %gt3A_1245, %select_n3A_1197, %select_n3A_1254 : vector<16xi1>, vector<16xi32>
      %mul3A_1256 = arith.constant 4 : i32
      %mul3A_1257 = arith.muli %scan3A_1136, %mul3A_1256 : i32
      %add3A_1258 = arith.constant 2 : i32
      %add3A_1259 = arith.addi %mul3A_1257, %add3A_1258 : i32
      %add3A_1260 = vector.broadcast %add3A_1259 : i32 to vector<16xi32>
      %add3A_1261 = arith.addi %add3A_1260, %broadcast_in_dim3A_5 : vector<16xi32>
      %gather3A_1262 = tpu.vector_load_idx %arg6[%add3A_8, %add3A_1261] : memref<64x64xf32, #tpu.memory_space<vmem>>[vector<16xi32>, vector<16xi32>], vector<16xf32>,
      %gt3A_1263 = arith.cmpf ogt, %gather3A_1262, %select_n3A_1214 : vector<16xf32>
      %not3A_1264 = arith.constant dense<true> : vector<16xi1>
      %not3A_1265 = arith.xori %gt3A_1263, %not3A_1264 : vector<16xi1>
      %gt3A_1266 = arith.cmpf ogt, %gather3A_1262, %select_n3A_1217 : vector<16xf32>
      %and3A_1267 = arith.andi %not3A_1265, %gt3A_1266 : vector<16xi1>
      %select_n3A_1268 = arith.select %gt3A_1263, %gather3A_1262, %select_n3A_1214 : vector<16xi1>, vector<16xf32>
      %select_n3A_1269 = arith.select %gt3A_1263, %add3A_1261, %select_n3A_1215 : vector<16xi1>, vector<16xi32>
      %select_n3A_1270 = arith.select %and3A_1267, %gather3A_1262, %select_n3A_1217 : vector<16xi1>, vector<16xf32>
      %select_n3A_1271 = arith.select %gt3A_1263, %select_n3A_1214, %select_n3A_1270 : vector<16xi1>, vector<16xf32>
      %select_n3A_1272 = arith.select %and3A_1267, %add3A_1261, %select_n3A_1219 : vector<16xi1>, vector<16xi32>
      %select_n3A_1273 = arith.select %gt3A_1263, %select_n3A_1215, %select_n3A_1272 : vector<16xi1>, vector<16xi32>
      %gather3A_1274 = tpu.vector_load_idx %arg6[%add3A_11, %add3A_1261] : memref<64x64xf32, #tpu.memory_space<vmem>>[vector<16xi32>, vector<16xi32>], vector<16xf32>,
      %gt3A_1275 = arith.cmpf ogt, %gather3A_1274, %select_n3A_1226 : vector<16xf32>
      %not3A_1276 = arith.constant dense<true> : vector<16xi1>
      %not3A_1277 = arith.xori %gt3A_1275, %not3A_1276 : vector<16xi1>
      %gt3A_1278 = arith.cmpf ogt, %gather3A_1274, %select_n3A_1229 : vector<16xf32>
      %and3A_1279 = arith.andi %not3A_1277, %gt3A_1278 : vector<16xi1>
      %select_n3A_1280 = arith.select %gt3A_1275, %gather3A_1274, %select_n3A_1226 : vector<16xi1>, vector<16xf32>
      %select_n3A_1281 = arith.select %gt3A_1275, %add3A_1261, %select_n3A_1227 : vector<16xi1>, vector<16xi32>
      %select_n3A_1282 = arith.select %and3A_1279, %gather3A_1274, %select_n3A_1229 : vector<16xi1>, vector<16xf32>
      %select_n3A_1283 = arith.select %gt3A_1275, %select_n3A_1226, %select_n3A_1282 : vector<16xi1>, vector<16xf32>
      %select_n3A_1284 = arith.select %and3A_1279, %add3A_1261, %select_n3A_1231 : vector<16xi1>, vector<16xi32>
      %select_n3A_1285 = arith.select %gt3A_1275, %select_n3A_1227, %select_n3A_1284 : vector<16xi1>, vector<16xi32>
      %gather3A_1286 = tpu.vector_load_idx %arg6[%add3A_14, %add3A_1261] : memref<64x64xf32, #tpu.memory_space<vmem>>[vector<16xi32>, vector<16xi32>], vector<16xf32>,
      %gt3A_1287 = arith.cmpf ogt, %gather3A_1286, %select_n3A_1238 : vector<16xf32>
      %not3A_1288 = arith.constant dense<true> : vector<16xi1>
      %not3A_1289 = arith.xori %gt3A_1287, %not3A_1288 : vector<16xi1>
      %gt3A_1290 = arith.cmpf ogt, %gather3A_1286, %select_n3A_1241 : vector<16xf32>
      %and3A_1291 = arith.andi %not3A_1289, %gt3A_1290 : vector<16xi1>
      %select_n3A_1292 = arith.select %gt3A_1287, %gather3A_1286, %select_n3A_1238 : vector<16xi1>, vector<16xf32>
      %select_n3A_1293 = arith.select %gt3A_1287, %add3A_1261, %select_n3A_1239 : vector<16xi1>, vector<16xi32>
      %select_n3A_1294 = arith.select %and3A_1291, %gather3A_1286, %select_n3A_1241 : vector<16xi1>, vector<16xf32>
      %select_n3A_1295 = arith.select %gt3A_1287, %select_n3A_1238, %select_n3A_1294 : vector<16xi1>, vector<16xf32>
      %select_n3A_1296 = arith.select %and3A_1291, %add3A_1261, %select_n3A_1243 : vector<16xi1>, vector<16xi32>
      %select_n3A_1297 = arith.select %gt3A_1287, %select_n3A_1239, %select_n3A_1296 : vector<16xi1>, vector<16xi32>
      %gather3A_1298 = tpu.vector_load_idx %arg6[%add3A_17, %add3A_1261] : memref<64x64xf32, #tpu.memory_space<vmem>>[vector<16xi32>, vector<16xi32>], vector<16xf32>,
      %gt3A_1299 = arith.cmpf ogt, %gather3A_1298, %select_n3A_1250 : vector<16xf32>
      %not3A_1300 = arith.constant dense<true> : vector<16xi1>
      %not3A_1301 = arith.xori %gt3A_1299, %not3A_1300 : vector<16xi1>
      %gt3A_1302 = arith.cmpf ogt, %gather3A_1298, %select_n3A_1253 : vector<16xf32>
      %and3A_1303 = arith.andi %not3A_1301, %gt3A_1302 : vector<16xi1>
      %select_n3A_1304 = arith.select %gt3A_1299, %gather3A_1298, %select_n3A_1250 : vector<16xi1>, vector<16xf32>
      %select_n3A_1305 = arith.select %gt3A_1299, %add3A_1261, %select_n3A_1251 : vector<16xi1>, vector<16xi32>
      %select_n3A_1306 = arith.select %and3A_1303, %gather3A_1298, %select_n3A_1253 : vector<16xi1>, vector<16xf32>
      %select_n3A_1307 = arith.select %gt3A_1299, %select_n3A_1250, %select_n3A_1306 : vector<16xi1>, vector<16xf32>
      %select_n3A_1308 = arith.select %and3A_1303, %add3A_1261, %select_n3A_1255 : vector<16xi1>, vector<16xi32>
      %select_n3A_1309 = arith.select %gt3A_1299, %select_n3A_1251, %select_n3A_1308 : vector<16xi1>, vector<16xi32>
      %mul3A_1310 = arith.constant 4 : i32
      %mul3A_1311 = arith.muli %scan3A_1136, %mul3A_1310 : i32
      %add3A_1312 = arith.constant 3 : i32
      %add3A_1313 = arith.addi %mul3A_1311, %add3A_1312 : i32
      %add3A_1314 = vector.broadcast %add3A_1313 : i32 to vector<16xi32>
      %add3A_1315 = arith.addi %add3A_1314, %broadcast_in_dim3A_5 : vector<16xi32>
      %gather3A_1316 = tpu.vector_load_idx %arg6[%add3A_8, %add3A_1315] : memref<64x64xf32, #tpu.memory_space<vmem>>[vector<16xi32>, vector<16xi32>], vector<16xf32>,
      %gt3A_1317 = arith.cmpf ogt, %gather3A_1316, %select_n3A_1268 : vector<16xf32>
      %not3A_1318 = arith.constant dense<true> : vector<16xi1>
      %not3A_1319 = arith.xori %gt3A_1317, %not3A_1318 : vector<16xi1>
      %gt3A_1320 = arith.cmpf ogt, %gather3A_1316, %select_n3A_1271 : vector<16xf32>
      %and3A_1321 = arith.andi %not3A_1319, %gt3A_1320 : vector<16xi1>
      %select_n3A_1322 = arith.select %gt3A_1317, %gather3A_1316, %select_n3A_1268 : vector<16xi1>, vector<16xf32>
      %select_n3A_1323 = arith.select %gt3A_1317, %add3A_1315, %select_n3A_1269 : vector<16xi1>, vector<16xi32>
      %select_n3A_1324 = arith.select %and3A_1321, %gather3A_1316, %select_n3A_1271 : vector<16xi1>, vector<16xf32>
      %select_n3A_1325 = arith.select %gt3A_1317, %select_n3A_1268, %select_n3A_1324 : vector<16xi1>, vector<16xf32>
      %select_n3A_1326 = arith.select %and3A_1321, %add3A_1315, %select_n3A_1273 : vector<16xi1>, vector<16xi32>
      %select_n3A_1327 = arith.select %gt3A_1317, %select_n3A_1269, %select_n3A_1326 : vector<16xi1>, vector<16xi32>
      %gather3A_1328 = tpu.vector_load_idx %arg6[%add3A_11, %add3A_1315] : memref<64x64xf32, #tpu.memory_space<vmem>>[vector<16xi32>, vector<16xi32>], vector<16xf32>,
      %gt3A_1329 = arith.cmpf ogt, %gather3A_1328, %select_n3A_1280 : vector<16xf32>
      %not3A_1330 = arith.constant dense<true> : vector<16xi1>
      %not3A_1331 = arith.xori %gt3A_1329, %not3A_1330 : vector<16xi1>
      %gt3A_1332 = arith.cmpf ogt, %gather3A_1328, %select_n3A_1283 : vector<16xf32>
      %and3A_1333 = arith.andi %not3A_1331, %gt3A_1332 : vector<16xi1>
      %select_n3A_1334 = arith.select %gt3A_1329, %gather3A_1328, %select_n3A_1280 : vector<16xi1>, vector<16xf32>
      %select_n3A_1335 = arith.select %gt3A_1329, %add3A_1315, %select_n3A_1281 : vector<16xi1>, vector<16xi32>
      %select_n3A_1336 = arith.select %and3A_1333, %gather3A_1328, %select_n3A_1283 : vector<16xi1>, vector<16xf32>
      %select_n3A_1337 = arith.select %gt3A_1329, %select_n3A_1280, %select_n3A_1336 : vector<16xi1>, vector<16xf32>
      %select_n3A_1338 = arith.select %and3A_1333, %add3A_1315, %select_n3A_1285 : vector<16xi1>, vector<16xi32>
      %select_n3A_1339 = arith.select %gt3A_1329, %select_n3A_1281, %select_n3A_1338 : vector<16xi1>, vector<16xi32>
      %gather3A_1340 = tpu.vector_load_idx %arg6[%add3A_14, %add3A_1315] : memref<64x64xf32, #tpu.memory_space<vmem>>[vector<16xi32>, vector<16xi32>], vector<16xf32>,
      %gt3A_1341 = arith.cmpf ogt, %gather3A_1340, %select_n3A_1292 : vector<16xf32>
      %not3A_1342 = arith.constant dense<true> : vector<16xi1>
      %not3A_1343 = arith.xori %gt3A_1341, %not3A_1342 : vector<16xi1>
      %gt3A_1344 = arith.cmpf ogt, %gather3A_1340, %select_n3A_1295 : vector<16xf32>
      %and3A_1345 = arith.andi %not3A_1343, %gt3A_1344 : vector<16xi1>
      %select_n3A_1346 = arith.select %gt3A_1341, %gather3A_1340, %select_n3A_1292 : vector<16xi1>, vector<16xf32>
      %select_n3A_1347 = arith.select %gt3A_1341, %add3A_1315, %select_n3A_1293 : vector<16xi1>, vector<16xi32>
      %select_n3A_1348 = arith.select %and3A_1345, %gather3A_1340, %select_n3A_1295 : vector<16xi1>, vector<16xf32>
      %select_n3A_1349 = arith.select %gt3A_1341, %select_n3A_1292, %select_n3A_1348 : vector<16xi1>, vector<16xf32>
      %select_n3A_1350 = arith.select %and3A_1345, %add3A_1315, %select_n3A_1297 : vector<16xi1>, vector<16xi32>
      %select_n3A_1351 = arith.select %gt3A_1341, %select_n3A_1293, %select_n3A_1350 : vector<16xi1>, vector<16xi32>
      %gather3A_1352 = tpu.vector_load_idx %arg6[%add3A_17, %add3A_1315] : memref<64x64xf32, #tpu.memory_space<vmem>>[vector<16xi32>, vector<16xi32>], vector<16xf32>,
      %gt3A_1353 = arith.cmpf ogt, %gather3A_1352, %select_n3A_1304 : vector<16xf32>
      %not3A_1354 = arith.constant dense<true> : vector<16xi1>
      %not3A_1355 = arith.xori %gt3A_1353, %not3A_1354 : vector<16xi1>
      %gt3A_1356 = arith.cmpf ogt, %gather3A_1352, %select_n3A_1307 : vector<16xf32>
      %and3A_1357 = arith.andi %not3A_1355, %gt3A_1356 : vector<16xi1>
      %select_n3A_1358 = arith.select %gt3A_1353, %gather3A_1352, %select_n3A_1304 : vector<16xi1>, vector<16xf32>
      %select_n3A_1359 = arith.select %gt3A_1353, %add3A_1315, %select_n3A_1305 : vector<16xi1>, vector<16xi32>
      %select_n3A_1360 = arith.select %and3A_1357, %gather3A_1352, %select_n3A_1307 : vector<16xi1>, vector<16xf32>
      %select_n3A_1361 = arith.select %gt3A_1353, %select_n3A_1304, %select_n3A_1360 : vector<16xi1>, vector<16xf32>
      %select_n3A_1362 = arith.select %and3A_1357, %add3A_1315, %select_n3A_1309 : vector<16xi1>, vector<16xi32>
      %select_n3A_1363 = arith.select %gt3A_1353, %select_n3A_1305, %select_n3A_1362 : vector<16xi1>, vector<16xi32>
      scf.yield %select_n3A_1322, %select_n3A_1323, %select_n3A_1325, %select_n3A_1327, %select_n3A_1334, %select_n3A_1335, %select_n3A_1337, %select_n3A_1339, %select_n3A_1346, %select_n3A_1347, %select_n3A_1349, %select_n3A_1351, %select_n3A_1358, %select_n3A_1359, %select_n3A_1361, %select_n3A_1363 : vector<16xf32>, vector<16xi32>, vector<16xf32>, vector<16xi32>, vector<16xf32>, vector<16xi32>, vector<16xf32>, vector<16xi32>, vector<16xf32>, vector<16xi32>, vector<16xf32>, vector<16xi32>, vector<16xf32>, vector<16xi32>, vector<16xf32>, vector<16xi32>
    }
    %scan3A_1069 = arith.constant 16 : i32
    %sub3A = arith.subf %scan3A_1068#2, %scan3A_1068#0 : vector<16xf32>
    %exp3A = math.exp %sub3A : vector<16xf32>
    %add3A_1070 = arith.constant 1.000000e+00 : f32
    %add3A_1071 = vector.broadcast %add3A_1070 : f32 to vector<16xf32>
    %add3A_1072 = arith.addf %add3A_1071, %exp3A : vector<16xf32>
    %div3A = arith.constant 1.000000e+00 : f32
    %div3A_1073 = vector.broadcast %div3A : f32 to vector<16xf32>
    %div3A_1074 = arith.divf %div3A_1073, %add3A_1072 : vector<16xf32>
    %sub3A_1075 = arith.constant 1.000000e+00 : f32
    %sub3A_1076 = vector.broadcast %sub3A_1075 : f32 to vector<16xf32>
    %sub3A_1077 = arith.subf %sub3A_1076, %div3A_1074 : vector<16xf32>
    tpu.vector_store_idx %arg8[%add3A_8, %broadcast_in_dim3A_5], %div3A_1074 : memref<64x2xf32, #tpu.memory_space<vmem>>[vector<16xi32>, vector<16xi32>], vector<16xf32>,
    %add3A_1078 = arith.constant 1 : i32
    %add3A_1079 = vector.broadcast %add3A_1078 : i32 to vector<16xi32>
    %add3A_1080 = arith.addi %broadcast_in_dim3A_5, %add3A_1079 : vector<16xi32>
    tpu.vector_store_idx %arg8[%add3A_8, %add3A_1080], %sub3A_1077 : memref<64x2xf32, #tpu.memory_space<vmem>>[vector<16xi32>, vector<16xi32>], vector<16xf32>,
    tpu.vector_store_idx %arg9[%add3A_8, %broadcast_in_dim3A_5], %scan3A_1068#1 : memref<64x2xi32, #tpu.memory_space<vmem>>[vector<16xi32>, vector<16xi32>], vector<16xi32>,
    %add3A_1081 = arith.constant 1 : i32
    %add3A_1082 = vector.broadcast %add3A_1081 : i32 to vector<16xi32>
    %add3A_1083 = arith.addi %broadcast_in_dim3A_5, %add3A_1082 : vector<16xi32>
    tpu.vector_store_idx %arg9[%add3A_8, %add3A_1083], %scan3A_1068#3 : memref<64x2xi32, #tpu.memory_space<vmem>>[vector<16xi32>, vector<16xi32>], vector<16xi32>,
    tpu.vector_store_idx %arg7[%add3A_8, %scan3A_1068#1], %div3A_1074 : memref<64x64xf32, #tpu.memory_space<vmem>>[vector<16xi32>, vector<16xi32>], vector<16xf32>,
    tpu.vector_store_idx %arg7[%add3A_8, %scan3A_1068#3], %sub3A_1077 : memref<64x64xf32, #tpu.memory_space<vmem>>[vector<16xi32>, vector<16xi32>], vector<16xf32>,
    %sub3A_1084 = arith.subf %scan3A_1068#6, %scan3A_1068#4 : vector<16xf32>
    %exp3A_1085 = math.exp %sub3A_1084 : vector<16xf32>
    %add3A_1086 = arith.constant 1.000000e+00 : f32
    %add3A_1087 = vector.broadcast %add3A_1086 : f32 to vector<16xf32>
    %add3A_1088 = arith.addf %add3A_1087, %exp3A_1085 : vector<16xf32>
    %div3A_1089 = arith.constant 1.000000e+00 : f32
    %div3A_1090 = vector.broadcast %div3A_1089 : f32 to vector<16xf32>
    %div3A_1091 = arith.divf %div3A_1090, %add3A_1088 : vector<16xf32>
    %sub3A_1092 = arith.constant 1.000000e+00 : f32
    %sub3A_1093 = vector.broadcast %sub3A_1092 : f32 to vector<16xf32>
    %sub3A_1094 = arith.subf %sub3A_1093, %div3A_1091 : vector<16xf32>
    tpu.vector_store_idx %arg8[%add3A_11, %broadcast_in_dim3A_5], %div3A_1091 : memref<64x2xf32, #tpu.memory_space<vmem>>[vector<16xi32>, vector<16xi32>], vector<16xf32>,
    %add3A_1095 = arith.constant 1 : i32
    %add3A_1096 = vector.broadcast %add3A_1095 : i32 to vector<16xi32>
    %add3A_1097 = arith.addi %broadcast_in_dim3A_5, %add3A_1096 : vector<16xi32>
    tpu.vector_store_idx %arg8[%add3A_11, %add3A_1097], %sub3A_1094 : memref<64x2xf32, #tpu.memory_space<vmem>>[vector<16xi32>, vector<16xi32>], vector<16xf32>,
    tpu.vector_store_idx %arg9[%add3A_11, %broadcast_in_dim3A_5], %scan3A_1068#5 : memref<64x2xi32, #tpu.memory_space<vmem>>[vector<16xi32>, vector<16xi32>], vector<16xi32>,
    %add3A_1098 = arith.constant 1 : i32
    %add3A_1099 = vector.broadcast %add3A_1098 : i32 to vector<16xi32>
    %add3A_1100 = arith.addi %broadcast_in_dim3A_5, %add3A_1099 : vector<16xi32>
    tpu.vector_store_idx %arg9[%add3A_11, %add3A_1100], %scan3A_1068#7 : memref<64x2xi32, #tpu.memory_space<vmem>>[vector<16xi32>, vector<16xi32>], vector<16xi32>,
    tpu.vector_store_idx %arg7[%add3A_11, %scan3A_1068#5], %div3A_1091 : memref<64x64xf32, #tpu.memory_space<vmem>>[vector<16xi32>, vector<16xi32>], vector<16xf32>,
    tpu.vector_store_idx %arg7[%add3A_11, %scan3A_1068#7], %sub3A_1094 : memref<64x64xf32, #tpu.memory_space<vmem>>[vector<16xi32>, vector<16xi32>], vector<16xf32>,
    %sub3A_1101 = arith.subf %scan3A_1068#10, %scan3A_1068#8 : vector<16xf32>
    %exp3A_1102 = math.exp %sub3A_1101 : vector<16xf32>
    %add3A_1103 = arith.constant 1.000000e+00 : f32
    %add3A_1104 = vector.broadcast %add3A_1103 : f32 to vector<16xf32>
    %add3A_1105 = arith.addf %add3A_1104, %exp3A_1102 : vector<16xf32>
    %div3A_1106 = arith.constant 1.000000e+00 : f32
    %div3A_1107 = vector.broadcast %div3A_1106 : f32 to vector<16xf32>
    %div3A_1108 = arith.divf %div3A_1107, %add3A_1105 : vector<16xf32>
    %sub3A_1109 = arith.constant 1.000000e+00 : f32
    %sub3A_1110 = vector.broadcast %sub3A_1109 : f32 to vector<16xf32>
    %sub3A_1111 = arith.subf %sub3A_1110, %div3A_1108 : vector<16xf32>
    tpu.vector_store_idx %arg8[%add3A_14, %broadcast_in_dim3A_5], %div3A_1108 : memref<64x2xf32, #tpu.memory_space<vmem>>[vector<16xi32>, vector<16xi32>], vector<16xf32>,
    %add3A_1112 = arith.constant 1 : i32
    %add3A_1113 = vector.broadcast %add3A_1112 : i32 to vector<16xi32>
    %add3A_1114 = arith.addi %broadcast_in_dim3A_5, %add3A_1113 : vector<16xi32>
    tpu.vector_store_idx %arg8[%add3A_14, %add3A_1114], %sub3A_1111 : memref<64x2xf32, #tpu.memory_space<vmem>>[vector<16xi32>, vector<16xi32>], vector<16xf32>,
    tpu.vector_store_idx %arg9[%add3A_14, %broadcast_in_dim3A_5], %scan3A_1068#9 : memref<64x2xi32, #tpu.memory_space<vmem>>[vector<16xi32>, vector<16xi32>], vector<16xi32>,
    %add3A_1115 = arith.constant 1 : i32
    %add3A_1116 = vector.broadcast %add3A_1115 : i32 to vector<16xi32>
    %add3A_1117 = arith.addi %broadcast_in_dim3A_5, %add3A_1116 : vector<16xi32>
    tpu.vector_store_idx %arg9[%add3A_14, %add3A_1117], %scan3A_1068#11 : memref<64x2xi32, #tpu.memory_space<vmem>>[vector<16xi32>, vector<16xi32>], vector<16xi32>,
    tpu.vector_store_idx %arg7[%add3A_14, %scan3A_1068#9], %div3A_1108 : memref<64x64xf32, #tpu.memory_space<vmem>>[vector<16xi32>, vector<16xi32>], vector<16xf32>,
    tpu.vector_store_idx %arg7[%add3A_14, %scan3A_1068#11], %sub3A_1111 : memref<64x64xf32, #tpu.memory_space<vmem>>[vector<16xi32>, vector<16xi32>], vector<16xf32>,
    %sub3A_1118 = arith.subf %scan3A_1068#14, %scan3A_1068#12 : vector<16xf32>
    %exp3A_1119 = math.exp %sub3A_1118 : vector<16xf32>
    %add3A_1120 = arith.constant 1.000000e+00 : f32
    %add3A_1121 = vector.broadcast %add3A_1120 : f32 to vector<16xf32>
    %add3A_1122 = arith.addf %add3A_1121, %exp3A_1119 : vector<16xf32>
    %div3A_1123 = arith.constant 1.000000e+00 : f32
    %div3A_1124 = vector.broadcast %div3A_1123 : f32 to vector<16xf32>
    %div3A_1125 = arith.divf %div3A_1124, %add3A_1122 : vector<16xf32>
    %sub3A_1126 = arith.constant 1.000000e+00 : f32
    %sub3A_1127 = vector.broadcast %sub3A_1126 : f32 to vector<16xf32>
    %sub3A_1128 = arith.subf %sub3A_1127, %div3A_1125 : vector<16xf32>
    tpu.vector_store_idx %arg8[%add3A_17, %broadcast_in_dim3A_5], %div3A_1125 : memref<64x2xf32, #tpu.memory_space<vmem>>[vector<16xi32>, vector<16xi32>], vector<16xf32>,
    %add3A_1129 = arith.constant 1 : i32
    %add3A_1130 = vector.broadcast %add3A_1129 : i32 to vector<16xi32>
    %add3A_1131 = arith.addi %broadcast_in_dim3A_5, %add3A_1130 : vector<16xi32>
    tpu.vector_store_idx %arg8[%add3A_17, %add3A_1131], %sub3A_1128 : memref<64x2xf32, #tpu.memory_space<vmem>>[vector<16xi32>, vector<16xi32>], vector<16xf32>,
    tpu.vector_store_idx %arg9[%add3A_17, %broadcast_in_dim3A_5], %scan3A_1068#13 : memref<64x2xi32, #tpu.memory_space<vmem>>[vector<16xi32>, vector<16xi32>], vector<16xi32>,
    %add3A_1132 = arith.constant 1 : i32
    %add3A_1133 = vector.broadcast %add3A_1132 : i32 to vector<16xi32>
    %add3A_1134 = arith.addi %broadcast_in_dim3A_5, %add3A_1133 : vector<16xi32>
    tpu.vector_store_idx %arg9[%add3A_17, %add3A_1134], %scan3A_1068#15 : memref<64x2xi32, #tpu.memory_space<vmem>>[vector<16xi32>, vector<16xi32>], vector<16xi32>,
    tpu.vector_store_idx %arg7[%add3A_17, %scan3A_1068#13], %div3A_1125 : memref<64x64xf32, #tpu.memory_space<vmem>>[vector<16xi32>, vector<16xi32>], vector<16xf32>,
    tpu.vector_store_idx %arg7[%add3A_17, %scan3A_1068#15], %sub3A_1128 : memref<64x64xf32, #tpu.memory_space<vmem>>[vector<16xi32>, vector<16xi32>], vector<16xf32>,
    "tpu.region"() ({
      %run_scoped3A_1136 = tpu.sem_alloc : memref<!tpu.dma_semaphore, #tpu.memory_space<semaphore_mem>>
      %dma_start3A = arith.constant 0 : i32
      %dma_start3A_1137 = tpu.memref_slice %arg3[%mul3A_2, %dma_start3A] : memref<2048x64xf32, #tpu.memory_space<hbm>> -> memref<64x64xf32, #tpu.memory_space<hbm>>
      %dma_start3A_1138 = arith.constant 0 : i32
      %dma_start3A_1139 = tpu.memref_slice %arg3[%mul3A_2, %dma_start3A_1138] : memref<2048x64xf32, #tpu.memory_space<hbm>> -> memref<64x64xf32, #tpu.memory_space<hbm>>
      tpu.enqueue_dma source(%arg7 : memref<64x64xf32, #tpu.memory_space<vmem>>) target(%dma_start3A_1139 : memref<64x64xf32, #tpu.memory_space<hbm>>) target_semaphore(%run_scoped3A_1136 : memref<!tpu.dma_semaphore, #tpu.memory_space<semaphore_mem>>)
      %dma_wait3A = arith.constant 0 : i32
      %dma_wait3A_1140 = tpu.memref_slice %arg3[%mul3A_2, %dma_wait3A] : memref<2048x64xf32, #tpu.memory_space<hbm>> -> memref<64x64xf32, #tpu.memory_space<hbm>>
      %dma_wait3A_1141 = arith.constant 0 : i32
      %dma_wait3A_1142 = tpu.memref_slice %arg3[%mul3A_2, %dma_wait3A_1141] : memref<2048x64xf32, #tpu.memory_space<hbm>> -> memref<64x64xf32, #tpu.memory_space<hbm>>
      tpu.wait_dma2 semaphore(%run_scoped3A_1136 : memref<!tpu.dma_semaphore, #tpu.memory_space<semaphore_mem>>) src(%arg7 : memref<64x64xf32, #tpu.memory_space<vmem>>) dst(%dma_wait3A_1142 : memref<64x64xf32, #tpu.memory_space<hbm>>)
      tpu.yield
    }) : () -> ()
    %run_scoped3A = arith.constant 0 : i32
    "tpu.region"() ({
      %run_scoped3A_1136 = tpu.sem_alloc : memref<!tpu.dma_semaphore, #tpu.memory_space<semaphore_mem>>
      %dma_start3A = arith.constant 0 : i32
      %dma_start3A_1137 = tpu.memref_slice %arg4[%run_scoped3A, %mul3A_2, %dma_start3A] : memref<1x2048x2xf32, #tpu.memory_space<hbm>> -> memref<1x64x2xf32, #tpu.memory_space<hbm>>
      %dma_start3A_1138 = tpu.memref_squeeze %dma_start3A_1137 : memref<1x64x2xf32, #tpu.memory_space<hbm>> -> memref<64x2xf32, #tpu.memory_space<hbm>>
      %dma_start3A_1139 = arith.constant 0 : i32
      %dma_start3A_1140 = tpu.memref_slice %arg4[%run_scoped3A, %mul3A_2, %dma_start3A_1139] : memref<1x2048x2xf32, #tpu.memory_space<hbm>> -> memref<1x64x2xf32, #tpu.memory_space<hbm>>
      %dma_start3A_1141 = tpu.memref_squeeze %dma_start3A_1140 : memref<1x64x2xf32, #tpu.memory_space<hbm>> -> memref<64x2xf32, #tpu.memory_space<hbm>>
      tpu.enqueue_dma source(%arg8 : memref<64x2xf32, #tpu.memory_space<vmem>>) target(%dma_start3A_1141 : memref<64x2xf32, #tpu.memory_space<hbm>>) target_semaphore(%run_scoped3A_1136 : memref<!tpu.dma_semaphore, #tpu.memory_space<semaphore_mem>>)
      %dma_wait3A = arith.constant 0 : i32
      %dma_wait3A_1142 = tpu.memref_slice %arg4[%run_scoped3A, %mul3A_2, %dma_wait3A] : memref<1x2048x2xf32, #tpu.memory_space<hbm>> -> memref<1x64x2xf32, #tpu.memory_space<hbm>>
      %dma_wait3A_1143 = tpu.memref_squeeze %dma_wait3A_1142 : memref<1x64x2xf32, #tpu.memory_space<hbm>> -> memref<64x2xf32, #tpu.memory_space<hbm>>
      %dma_wait3A_1144 = arith.constant 0 : i32
      %dma_wait3A_1145 = tpu.memref_slice %arg4[%run_scoped3A, %mul3A_2, %dma_wait3A_1144] : memref<1x2048x2xf32, #tpu.memory_space<hbm>> -> memref<1x64x2xf32, #tpu.memory_space<hbm>>
      %dma_wait3A_1146 = tpu.memref_squeeze %dma_wait3A_1145 : memref<1x64x2xf32, #tpu.memory_space<hbm>> -> memref<64x2xf32, #tpu.memory_space<hbm>>
      tpu.wait_dma2 semaphore(%run_scoped3A_1136 : memref<!tpu.dma_semaphore, #tpu.memory_space<semaphore_mem>>) src(%arg8 : memref<64x2xf32, #tpu.memory_space<vmem>>) dst(%dma_wait3A_1146 : memref<64x2xf32, #tpu.memory_space<hbm>>)
      tpu.yield
    }) : () -> ()
    %run_scoped3A_1135 = arith.constant 0 : i32
    "tpu.region"() ({
      %run_scoped3A_1136 = tpu.sem_alloc : memref<!tpu.dma_semaphore, #tpu.memory_space<semaphore_mem>>
      %dma_start3A = arith.constant 0 : i32
      %dma_start3A_1137 = tpu.memref_slice %arg5[%run_scoped3A_1135, %mul3A_2, %dma_start3A] : memref<1x2048x2xi32, #tpu.memory_space<hbm>> -> memref<1x64x2xi32, #tpu.memory_space<hbm>>
      %dma_start3A_1138 = tpu.memref_squeeze %dma_start3A_1137 : memref<1x64x2xi32, #tpu.memory_space<hbm>> -> memref<64x2xi32, #tpu.memory_space<hbm>>
      %dma_start3A_1139 = arith.constant 0 : i32
      %dma_start3A_1140 = tpu.memref_slice %arg5[%run_scoped3A_1135, %mul3A_2, %dma_start3A_1139] : memref<1x2048x2xi32, #tpu.memory_space<hbm>> -> memref<1x64x2xi32, #tpu.memory_space<hbm>>
      %dma_start3A_1141 = tpu.memref_squeeze %dma_start3A_1140 : memref<1x64x2xi32, #tpu.memory_space<hbm>> -> memref<64x2xi32, #tpu.memory_space<hbm>>
      tpu.enqueue_dma source(%arg9 : memref<64x2xi32, #tpu.memory_space<vmem>>) target(%dma_start3A_1141 : memref<64x2xi32, #tpu.memory_space<hbm>>) target_semaphore(%run_scoped3A_1136 : memref<!tpu.dma_semaphore, #tpu.memory_space<semaphore_mem>>)
      %dma_wait3A = arith.constant 0 : i32
      %dma_wait3A_1142 = tpu.memref_slice %arg5[%run_scoped3A_1135, %mul3A_2, %dma_wait3A] : memref<1x2048x2xi32, #tpu.memory_space<hbm>> -> memref<1x64x2xi32, #tpu.memory_space<hbm>>
      %dma_wait3A_1143 = tpu.memref_squeeze %dma_wait3A_1142 : memref<1x64x2xi32, #tpu.memory_space<hbm>> -> memref<64x2xi32, #tpu.memory_space<hbm>>
      %dma_wait3A_1144 = arith.constant 0 : i32
      %dma_wait3A_1145 = tpu.memref_slice %arg5[%run_scoped3A_1135, %mul3A_2, %dma_wait3A_1144] : memref<1x2048x2xi32, #tpu.memory_space<hbm>> -> memref<1x64x2xi32, #tpu.memory_space<hbm>>
      %dma_wait3A_1146 = tpu.memref_squeeze %dma_wait3A_1145 : memref<1x64x2xi32, #tpu.memory_space<hbm>> -> memref<64x2xi32, #tpu.memory_space<hbm>>
      tpu.wait_dma2 semaphore(%run_scoped3A_1136 : memref<!tpu.dma_semaphore, #tpu.memory_space<semaphore_mem>>) src(%arg9 : memref<64x2xi32, #tpu.memory_space<vmem>>) dst(%dma_wait3A_1146 : memref<64x2xi32, #tpu.memory_space<hbm>>)
      tpu.yield
    }) : () -> ()
    return
  }
}

module attributes {stable_mosaic.version = 14 : i64} {
  func.func @_tc_scores_body(%arg0: i32, %arg1: memref<1024x768xf32, #tpu.memory_space<vmem>>, %arg2: memref<64x768xf32, #tpu.memory_space<vmem>>, %arg3: memref<1024x64xf32, #tpu.memory_space<vmem>>) attributes {dimension_semantics = [#tpu.dimension_semantics<arbitrary>], iteration_bounds = array<i64: 2>, scalar_prefetch = 0 : i64, scratch_operands = 0 : i64, tpu.core_type = #tpu.core_type<tc>, window_params = [{transform_indices = @transform_0, window_bounds = array<i64: 1024, 768>}, {pipeline_mode = #tpu.pipeline_mode<synchronous>, transform_indices = @transform_1, window_bounds = array<i64: 64, 768>}, {transform_indices = @transform_2, window_bounds = array<i64: 1024, 64>}]} {
    %get3A = arith.constant 0 : index
    %get3A_0 = arith.constant 0 : index
    %get3A_1 = vector.load %arg1[%get3A, %get3A_0] : memref<1024x768xf32, #tpu.memory_space<vmem>>, vector<1024x768xf32>
    %get3A_2 = arith.constant 0 : index
    %get3A_3 = arith.constant 0 : index
    %get3A_4 = vector.load %arg2[%get3A_2, %get3A_3] : memref<64x768xf32, #tpu.memory_space<vmem>>, vector<64x768xf32>
    %dot_general3A = arith.constant dense<0.000000e+00> : vector<1024x64xf32>
    %dot_general3A_5 = tpu.matmul %get3A_1, %get3A_4, %dot_general3A {dimension_numbers = #tpu.dot_dimension_numbers<[1], [1], [0], [0], [0, 0, 1, 0], [], []>, transpose_lhs_hint = false} : vector<1024x768xf32>, vector<64x768xf32>, vector<1024x64xf32> -> vector<1024x64xf32>
    %swap3A = arith.constant 0 : index
    %swap3A_6 = arith.constant 0 : index
    %swap3A_7 = vector.load %arg3[%swap3A, %swap3A_6] : memref<1024x64xf32, #tpu.memory_space<vmem>>, vector<1024x64xf32>
    tpu.vector_store %arg3[%swap3A, %swap3A_6], %dot_general3A_5 {strides = array<i32>} : memref<1024x64xf32, #tpu.memory_space<vmem>>, vector<1024x64xf32>,
    return
  }
  func.func @transform_0(%arg0: i32) -> (i32, i32) {
    %c0_i32 = arith.constant 0 : i32
    %c0_i32_0 = arith.constant 0 : i32
    return %arg0, %c0_i32 : i32, i32
  }
  func.func @transform_1(%arg0: i32) -> (i32, i32) {
    %c0_i32 = arith.constant 0 : i32
    %c0_i32_0 = arith.constant 0 : i32
    %c0_i32_1 = arith.constant 0 : i32
    return %c0_i32, %c0_i32_0 : i32, i32
  }
  func.func @transform_2(%arg0: i32) -> (i32, i32) {
    %c0_i32 = arith.constant 0 : i32
    %c0_i32_0 = arith.constant 0 : i32
    return %arg0, %c0_i32 : i32, i32
  }
}

module attributes {stable_mosaic.version = 14 : i64} {
  func.func @_tc_proj_body(%arg0: i32, %arg1: memref<1024x768xf32, #tpu.memory_space<vmem>>, %arg2: memref<768x2048xf32, #tpu.memory_space<vmem>>, %arg3: memref<1024x64xf32, #tpu.memory_space<vmem>>, %arg4: memref<1024x32xf32, #tpu.memory_space<vmem>>) attributes {dimension_semantics = [#tpu.dimension_semantics<arbitrary>], iteration_bounds = array<i64: 2>, scalar_prefetch = 0 : i64, scratch_operands = 0 : i64, tpu.core_type = #tpu.core_type<tc>, window_params = [{transform_indices = @transform_0, window_bounds = array<i64: 1024, 768>}, {pipeline_mode = #tpu.pipeline_mode<synchronous>, transform_indices = @transform_1, window_bounds = array<i64: 768, 2048>}, {transform_indices = @transform_2, window_bounds = array<i64: 1024, 64>}, {transform_indices = @transform_3, window_bounds = array<i64: 1024, 32>}]} {
    %get3A = arith.constant 0 : index
    %get3A_0 = arith.constant 0 : index
    %get3A_1 = vector.load %arg1[%get3A, %get3A_0] : memref<1024x768xf32, #tpu.memory_space<vmem>>, vector<1024x768xf32>
    %get3A_2 = arith.constant 0 : index
    %get3A_3 = arith.constant 0 : index
    %get3A_4 = vector.load %arg2[%get3A_2, %get3A_3] : memref<768x2048xf32, #tpu.memory_space<vmem>>, vector<768x2048xf32>
    %dot_general3A = arith.constant dense<0.000000e+00> : vector<1024x2048xf32>
    %dot_general3A_5 = tpu.matmul %get3A_1, %get3A_4, %dot_general3A {dimension_numbers = #tpu.dot_dimension_numbers<[1], [0], [0], [1], [0, 0, 1, 1], [], []>, transpose_lhs_hint = false} : vector<1024x768xf32>, vector<768x2048xf32>, vector<1024x2048xf32> -> vector<1024x2048xf32>
    %iota3A = tpu.iota {dimensions = array<i32: 0>} : vector<64x2048xi32>
    %iota3A_6 = tpu.iota {dimensions = array<i32: 1>} : vector<64x2048xi32>
    %jit3A = arith.constant 32 : i32
    %div3A = vector.broadcast %jit3A : i32 to vector<64x2048xi32>
    %div3A_7 = arith.divsi %iota3A_6, %div3A : vector<64x2048xi32>
    %sign3A = arith.constant 0 : i32
    %sign3A_8 = vector.broadcast %sign3A : i32 to vector<64x2048xi32>
    %sign3A_9 = arith.cmpi sgt, %iota3A_6, %sign3A_8 : vector<64x2048xi32>
    %sign3A_10 = arith.extui %sign3A_9 : vector<64x2048xi1> to vector<64x2048xi32>
    %sign3A_11 = arith.constant 0 : i32
    %sign3A_12 = vector.broadcast %sign3A_11 : i32 to vector<64x2048xi32>
    %sign3A_13 = arith.cmpi slt, %iota3A_6, %sign3A_12 : vector<64x2048xi32>
    %sign3A_14 = arith.extui %sign3A_13 : vector<64x2048xi1> to vector<64x2048xi32>
    %sign3A_15 = arith.subi %sign3A_10, %sign3A_14 : vector<64x2048xi32>
    %sign3A_16 = arith.constant 0 : i32
    %sign3A_17 = arith.cmpi sgt, %jit3A, %sign3A_16 : i32
    %sign3A_18 = arith.extui %sign3A_17 : i1 to i32
    %sign3A_19 = arith.constant 0 : i32
    %sign3A_20 = arith.cmpi slt, %jit3A, %sign3A_19 : i32
    %sign3A_21 = arith.extui %sign3A_20 : i1 to i32
    %sign3A_22 = arith.subi %sign3A_18, %sign3A_21 : i32
    %ne3A = vector.broadcast %sign3A_22 : i32 to vector<64x2048xi32>
    %ne3A_23 = arith.cmpi ne, %sign3A_15, %ne3A : vector<64x2048xi32>
    %rem3A = vector.broadcast %jit3A : i32 to vector<64x2048xi32>
    %rem3A_24 = arith.remsi %iota3A_6, %rem3A : vector<64x2048xi32>
    %ne3A_25 = arith.constant 0 : i32
    %ne3A_26 = vector.broadcast %ne3A_25 : i32 to vector<64x2048xi32>
    %ne3A_27 = arith.cmpi ne, %rem3A_24, %ne3A_26 : vector<64x2048xi32>
    %and3A = arith.andi %ne3A_23, %ne3A_27 : vector<64x2048xi1>
    %sub3A = arith.constant 1 : i32
    %sub3A_28 = vector.broadcast %sub3A : i32 to vector<64x2048xi32>
    %sub3A_29 = arith.subi %div3A_7, %sub3A_28 : vector<64x2048xi32>
    %select_n3A = arith.select %and3A, %sub3A_29, %div3A_7 : vector<64x2048xi1>, vector<64x2048xi32>
    %eq3A = arith.cmpi eq, %iota3A, %select_n3A : vector<64x2048xi32>
    %convert_element_type3A = arith.extui %eq3A : vector<64x2048xi1> to vector<64x2048xi32>
    %convert_element_type3A_30 = arith.sitofp %convert_element_type3A : vector<64x2048xi32> to vector<64x2048xf32>
    %get3A_31 = arith.constant 0 : index
    %get3A_32 = arith.constant 0 : index
    %get3A_33 = vector.load %arg3[%get3A_31, %get3A_32] : memref<1024x64xf32, #tpu.memory_space<vmem>>, vector<1024x64xf32>
    %dot_general3A_34 = arith.constant dense<0.000000e+00> : vector<1024x2048xf32>
    %dot_general3A_35 = tpu.matmul %get3A_33, %convert_element_type3A_30, %dot_general3A_34 {dimension_numbers = #tpu.dot_dimension_numbers<[1], [0], [0], [1], [0, 0, 1, 1], [], []>, transpose_lhs_hint = false} : vector<1024x64xf32>, vector<64x2048xf32>, vector<1024x2048xf32> -> vector<1024x2048xf32>
    %iota3A_36 = tpu.iota {dimensions = array<i32: 0>} : vector<2048x32xi32>
    %jit3A_37 = arith.constant 32 : i32
    %eq3A_38 = arith.constant 0 : i32
    %eq3A_39 = arith.cmpi eq, %jit3A_37, %eq3A_38 : i32
    %jit3A_40 = arith.constant 1 : i32
    %select_n3A_41 = arith.select %eq3A_39, %jit3A_40, %jit3A_37 : i32
    %rem3A_42 = vector.broadcast %select_n3A_41 : i32 to vector<2048x32xi32>
    %rem3A_43 = arith.remsi %iota3A_36, %rem3A_42 : vector<2048x32xi32>
    %ne3A_44 = arith.constant 0 : i32
    %ne3A_45 = vector.broadcast %ne3A_44 : i32 to vector<2048x32xi32>
    %ne3A_46 = arith.cmpi ne, %rem3A_43, %ne3A_45 : vector<2048x32xi32>
    %lt3A = arith.constant 0 : i32
    %lt3A_47 = vector.broadcast %lt3A : i32 to vector<2048x32xi32>
    %lt3A_48 = arith.cmpi slt, %rem3A_43, %lt3A_47 : vector<2048x32xi32>
    %lt3A_49 = arith.constant 0 : i32
    %lt3A_50 = arith.cmpi slt, %select_n3A_41, %lt3A_49 : i32
    %ne3A_51 = vector.broadcast %lt3A_50 : i1 to vector<2048x32xi1>
    %ne3A_52 = vector.broadcast %ne3A_51 : vector<2048x32xi1> to vector<2048x32xi1>
    %ne3A_53 = arith.xori %lt3A_48, %ne3A_52 : vector<2048x32xi1>
    %and3A_54 = arith.andi %ne3A_53, %ne3A_46 : vector<2048x32xi1>
    %add3A = vector.broadcast %select_n3A_41 : i32 to vector<2048x32xi32>
    %add3A_55 = arith.addi %rem3A_43, %add3A : vector<2048x32xi32>
    %select_n3A_56 = arith.select %and3A_54, %add3A_55, %rem3A_43 : vector<2048x32xi1>, vector<2048x32xi32>
    %iota3A_57 = tpu.iota {dimensions = array<i32: 1>} : vector<2048x32xi32>
    %eq3A_58 = arith.cmpi eq, %select_n3A_56, %iota3A_57 : vector<2048x32xi32>
    %convert_element_type3A_59 = arith.extui %eq3A_58 : vector<2048x32xi1> to vector<2048x32xi32>
    %convert_element_type3A_60 = arith.sitofp %convert_element_type3A_59 : vector<2048x32xi32> to vector<2048x32xf32>
    %mul3A = arith.mulf %dot_general3A_5, %dot_general3A_35 : vector<1024x2048xf32>
    %dot_general3A_61 = arith.constant dense<0.000000e+00> : vector<1024x32xf32>
    %dot_general3A_62 = tpu.matmul %mul3A, %convert_element_type3A_60, %dot_general3A_61 {dimension_numbers = #tpu.dot_dimension_numbers<[1], [0], [0], [1], [0, 0, 1, 1], [], []>, transpose_lhs_hint = false} : vector<1024x2048xf32>, vector<2048x32xf32>, vector<1024x32xf32> -> vector<1024x32xf32>
    %swap3A = arith.constant 0 : index
    %swap3A_63 = arith.constant 0 : index
    %swap3A_64 = vector.load %arg4[%swap3A, %swap3A_63] : memref<1024x32xf32, #tpu.memory_space<vmem>>, vector<1024x32xf32>
    tpu.vector_store %arg4[%swap3A, %swap3A_63], %dot_general3A_62 {strides = array<i32>} : memref<1024x32xf32, #tpu.memory_space<vmem>>, vector<1024x32xf32>,
    return
  }
  func.func @transform_0(%arg0: i32) -> (i32, i32) {
    %c0_i32 = arith.constant 0 : i32
    %c0_i32_0 = arith.constant 0 : i32
    return %arg0, %c0_i32 : i32, i32
  }
  func.func @transform_1(%arg0: i32) -> (i32, i32) {
    %c0_i32 = arith.constant 0 : i32
    %c0_i32_0 = arith.constant 0 : i32
    %c0_i32_1 = arith.constant 0 : i32
    return %c0_i32, %c0_i32_0 : i32, i32
  }
  func.func @transform_2(%arg0: i32) -> (i32, i32) {
    %c0_i32 = arith.constant 0 : i32
    %c0_i32_0 = arith.constant 0 : i32
    return %arg0, %c0_i32 : i32, i32
  }
  func.func @transform_3(%arg0: i32) -> (i32, i32) {
    %c0_i32 = arith.constant 0 : i32
    %c0_i32_0 = arith.constant 0 : i32
    return %arg0, %c0_i32 : i32, i32
  }
}

</mosaic_0001>

<sc_bundles>
// kernel: kernel.5.cloned.1.call-start
scs
__scs_entry_jumppad:
0x0: {  	(pc) =	sbr.rel $0x88, $3  }
0x1: {  	(tag) =	ssettag $0x0;
	lr =	simm.s32 $0x1  }
0x2: {  	[smem:$0x3F9E] =	sst lr;
	_ =	strace $0xD0000000  }
0x3: {  	_ = 	snop  }
0x4: {  	_ = 	snop  }
0x5: {  	_ = 	snop  }
0x6: {  	_ = 	snop  }
0x7: {  	_ = 	snop  }
__scs_overlays_trampoline_lowered:
0x8: {  	[smem:$0x3FAD] =	sst s0  }
0x9: {  	[smem:$0x3FAE] =	sst s1  }
0xa: {  	[smem:$0x3FAF] =	sst s2  }
0xb: {  	[smem:$0x3FB0] =	sst s3  }
0xc: {  	[smem:$0x3FB1] =	sst s4  }
0xd: {  	[smem:$0x3FB2] =	sst s5  }
0xe: {  	[smem:$0x3FB3] =	sst s6  }
0xf: {  	[smem:$0x3FB4] =	sst s7  }
0x10: {  	[smem:$0x3FB5] =	sst s8  }
0x11: {  	[smem:$0x3FB6] =	sst s9;
	s0 =	simm.s32 @!p0 $0x0  }
0x12: {  	s1 =	sld [smem:$0x3F9C];
	s0 =	simm.s32 @p0 $0x1  }
0x13: {  	[smem:$0x3FB7] =	sst s0;
	s0 =	simm.s32 @!p1 $0x0  }
0x14: {  	s2 =	sld [smem:$0x3F9B];
	s0 =	simm.s32 @p1 $0x1  }
0x15: {  	[smem:$0x3FB8] =	sst s0;
	s0 =	simm.s32 @!p2 $0x0  }
0x16: {  	s3 =	sld [smem:$0x3FDB];
	s0 =	simm.s32 @p2 $0x1  }
0x17: {  	s4 =	simm.s32 $0x1BF5;
	[smem:$0x3FBA] =	sst s0  }
0x18: {  	s0 =	sld [smem:$0x3F9D];
	_ =	swait.ge [sflag:s4], $0x0  }
0x19: {  	s7 =	sld [smem:$0x3F9E]  }
0x1a: {  	s8 =	sadd.s32 $0xFFFFE003, lr  }
0x1b: {  	s9 =	sadd.s32 $0xFFFFFEF7, lr;
	s5 =	simm.s32 $0xFFFFFFFF;
	p2 =	slt.u32 s8, $0xFFFFF086  }
0x1c: {  	p1 =	slt.u32 s9, $0xF7A;
	s5 =	simm.s32 @!p2 $0x0  }
0x1d: {  	s5 =	simm.s32 @p1 $0x1;
	p0 =	seq.s32 s7, s2  }
0x1e: {  	s7 =	smul.u32 @!p0 $0xF7A, s2;
	p2 =	seq.s32 @!p0 s5, $0x0  }
0x1f: {  	s9 =	smul.u32 $0xF7A, s1;
	s8 =	simm.s32 @!p0 $0x1BF5;
	p2 =	por !p2, p0  }
0x20: {  	[sflag:s8] =	ssyncset.s32 @!p0 $0xFFFFF086;
	s6 =	sadd.s32 @!p0 s3, s7;
	s7 =	simm.s32 @!p0 $0x108  }
0x21: {  	s3 =	sadd.s32 s3, s9;
	s6 =	sadd.s32 @!p0 $0x88, s6;
	s7 =	simm.s32 @p2 $0x1082  }
0x22: {  	[simem:s7], [sflag:s8] =	dma.local @!p0 [hbm:s6], $0xF7A  }
0x23: {  	s9 =	sor.u32 $0xD0000000, s2;
	s6 =	simm.s32 $0x108;
	_ =	swait.ge @!p0 [sflag:s8], $0x0  }
0x24: {  	s3 =	sadd.s32 $0x88, s3;
	s6 =	simm.s32 @!p1 $0x1082;
	[sflag:s4] =	ssyncset.s32 $0xFFFFF086  }
0x25: {  	[simem:s6], [sflag:s4] =	dma.local [hbm:s3], $0xF7A  }
0x26: {  	[smem:$0x3F9E] =	sst s1;
	(tag) =	ssettag s2;
	_ =	strace s9  }
0x27: {  	s1 =	sld [smem:$0x3FAE]  }
0x28: {  	s2 =	sld [smem:$0x3FAF]  }
0x29: {  	s4 =	sld [smem:$0x3FB1]  }
0x2a: {  	p0 =	seq.s32 s5, $0x0;
	s5 =	sld [smem:$0x3FB2]  }
0x2b: {  	s6 =	sld [smem:$0x3FB3]  }
0x2c: {  	s7 =	sld [smem:$0x3FB4]  }
0x2d: {  	s3 =	simm.s32 $0x108;
	s8 =	sld [smem:$0x3FB5]  }
0x2e: {  	s3 =	simm.s32 @!p0 $0x1082;
	s9 =	sld [smem:$0x3FB6]  }
0x2f: {  	lr =	sadd.s32 s0, s3;
	s0 =	sld [smem:$0x3FAD]  }
0x30: {  	s3 =	sld [smem:$0x3FB0]  }
0x31: {  	[smem:$0x3FB9] =	sst s10  }
0x32: {  	s10 =	sld [smem:$0x3FB7];
	_ =	sdelay $0x3  }
0x33: {  	p0 =	seq.s32 s10, $0x1;
	s10 =	sld [smem:$0x3FB9];
	_ =	sdelay $0x3  }
0x34: {  	[smem:$0x3FB9] =	sst s10  }
0x35: {  	s10 =	sld [smem:$0x3FB8];
	_ =	sdelay $0x3  }
0x36: {  	p1 =	seq.s32 s10, $0x1;
	s10 =	sld [smem:$0x3FB9];
	_ =	sdelay $0x3  }
0x37: {  	[smem:$0x3FB9] =	sst s10  }
0x38: {  	s10 =	sld [smem:$0x3FBA]  }
0x39: {  	_ = 	snop;
	(pc) =	sbr.ind lr, $3  }
0x3a: {  	_ = 	snop  }
0x3b: {  	_ = 	snop  }
0x3c: {  	p2 =	seq.s32 s10, $0x1;
	s10 =	sld [smem:$0x3FB9]  }
0x3d: {  	_ =	shalt  }
0x3e: {  	_ =	shalt  }
0x3f: {  	_ =	shalt  }
0x40: {  	_ =	shalt  }
0x41: {  	_ =	shalt  }
0x42: {  	_ =	shalt  }
0x43: {  	_ =	shalt  }
0x44: {  	_ =	shalt  }
0x45: {  	_ =	shalt  }
0x46: {  	_ =	shalt  }
0x47: {  	_ =	shalt  }
0x48: {  	_ =	shalt  }
0x49: {  	_ =	shalt  }
0x4a: {  	_ =	shalt  }
0x4b: {  	_ =	shalt  }
0x4c: {  	_ =	shalt  }
0x4d: {  	_ =	shalt  }
0x4e: {  	_ =	shalt  }
0x4f: {  	_ =	shalt  }
0x50: {  	_ =	shalt  }
0x51: {  	_ =	shalt  }
0x52: {  	_ =	shalt  }
0x53: {  	_ =	shalt  }
0x54: {  	_ =	shalt  }
0x55: {  	_ =	shalt  }
0x56: {  	_ =	shalt  }
0x57: {  	_ =	shalt  }
0x58: {  	_ =	shalt  }
0x59: {  	_ =	shalt  }
0x5a: {  	_ =	shalt  }
0x5b: {  	_ =	shalt  }
0x5c: {  	_ =	shalt  }
0x5d: {  	_ =	shalt  }
0x5e: {  	_ =	shalt  }
0x5f: {  	_ =	shalt  }
0x60: {  	_ =	shalt  }
0x61: {  	_ =	shalt  }
0x62: {  	_ =	shalt  }
0x63: {  	_ =	shalt  }
0x64: {  	_ =	shalt  }
0x65: {  	_ =	shalt  }
0x66: {  	_ =	shalt  }
0x67: {  	_ =	shalt  }
0x68: {  	_ =	shalt  }
0x69: {  	_ =	shalt  }
0x6a: {  	_ =	shalt  }
0x6b: {  	_ =	shalt  }
0x6c: {  	_ =	shalt  }
0x6d: {  	_ =	shalt  }
0x6e: {  	_ =	shalt  }
0x6f: {  	_ =	shalt  }
0x70: {  	_ =	shalt  }
0x71: {  	_ =	shalt  }
0x72: {  	_ =	shalt  }
0x73: {  	_ =	shalt  }
0x74: {  	_ =	shalt  }
0x75: {  	_ =	shalt  }
0x76: {  	_ =	shalt  }
0x77: {  	_ =	shalt  }
0x78: {  	_ =	shalt  }
0x79: {  	_ =	shalt  }
0x7a: {  	_ =	shalt  }
0x7b: {  	_ =	shalt  }
0x7c: {  	_ =	shalt  }
0x7d: {  	_ =	shalt  }
0x7e: {  	_ =	shalt  }
0x7f: {  	_ =	shalt  }
0x80: {  	_ =	shalt  }
0x81: {  	_ =	shalt  }
0x82: {  	_ =	shalt  }
0x83: {  	_ =	shalt  }
0x84: {  	_ =	shalt  }
0x85: {  	_ =	shalt  }
0x86: {  	_ =	shalt  }
0x87: {  	_ =	shalt  }
.Lfunc_end0:
.L_simem_size_0:
called_computation_lowered:
.L_overlay_start_0:
0x88: {  	s2 =	sld [smem:$0x3FD9]  }
0x89: {  	s3 =	sld [smem:$0x3FFE];
	_ =	sdelay $0x1  }
0x8a: {  	s1 =	srdreg.scid  }
0x8b: {  	s0 =	sand.u32 $0x1, s1  }
0x8c: {  	s16 =	sshll.u32 s0, $0xA;
	s2 =	sadd.s32 s3, s2  }
0x8d: {  	s2 =	sadd.s32 s2, s16  }
0x8e: {  	[smem:$0x3FC5] =	sst s2  }
0x8f: {  	_ = 	snop  }
0x90: {  	(tm) =	ssettm $0x1  }
0x91: {  	s17 =	sld [smem:$0x3FFB];
	_ =	sdelay $0x3  }
0x92: {  	_ =	strace s17  }
0x93: {  	s2 =	sld [smem:$0x3FFC];
	_ =	sdelay $0x3  }
0x94: {  	_ =	strace s2  }
0x95: {  	s2 =	sld [smem:$0x3FFD];
	_ =	sdelay $0x3  }
0x96: {  	_ =	strace s2  }
0x97: {  	_ =	strace $0x8FFFFFFF  }
0x98: {  	s18 =	sld [smem:$0x3FDB];
	_ =	sdelay $0x1  }
0x99: {  	s19 =	simm.s32 $_scs_section_size  }
0x9a: {  	s4 =	simm.s32 $_size__tile_overlayer_lowered;
	s5 =	simm.s32 $_tile_overlayer_lowered  }
0x9b: {  	s22 =	simm.s32 $0x1BFF;
	s21 =	sshll.u32 s5, $0x1;
	s2 =	sadd.s32 s19, s18  }
0x9c: {  	s6 =	simm.s32 $0x0;
	s20 =	sshll.u32 s4, $0x1;
	s4 =	sadd.s32 s21, s2  }
0x9d: {  	[timem:s6], [sflag:s22] =	dma.local [hbm:s4], s20  }
0x9e: {  	_ =	swait.ge [sflag:s22], s20  }
0x9f: {  	s3 =	ssub.s32 $0x0, s20;
	[sflag:s22] =	ssyncset.done $0x0  }
0xa0: {  	[sflag:s22] =	ssyncadd.s32 s3;
	_ =	sdelay $0x1  }
0xa1: {  	s23 =	simm.s32 $0x1B8B  }
0xa2: {  	_ =	swait.ge [sflag:s23], $0x1  }
0xa3: {  	[sflag:s23] =	ssyncset.done $0x0  }
0xa4: {  	s25 =	simm.s32 $0x1B8E;
	s24 =	sld [smem:$0x3FFE];
	[sflag:s23] =	ssyncadd.s32 $0xFFFFFFFF  }
0xa5: {  	s26 =	simm.s32 $execute0_lowered;
	[smem:$0x3FD2] =	sst s25  }
0xa6: {  	s4 =	sshll.u32 s26, $0x1;
	_ =	strace $0x80000046;
	[dreg:$0x1] =	wrdreg $0xFFFFFFFF  }
0xa7: {  	s28 =	simm.s32 $_size_execute0_lowered;
	s2 =	sadd.s32 s2, s4;
	[dreg:$0x0] =	wrdreg $0x0  }
0xa8: {  	s4 =	sshll.u32 s28, $0x1;
	[dreg:$0x2] =	wrdreg s2  }
0xa9: {  	[dreg:$0x3] =	wrdreg s4  }
0xaa: {  	[dreg:$0x4] =	wrdreg $0xC0  }
0xab: {  	_ =	task [dreg:s6], $0x5FFFF  }
0xac: {  	[dreg:$0x1] =	wrdreg $0xFFFFFFFF  }
0xad: {  	[dreg:$0x0] =	wrdreg $0x60  }
0xae: {  	[dreg:$0x2] =	wrdreg s24  }
0xaf: {  	[dreg:$0x3] =	wrdreg $0x9  }
0xb0: {  	_ =	task.clear_ibuf [dreg:s6], $0x4FFFF;
	_ =	strace $0x90000046  }
0xb1: {  	s29 =	simm.s32 $0x9;
	_ =	strace $0x80000048  }
0xb2: {  	_ =	swait.ge [sflag:s29], $0x1  }
0xb3: {  	[sflag:s29] =	ssyncadd.s32 $0xFFFFFFFF  }
0xb4: {  	_ =	strace $0x90000048  }
0xb5: {  	_ =	sfence  }
0xb6: {  	s30 =	sld [smem:$0x0];
	_ =	sdelay $0x2  }
0xb7: {  	s31 =	sshll.u32 s1, $0xD;
	s1 =	sshrl.u32 s1, $0x2  }
0xb8: {  	s3 =	sand.u32 $0x4000, s31;
	s1 =	sadd.s32 s1, s30  }
0xb9: {  	s0 =	sor.u32 s3, s0;
	s1 =	sshll.u32 s1, $0x11  }
0xba: {  	s0 =	sor.u32 s1, s0  }
0xbb: {  	s0 =	sadd.s32 $0x8F2B, s0  }
0xbc: {  	[sflag:s0] =	ssyncadd.remote.s32 $0x1  }
0xbd: {  	_ =	sfence.sel $0xFFFF  }
0xbe: {  	[dreg:$0x0] =	wrdreg $0xFFFFFFFF;
	(pc) =	sbr.abs _section_cstart, $3  }
0xbf: {  	[dreg:$0x1] =	wrdreg $0xFFFFFFFF  }
0xc0: {  	_ =	task.clear_ibuf [dreg:s6], $0x2FFFF;
	_ =	strace $0x9FFFFFFF  }
0xc1: {  	(tm) =	ssettm $0x7FFFFFFF  }
tec
execute0_lowered:
.L_overlay_start_1:
0x0: {  	(tag) =	ssettag $0x1  }
0x1: {  	s0 =	srdreg.scid  }
0x2: {  	s3 =	rddreg [dreg:$0x0];
	s1 =	stileid.u32;
	s2 =	simm.s32 $0x0  }
0x3: {  	s8 =	simm.s32 $0x1;
	s9 =	simm.s32 $0x4000;
	s10 =	simm.s32 $0x6000  }
0x4: {  	s11 =	simm.s32 $0x2000;
	s12 =	simm.s32 $0x0;
	s4 =	sand.u32 $0x1, s0  }
0x5: {  	s0 =	rddreg [dreg:$0x1];
	s5 =	sshll.u32 s1, $0xB;
	s6 =	sshll.u32 s4, $0xA  }
0x6: {  	v0 =	vlaneseq.u32;
	[smem:$0x7FF] =	sst s2;
	s4 =	ssub.s32 $0x2, s4;
	s5 =	sor.u32 s6, s5  }
0x7: {  	v0 =	vmul.u32 $0x80, v0;
	_ =	strace $0x80000047;
	s31 =	sshrl.u32 s4, $0x1;
	s6 =	sadd.s32 s5, s3  }
0x8: {  	v1 =	vimm.f32 $0.0e+00;
	s7 =	ssub.s32 s4, s31;
	s3 =	sadd.s32 $0x1200, s6;
	s4 =	sadd.s32 $0x19200, s6  }
0x9: {  	v2 =	vor.u32 $0x800, v0;
	v3 =	vor.u32 $0x1000, v0;
	v4 =	vor.u32 $0x1800, v0;
	s5 =	sadd.s32 $0x9200, s6;
	s6 =	sadd.s32 $0x11200, s6;
	s7 =	smax.u32 s7, $0x1  }
.LBB2_1:
0xa: {  	[tilespmem:s2], [sflag:$0x1] =	stream.linear.gather [hbm4b:s3+s2], $0x2000, $0x38;
	[tilespmem:$0x8000] =	vst v63  }
0xb: {  	_ =	swait.ge [sflag:s8], $0x2000  }
0xc: {  	[sflag:s8] =	ssyncset.done $0x0  }
0xd: {  	[sflag:s8] =	ssyncadd.s32 $0xFFFFE000  }
0xe: {  	[tilespmem:$0x2000] =	vst v1  }
0xf: {  	[tilespmem:$0x2010] =	vst v1  }
0x10: {  	[tilespmem:$0x2020] =	vst v1  }
0x11: {  	[tilespmem:$0x2030] =	vst v1  }
0x12: {  	[tilespmem:$0x2080] =	vst v1  }
0x13: {  	[tilespmem:$0x2090] =	vst v1  }
0x14: {  	[tilespmem:$0x20A0] =	vst v1  }
0x15: {  	[tilespmem:$0x20B0] =	vst v1  }
0x16: {  	[tilespmem:$0x2100] =	vst v1  }
0x17: {  	[tilespmem:$0x2110] =	vst v1  }
0x18: {  	[tilespmem:$0x2120] =	vst v1  }
0x19: {  	[tilespmem:$0x2130] =	vst v1  }
0x1a: {  	[tilespmem:$0x2180] =	vst v1  }
0x1b: {  	[tilespmem:$0x2190] =	vst v1  }
0x1c: {  	[tilespmem:$0x21A0] =	vst v1  }
0x1d: {  	[tilespmem:$0x21B0] =	vst v1  }
0x1e: {  	[tilespmem:$0x2200] =	vst v1  }
0x1f: {  	[tilespmem:$0x2210] =	vst v1  }
0x20: {  	[tilespmem:$0x2220] =	vst v1  }
0x21: {  	[tilespmem:$0x2230] =	vst v1  }
0x22: {  	[tilespmem:$0x2280] =	vst v1  }
0x23: {  	[tilespmem:$0x2290] =	vst v1  }
0x24: {  	[tilespmem:$0x22A0] =	vst v1  }
0x25: {  	[tilespmem:$0x22B0] =	vst v1  }
0x26: {  	[tilespmem:$0x2300] =	vst v1  }
0x27: {  	[tilespmem:$0x2310] =	vst v1  }
0x28: {  	[tilespmem:$0x2320] =	vst v1  }
0x29: {  	[tilespmem:$0x2330] =	vst v1  }
0x2a: {  	[tilespmem:$0x2380] =	vst v1  }
0x2b: {  	[tilespmem:$0x2390] =	vst v1  }
0x2c: {  	[tilespmem:$0x23A0] =	vst v1  }
0x2d: {  	[tilespmem:$0x23B0] =	vst v1  }
0x2e: {  	[tilespmem:$0x2400] =	vst v1  }
0x2f: {  	[tilespmem:$0x2410] =	vst v1  }
0x30: {  	[tilespmem:$0x2420] =	vst v1  }
0x31: {  	[tilespmem:$0x2430] =	vst v1  }
0x32: {  	[tilespmem:$0x2480] =	vst v1  }
0x33: {  	[tilespmem:$0x2490] =	vst v1  }
0x34: {  	[tilespmem:$0x24A0] =	vst v1  }
0x35: {  	[tilespmem:$0x24B0] =	vst v1  }
0x36: {  	[tilespmem:$0x2500] =	vst v1  }
0x37: {  	[tilespmem:$0x2510] =	vst v1  }
0x38: {  	[tilespmem:$0x2520] =	vst v1  }
0x39: {  	[tilespmem:$0x2530] =	vst v1  }
0x3a: {  	[tilespmem:$0x2580] =	vst v1  }
0x3b: {  	[tilespmem:$0x2590] =	vst v1  }
0x3c: {  	[tilespmem:$0x25A0] =	vst v1  }
0x3d: {  	[tilespmem:$0x25B0] =	vst v1  }
0x3e: {  	[tilespmem:$0x2600] =	vst v1  }
0x3f: {  	[tilespmem:$0x2610] =	vst v1  }
0x40: {  	[tilespmem:$0x2620] =	vst v1  }
0x41: {  	[tilespmem:$0x2630] =	vst v1  }
0x42: {  	[tilespmem:$0x2680] =	vst v1  }
0x43: {  	[tilespmem:$0x2690] =	vst v1  }
0x44: {  	[tilespmem:$0x26A0] =	vst v1  }
0x45: {  	[tilespmem:$0x26B0] =	vst v1  }
0x46: {  	[tilespmem:$0x2700] =	vst v1  }
0x47: {  	[tilespmem:$0x2710] =	vst v1  }
0x48: {  	[tilespmem:$0x2720] =	vst v1  }
0x49: {  	[tilespmem:$0x2730] =	vst v1  }
0x4a: {  	[tilespmem:$0x2780] =	vst v1  }
0x4b: {  	[tilespmem:$0x2790] =	vst v1  }
0x4c: {  	[tilespmem:$0x27A0] =	vst v1  }
0x4d: {  	[tilespmem:$0x27B0] =	vst v1  }
0x4e: {  	[tilespmem:$0x2800] =	vst v1  }
0x4f: {  	[tilespmem:$0x2810] =	vst v1  }
0x50: {  	[tilespmem:$0x2820] =	vst v1  }
0x51: {  	[tilespmem:$0x2830] =	vst v1  }
0x52: {  	[tilespmem:$0x2880] =	vst v1  }
0x53: {  	[tilespmem:$0x2890] =	vst v1  }
0x54: {  	[tilespmem:$0x28A0] =	vst v1  }
0x55: {  	[tilespmem:$0x28B0] =	vst v1  }
0x56: {  	[tilespmem:$0x2900] =	vst v1  }
0x57: {  	[tilespmem:$0x2910] =	vst v1  }
0x58: {  	[tilespmem:$0x2920] =	vst v1  }
0x59: {  	[tilespmem:$0x2930] =	vst v1  }
0x5a: {  	[tilespmem:$0x2980] =	vst v1  }
0x5b: {  	[tilespmem:$0x2990] =	vst v1  }
0x5c: {  	[tilespmem:$0x29A0] =	vst v1  }
0x5d: {  	[tilespmem:$0x29B0] =	vst v1  }
0x5e: {  	[tilespmem:$0x2A00] =	vst v1  }
0x5f: {  	[tilespmem:$0x2A10] =	vst v1  }
0x60: {  	[tilespmem:$0x2A20] =	vst v1  }
0x61: {  	[tilespmem:$0x2A30] =	vst v1  }
0x62: {  	[tilespmem:$0x2A80] =	vst v1  }
0x63: {  	[tilespmem:$0x2A90] =	vst v1  }
0x64: {  	[tilespmem:$0x2AA0] =	vst v1  }
0x65: {  	[tilespmem:$0x2AB0] =	vst v1  }
0x66: {  	[tilespmem:$0x2B00] =	vst v1  }
0x67: {  	[tilespmem:$0x2B10] =	vst v1  }
0x68: {  	[tilespmem:$0x2B20] =	vst v1  }
0x69: {  	[tilespmem:$0x2B30] =	vst v1  }
0x6a: {  	[tilespmem:$0x2B80] =	vst v1  }
0x6b: {  	[tilespmem:$0x2B90] =	vst v1  }
0x6c: {  	[tilespmem:$0x2BA0] =	vst v1  }
0x6d: {  	[tilespmem:$0x2BB0] =	vst v1  }
0x6e: {  	[tilespmem:$0x2C00] =	vst v1  }
0x6f: {  	[tilespmem:$0x2C10] =	vst v1  }
0x70: {  	[tilespmem:$0x2C20] =	vst v1  }
0x71: {  	[tilespmem:$0x2C30] =	vst v1  }
0x72: {  	[tilespmem:$0x2C80] =	vst v1  }
0x73: {  	[tilespmem:$0x2C90] =	vst v1  }
0x74: {  	[tilespmem:$0x2CA0] =	vst v1  }
0x75: {  	[tilespmem:$0x2CB0] =	vst v1  }
0x76: {  	[tilespmem:$0x2D00] =	vst v1  }
0x77: {  	[tilespmem:$0x2D10] =	vst v1  }
0x78: {  	[tilespmem:$0x2D20] =	vst v1  }
0x79: {  	[tilespmem:$0x2D30] =	vst v1  }
0x7a: {  	[tilespmem:$0x2D80] =	vst v1  }
0x7b: {  	[tilespmem:$0x2D90] =	vst v1  }
0x7c: {  	[tilespmem:$0x2DA0] =	vst v1  }
0x7d: {  	[tilespmem:$0x2DB0] =	vst v1  }
0x7e: {  	[tilespmem:$0x2E00] =	vst v1  }
0x7f: {  	[tilespmem:$0x2E10] =	vst v1  }
0x80: {  	[tilespmem:$0x2E20] =	vst v1  }
0x81: {  	[tilespmem:$0x2E30] =	vst v1  }
0x82: {  	[tilespmem:$0x2E80] =	vst v1  }
0x83: {  	[tilespmem:$0x2E90] =	vst v1  }
0x84: {  	[tilespmem:$0x2EA0] =	vst v1  }
0x85: {  	[tilespmem:$0x2EB0] =	vst v1  }
0x86: {  	[tilespmem:$0x2F00] =	vst v1  }
0x87: {  	[tilespmem:$0x2F10] =	vst v1  }
0x88: {  	[tilespmem:$0x2F20] =	vst v1  }
0x89: {  	[tilespmem:$0x2F30] =	vst v1  }
0x8a: {  	[tilespmem:$0x2F80] =	vst v1  }
0x8b: {  	[tilespmem:$0x2F90] =	vst v1  }
0x8c: {  	[tilespmem:$0x2FA0] =	vst v1  }
0x8d: {  	[tilespmem:$0x2FB0] =	vst v1  }
0x8e: {  	[tilespmem:$0x3000] =	vst v1  }
0x8f: {  	[tilespmem:$0x3010] =	vst v1  }
0x90: {  	[tilespmem:$0x3020] =	vst v1  }
0x91: {  	[tilespmem:$0x3030] =	vst v1  }
0x92: {  	[tilespmem:$0x3080] =	vst v1  }
0x93: {  	[tilespmem:$0x3090] =	vst v1  }
0x94: {  	[tilespmem:$0x30A0] =	vst v1  }
0x95: {  	[tilespmem:$0x30B0] =	vst v1  }
0x96: {  	[tilespmem:$0x3100] =	vst v1  }
0x97: {  	[tilespmem:$0x3110] =	vst v1  }
0x98: {  	[tilespmem:$0x3120] =	vst v1  }
0x99: {  	[tilespmem:$0x3130] =	vst v1  }
0x9a: {  	[tilespmem:$0x3180] =	vst v1  }
0x9b: {  	[tilespmem:$0x3190] =	vst v1  }
0x9c: {  	[tilespmem:$0x31A0] =	vst v1  }
0x9d: {  	[tilespmem:$0x31B0] =	vst v1  }
0x9e: {  	[tilespmem:$0x3200] =	vst v1  }
0x9f: {  	[tilespmem:$0x3210] =	vst v1  }
0xa0: {  	[tilespmem:$0x3220] =	vst v1  }
0xa1: {  	[tilespmem:$0x3230] =	vst v1  }
0xa2: {  	[tilespmem:$0x3280] =	vst v1  }
0xa3: {  	[tilespmem:$0x3290] =	vst v1  }
0xa4: {  	[tilespmem:$0x32A0] =	vst v1  }
0xa5: {  	[tilespmem:$0x32B0] =	vst v1  }
0xa6: {  	[tilespmem:$0x3300] =	vst v1  }
0xa7: {  	[tilespmem:$0x3310] =	vst v1  }
0xa8: {  	[tilespmem:$0x3320] =	vst v1  }
0xa9: {  	[tilespmem:$0x3330] =	vst v1  }
0xaa: {  	[tilespmem:$0x3380] =	vst v1  }
0xab: {  	[tilespmem:$0x3390] =	vst v1  }
0xac: {  	[tilespmem:$0x33A0] =	vst v1  }
0xad: {  	[tilespmem:$0x33B0] =	vst v1  }
0xae: {  	[tilespmem:$0x3400] =	vst v1  }
0xaf: {  	[tilespmem:$0x3410] =	vst v1  }
0xb0: {  	[tilespmem:$0x3420] =	vst v1  }
0xb1: {  	[tilespmem:$0x3430] =	vst v1  }
0xb2: {  	[tilespmem:$0x3480] =	vst v1  }
0xb3: {  	[tilespmem:$0x3490] =	vst v1  }
0xb4: {  	[tilespmem:$0x34A0] =	vst v1  }
0xb5: {  	[tilespmem:$0x34B0] =	vst v1  }
0xb6: {  	[tilespmem:$0x3500] =	vst v1  }
0xb7: {  	[tilespmem:$0x3510] =	vst v1  }
0xb8: {  	[tilespmem:$0x3520] =	vst v1  }
0xb9: {  	[tilespmem:$0x3530] =	vst v1  }
0xba: {  	[tilespmem:$0x3580] =	vst v1  }
0xbb: {  	[tilespmem:$0x3590] =	vst v1  }
0xbc: {  	[tilespmem:$0x35A0] =	vst v1  }
0xbd: {  	[tilespmem:$0x35B0] =	vst v1  }
0xbe: {  	[tilespmem:$0x3600] =	vst v1  }
0xbf: {  	[tilespmem:$0x3610] =	vst v1  }
0xc0: {  	[tilespmem:$0x3620] =	vst v1  }
0xc1: {  	[tilespmem:$0x3630] =	vst v1  }
0xc2: {  	[tilespmem:$0x3680] =	vst v1  }
0xc3: {  	[tilespmem:$0x3690] =	vst v1  }
0xc4: {  	[tilespmem:$0x36A0] =	vst v1  }
0xc5: {  	[tilespmem:$0x36B0] =	vst v1  }
0xc6: {  	[tilespmem:$0x3700] =	vst v1  }
0xc7: {  	[tilespmem:$0x3710] =	vst v1  }
0xc8: {  	[tilespmem:$0x3720] =	vst v1  }
0xc9: {  	[tilespmem:$0x3730] =	vst v1  }
0xca: {  	[tilespmem:$0x3780] =	vst v1  }
0xcb: {  	[tilespmem:$0x3790] =	vst v1  }
0xcc: {  	[tilespmem:$0x37A0] =	vst v1  }
0xcd: {  	[tilespmem:$0x37B0] =	vst v1  }
0xce: {  	[tilespmem:$0x3800] =	vst v1  }
0xcf: {  	[tilespmem:$0x3810] =	vst v1  }
0xd0: {  	[tilespmem:$0x3820] =	vst v1  }
0xd1: {  	[tilespmem:$0x3830] =	vst v1  }
0xd2: {  	[tilespmem:$0x3880] =	vst v1  }
0xd3: {  	[tilespmem:$0x3890] =	vst v1  }
0xd4: {  	[tilespmem:$0x38A0] =	vst v1  }
0xd5: {  	[tilespmem:$0x38B0] =	vst v1  }
0xd6: {  	[tilespmem:$0x3900] =	vst v1  }
0xd7: {  	[tilespmem:$0x3910] =	vst v1  }
0xd8: {  	[tilespmem:$0x3920] =	vst v1  }
0xd9: {  	[tilespmem:$0x3930] =	vst v1  }
0xda: {  	[tilespmem:$0x3980] =	vst v1  }
0xdb: {  	[tilespmem:$0x3990] =	vst v1  }
0xdc: {  	[tilespmem:$0x39A0] =	vst v1  }
0xdd: {  	[tilespmem:$0x39B0] =	vst v1  }
0xde: {  	[tilespmem:$0x3A00] =	vst v1  }
0xdf: {  	[tilespmem:$0x3A10] =	vst v1  }
0xe0: {  	[tilespmem:$0x3A20] =	vst v1  }
0xe1: {  	[tilespmem:$0x3A30] =	vst v1  }
0xe2: {  	[tilespmem:$0x3A80] =	vst v1  }
0xe3: {  	[tilespmem:$0x3A90] =	vst v1  }
0xe4: {  	[tilespmem:$0x3AA0] =	vst v1  }
0xe5: {  	[tilespmem:$0x3AB0] =	vst v1  }
0xe6: {  	[tilespmem:$0x3B00] =	vst v1  }
0xe7: {  	[tilespmem:$0x3B10] =	vst v1  }
0xe8: {  	[tilespmem:$0x3B20] =	vst v1  }
0xe9: {  	[tilespmem:$0x3B30] =	vst v1  }
0xea: {  	[tilespmem:$0x3B80] =	vst v1  }
0xeb: {  	[tilespmem:$0x3B90] =	vst v1  }
0xec: {  	[tilespmem:$0x3BA0] =	vst v1  }
0xed: {  	[tilespmem:$0x3BB0] =	vst v1  }
0xee: {  	[tilespmem:$0x3C00] =	vst v1  }
0xef: {  	[tilespmem:$0x3C10] =	vst v1  }
0xf0: {  	[tilespmem:$0x3C20] =	vst v1  }
0xf1: {  	[tilespmem:$0x3C30] =	vst v1  }
0xf2: {  	[tilespmem:$0x3C80] =	vst v1  }
0xf3: {  	[tilespmem:$0x3C90] =	vst v1  }
0xf4: {  	[tilespmem:$0x3CA0] =	vst v1  }
0xf5: {  	[tilespmem:$0x3CB0] =	vst v1  }
0xf6: {  	[tilespmem:$0x3D00] =	vst v1  }
0xf7: {  	[tilespmem:$0x3D10] =	vst v1  }
0xf8: {  	[tilespmem:$0x3D20] =	vst v1  }
0xf9: {  	[tilespmem:$0x3D30] =	vst v1  }
0xfa: {  	[tilespmem:$0x3D80] =	vst v1  }
0xfb: {  	[tilespmem:$0x3D90] =	vst v1  }
0xfc: {  	[tilespmem:$0x3DA0] =	vst v1  }
0xfd: {  	[tilespmem:$0x3DB0] =	vst v1  }
0xfe: {  	[tilespmem:$0x3E00] =	vst v1  }
0xff: {  	[tilespmem:$0x3E10] =	vst v1  }
0x100: {  	[tilespmem:$0x3E20] =	vst v1  }
0x101: {  	[tilespmem:$0x3E30] =	vst v1  }
0x102: {  	[tilespmem:$0x3E80] =	vst v1  }
0x103: {  	[tilespmem:$0x3E90] =	vst v1  }
0x104: {  	[tilespmem:$0x3EA0] =	vst v1  }
0x105: {  	[tilespmem:$0x3EB0] =	vst v1  }
0x106: {  	[tilespmem:$0x3F00] =	vst v1  }
0x107: {  	[tilespmem:$0x3F10] =	vst v1  }
0x108: {  	[tilespmem:$0x3F20] =	vst v1  }
0x109: {  	v5 =	vor.u32 s2, v0;
	[tilespmem:$0x3F30] =	vst v1  }
0x10a: {  	v6 =	vor.u32 s2, v2;
	[tilespmem:$0x3F80] =	vst v1  }
0x10b: {  	v7 =	vor.u32 s2, v4;
	[tilespmem:$0x3F90] =	vst v1  }
0x10c: {  	v8 =	vor.u32 s2, v3;
	[tilespmem:$0x3FA0] =	vst v1  }
0x10d: {  	[tilespmem:$0x3FB0] =	vst v1  }
0x10e: {  	s13 =	simm.s32 $0x1;
	v5 =	vld.idx.msk [tilespmem:v5+s2+$0x0], $0xffff  }
0x10f: {  	s15 =	simm.s32 $0x2;
	v15 =	vor.u32 s13, v3;
	v10 =	vld.idx.msk [tilespmem:v6+s2+$0x0], $0xffff  }
0x110: {  	v20 =	vor.u32 s15, v3;
	v13 =	vld.idx.msk [tilespmem:v7+s2+$0x0], $0xffff  }
0x111: {  	v12 =	vimm.f32 $-1.000000020e+30;
	s14 =	simm.s32 $0x3;
	v9 =	vor.u32 s13, v0;
	v17 =	vor.u32 s15, v0;
	v23 =	vld.idx.msk [tilespmem:v8+s2+$0x0], $0xffff  }
0x112: {  	v21 =	vor.u32 s14, v3;
	v29 =	vor.u32 s13, v4;
	v35 =	vor.u32 s15, v2  }
0x113: {  	v31 =	vor.u32 s14, v0;
	v18 =	vor.u32 s15, v4;
	v7 =	vor.u32 s13, v2  }
0x114: {  	v28 =	vor.u32 s14, v2;
	v11 =	vor.u32 s14, v4;
	v6 =	vimm.s32 $0x0;
	v16 =	vld.idx.msk [tilespmem:v15+s2+$0x0], $0xffff  }
0x115: {  	v15 =	vld.idx.msk [tilespmem:v20+s2+$0x0], $0xffff;
	v20 =	vimm.s32 $0x0;
	vm0 =	vgt.f32 v5, v12;
	vm3 =	vgt.f32 v10, v12  }
0x116: {  	v27 =	vld.idx.msk [tilespmem:v9+s2+$0x0], $0xffff;
	vm6 =	vgt.f32 v13, v12;
	vm8 =	vgt.f32 v23, v12;
	vm1 =	vmneg vm0  }
0x117: {  	vm5 =	vmneg vm3;
	vm2 =	vmneg vm6;
	v14 =	vnsel vm1, s2, v6  }
0x118: {  	v34 =	vld.idx.msk [tilespmem:v7+s2+$0x0], $0xffff;
	v32 =	vsel vm1, v12, v5;
	vm7 =	vmand vm5, vm3;
	v7 =	vnsel vm2, s2, v6  }
0x119: {  	v30 =	vsel vm5, v12, v10;
	vm3 =	vmneg vm8;
	vm9 =	vmand vm1, vm0  }
0x11a: {  	vm6 =	vmand vm2, vm6;
	v25 =	vsel vm2, v12, v13;
	v8 =	vsel vm7, v10, v12  }
0x11b: {  	vm4 =	vgt.f32 v27, v32;
	v19 =	vsel vm3, v12, v23;
	v10 =	vsel vm7, s2, v6  }
0x11c: {  	v5 =	vsel vm9, v5, v12;
	vm8 =	vmand vm3, vm8;
	v42 =	vsel vm6, v13, v12  }
0x11d: {  	v13 =	vimm.s32 $0x0;
	v38 =	vsel vm5, v8, v12;
	vm4 =	vmneg vm4  }
0x11e: {  	v44 =	vsel vm1, v5, v12;
	v8 =	vnsel vm3, s2, v6;
	vm10 =	vgt.f32 v16, v19  }
0x11f: {  	v24 =	vsel vm5, v10, v6;
	v5 =	vsel vm9, s2, v6;
	v33 =	vsel vm8, v23, v12  }
0x120: {  	v39 =	vld.idx.msk [tilespmem:v17+s2+$0x0], $0xffff;
	v10 =	vimm.s32 $0x0;
	v23 =	vimm.f32 $-1.000000020e+30;
	vm0 =	vgt.f32 v34, v30  }
0x121: {  	v9 =	vnsel vm4, s13, v14;
	vm7 =	vmneg vm0;
	vm0 =	vmneg vm10  }
0x122: {  	v17 =	vld.idx.msk [tilespmem:v21+s2+$0x0], $0xffff;
	vm11 =	vgt.f32 v34, v38;
	v26 =	vsel vm1, v5, v6;
	v22 =	vsel vm0, v19, v16  }
0x123: {  	v29 =	vld.idx.msk [tilespmem:v29+s2+$0x0], $0xffff;
	v43 =	vsel vm4, v32, v27;
	v5 =	vimm.s32 $0x0;
	vm1 =	vgt.f32 v15, v22  }
0x124: {  	v41 =	vld.idx.msk [tilespmem:v35+s2+$0x0], $0xffff;
	vm10 =	vgt.f32 v27, v44;
	v40 =	vsel vm7, v30, v34;
	vm1 =	vmneg vm1  }
0x125: {  	s17 =	simm.s32 $0x4;
	s16 =	simm.s32 $0x0;
	vm9 =	vmand vm7, vm11;
	vm11 =	vgt.f32 v39, v43;
	v21 =	vsel vm1, v22, v15  }
.LBB2_2:
0x126: {  	s18 =	sadd.s32 $0x1, s17  }
0x127: {  	p0 =	sne.s32 s17, $0x3C;
	v45 =	vsel vm3, v33, v12;
	v37 =	vnsel vm0, s13, v8;
	vm12 =	vgt.f32 v17, v21;
	s19 =	smov.u32 s17;
	s17 =	sadd.s32 $0x4, s17  }
0x128: {  	v36 =	vor.u32 s19, v4;
	v33 =	vor.u32 s18, v0;
	v35 =	vnsel vm1, s15, v37  }
0x129: {  	v6 =	vnsel vm5, s16, v6;
	vm13 =	vgt.f32 v29, v25;
	vm14 =	vgt.f32 v41, v40  }
0x12a: {  	v12 =	vsel vm6, s16, v13;
	vm10 =	vmand vm4, vm10;
	v13 =	vnsel vm7, s13, v6  }
0x12b: {  	v10 =	vsel vm2, v12, v10;
	v12 =	vsel vm10, s13, v26;
	vm5 =	vmneg vm12;
	v46 =	vld.idx.msk [tilespmem:v28+s2+$0x0], $0xffff  }
0x12c: {  	v47 =	vsel vm8, s16, v20;
	v23 =	vsel vm2, v42, v23;
	vm2 =	vmneg vm11;
	s16 =	smov.u32 s19;
	v20 =	vld.idx.msk [tilespmem:v31+s2+$0x0], $0xffff  }
0x12d: {  	vm11 =	vgt.f32 v29, v23;
	v28 =	vsel vm2, v43, v39;
	v31 =	vsel vm9, v34, v38  }
0x12e: {  	vm6 =	vmneg vm13;
	vm8 =	vmneg vm14;
	v34 =	vnsel vm2, s15, v9  }
0x12f: {  	v27 =	vsel vm10, v27, v44;
	v26 =	vnsel vm5, s14, v35;
	v38 =	vnsel vm8, s15, v13  }
0x130: {  	v14 =	vsel vm4, v12, v14;
	v12 =	vsel vm9, s13, v24;
	v24 =	vsel vm8, v40, v41  }
0x131: {  	v42 =	vsel vm3, v47, v5;
	v44 =	vnsel vm6, s13, v7;
	v5 =	vmovc v26;
	vm9 =	vmand vm6, vm11;
	v18 =	vld.idx.msk [tilespmem:v18+s2+$0x0], $0xffff  }
0x132: {  	v30 =	vsel vm7, v31, v30;
	vm10 =	vgt.f32 v46, v24;
	vm3 =	vgt.f32 v20, v28  }
0x133: {  	v27 =	vsel vm4, v27, v32;
	v12 =	vsel vm7, v12, v6;
	vm4 =	vgt.f32 v41, v30  }
0x134: {  	vm4 =	vmand vm8, vm4;
	vm7 =	vmneg vm10;
	vm3 =	vmneg vm3  }
0x135: {  	v31 =	vsel vm6, v25, v29;
	v6 =	vsel vm4, v41, v30;
	vm10 =	vgt.f32 v39, v27  }
0x136: {  	v30 =	vsel vm8, v6, v40;
	vm11 =	vmand vm2, vm10;
	v6 =	vnsel vm7, s14, v38  }
0x137: {  	vm12 =	vgt.f32 v46, v30;
	v27 =	vsel vm11, v39, v27;
	vm10 =	vgt.f32 v18, v31  }
0x138: {  	v23 =	vsel vm9, v29, v23;
	vm12 =	vmand vm7, vm12;
	v27 =	vsel vm2, v27, v43  }
0x139: {  	v29 =	vsel vm4, s15, v12;
	v39 =	vsel vm7, v24, v46;
	vm4 =	vgt.f32 v20, v27  }
0x13a: {  	vm13 =	vgt.f32 v16, v45;
	v12 =	vsel vm5, v21, v17;
	v30 =	vsel vm12, v46, v30  }
0x13b: {  	v23 =	vsel vm6, v23, v25;
	v25 =	vnsel vm3, s14, v34;
	vm10 =	vmneg vm10;
	v11 =	vld.idx.msk [tilespmem:v11+s2+$0x0], $0xffff  }
0x13c: {  	v14 =	vsel vm11, s15, v14;
	v24 =	vsel vm7, v30, v24;
	v32 =	vnsel vm10, s15, v44  }
0x13d: {  	v10 =	vsel vm9, s13, v10;
	v13 =	vsel vm8, v29, v13;
	vm8 =	vgt.f32 v18, v23  }
0x13e: {  	vm9 =	vmand vm0, vm13;
	v13 =	vsel vm12, s14, v13;
	vm4 =	vmand vm3, vm4  }
0x13f: {  	v16 =	vsel vm9, v16, v45;
	vm8 =	vmand vm10, vm8;
	v29 =	vsel vm10, v31, v18  }
0x140: {  	v7 =	vsel vm6, v10, v7;
	v40 =	vsel vm7, v13, v38;
	v10 =	vsel vm8, v18, v23  }
0x141: {  	v13 =	vsel vm0, v16, v19;
	v16 =	vsel vm10, v10, v31;
	vm6 =	vgt.f32 v11, v29  }
0x142: {  	vm7 =	vgt.f32 v15, v13;
	vm11 =	vgt.f32 v11, v16;
	vm6 =	vmneg vm6  }
0x143: {  	vm7 =	vmand vm1, vm7;
	vm11 =	vmand vm6, vm11;
	v10 =	vnsel vm6, s14, v32  }
0x144: {  	v13 =	vsel vm7, v15, v13;
	v7 =	vsel vm8, s15, v7;
	v15 =	vsel vm11, v11, v16  }
0x145: {  	v18 =	vsel vm1, v13, v22;
	v7 =	vsel vm10, v7, v44;
	v16 =	vsel vm9, s13, v42;
	s13 =	smov.u32 s18  }
0x146: {  	v19 =	vor.u32 s16, v0;
	vm8 =	vgt.f32 v17, v18;
	v42 =	vsel vm6, v15, v29  }
0x147: {  	v22 =	vor.u32 s16, v3;
	v7 =	vsel vm11, s14, v7;
	v15 =	vor.u32 s16, v2  }
0x148: {  	v23 =	vsel vm6, v29, v11;
	v8 =	vsel vm0, v16, v8;
	v13 =	vsel vm6, v7, v32  }
0x149: {  	v7 =	vsel vm2, v14, v9;
	vm0 =	vmand vm5, vm8;
	v8 =	vsel vm7, s15, v8  }
0x14a: {  	v7 =	vsel vm4, s14, v7;
	v9 =	vsel vm0, v17, v18;
	v8 =	vsel vm1, v8, v37  }
0x14b: {  	v11 =	vsel vm4, v20, v27;
	v21 =	vsel vm5, v9, v21;
	v8 =	vsel vm0, s14, v8;
	v17 =	vld.idx.msk [tilespmem:v19+s2+$0x0], $0xffff  }
0x14c: {  	v29 =	vsel vm3, v28, v20;
	v37 =	vsel vm3, v7, v34;
	v20 =	vsel vm5, v8, v35;
	v36 =	vld.idx.msk [tilespmem:v36+s2+$0x0], $0xffff  }
0x14d: {  	s15 =	sadd.s32 $0x2, s16;
	v7 =	vor.u32 s13, v2;
	v9 =	vor.u32 s13, v3;
	s14 =	sadd.s32 $0x3, s16;
	v35 =	vsel vm3, v11, v28;
	v8 =	vld.idx.msk [tilespmem:v15+s2+$0x0], $0xffff  }
0x14e: {  	v41 =	vor.u32 s14, v3;
	v15 =	vor.u32 s15, v3;
	v43 =	vld.idx.msk [tilespmem:v22+s2+$0x0], $0xffff;
	v22 =	vor.u32 s15, v0  }
0x14f: {  	v45 =	vor.u32 s13, v4;
	v46 =	vor.u32 s15, v2;
	v31 =	vor.u32 s14, v0  }
0x150: {  	v18 =	vor.u32 s15, v4;
	v28 =	vor.u32 s14, v2;
	v11 =	vor.u32 s14, v4;
	v27 =	vld.idx.msk [tilespmem:v33+s2+$0x0], $0xffff  }
0x151: {  	vm0 =	vgt.f32 v17, v29;
	vm6 =	vgt.f32 v17, v35  }
0x152: {  	vm1 =	vmneg vm0;
	vm2 =	vgt.f32 v36, v23;
	vm0 =	vgt.f32 v36, v42  }
0x153: {  	v14 =	vnsel vm1, s16, v25;
	vm3 =	vgt.f32 v8, v39;
	vm2 =	vmneg vm2;
	v34 =	vld.idx.msk [tilespmem:v7+s2+$0x0], $0xffff  }
0x154: {  	v32 =	vsel vm1, v29, v17;
	vm5 =	vmneg vm3;
	vm3 =	vgt.f32 v8, v24  }
0x155: {  	v7 =	vnsel vm2, s16, v10;
	vm7 =	vmand vm5, vm3;
	vm3 =	vgt.f32 v43, v12;
	v16 =	vld.idx.msk [tilespmem:v9+s2+$0x0], $0xffff  }
0x156: {  	v30 =	vsel vm5, v39, v8;
	v8 =	vsel vm7, v8, v24;
	vm4 =	vgt.f32 v27, v32  }
0x157: {  	vm3 =	vmneg vm3;
	v38 =	vsel vm5, v8, v39;
	vm4 =	vmneg vm4  }
0x158: {  	vm8 =	vgt.f32 v43, v21;
	v19 =	vsel vm3, v12, v43;
	v9 =	vnsel vm4, s13, v14;
	v15 =	vld.idx.msk [tilespmem:v15+s2+$0x0], $0xffff  }
0x159: {  	vm10 =	vmand vm1, vm6;
	v24 =	vsel vm7, s16, v40;
	vm9 =	vgt.f32 v34, v38  }
0x15a: {  	vm6 =	vmand vm2, vm0;
	v8 =	vsel vm10, v17, v35;
	vm0 =	vgt.f32 v34, v30  }
0x15b: {  	v44 =	vsel vm1, v8, v29;
	v8 =	vnsel vm3, s16, v26;
	vm11 =	vgt.f32 v16, v19;
	v39 =	vld.idx.msk [tilespmem:v22+s2+$0x0], $0xffff  }
0x15c: {  	v24 =	vsel vm5, v24, v6;
	vm7 =	vmneg vm0;
	vm0 =	vmneg vm11;
	v17 =	vld.idx.msk [tilespmem:v41+s2+$0x0], $0xffff  }
.Ltmp0:
0x15d: {  	vm8 =	vmand vm3, vm8;
	v26 =	vsel vm10, s16, v37;
	v22 =	vsel vm0, v19, v16;
	v29 =	vld.idx.msk [tilespmem:v45+s2+$0x0], $0xffff;
	(pc) =	sbr.rel @p0 .LBB2_2-.Ltmp0, $4  }
0x15e: {  	v26 =	vsel vm1, v26, v25;
	vm10 =	vgt.f32 v27, v44;
	vm1 =	vgt.f32 v15, v22;
	v41 =	vld.idx.msk [tilespmem:v46+s2+$0x0], $0xffff  }
0x15f: {  	v33 =	vsel vm8, v43, v21;
	v25 =	vsel vm2, v23, v36;
	vm1 =	vmneg vm1  }
0x160: {  	v42 =	vsel vm6, v36, v42;
	v43 =	vsel vm4, v32, v27;
	v40 =	vsel vm7, v30, v34  }
0x161: {  	vm9 =	vmand vm7, vm9;
	v21 =	vsel vm1, v22, v15;
	vm11 =	vgt.f32 v39, v43  }
0x162: {  	_ =	sdelay $0x2  }
0x163: {  	vm10 =	vmand vm4, vm10  }
0x164: {  	v31 =	vld.idx.msk [tilespmem:v31+s2+$0x0], $0xffff;
	v27 =	vsel vm10, v27, v44  }
0x165: {  	v27 =	vsel vm4, v27, v32  }
0x166: {  	v35 =	vimm.s32 $0x0;
	vm11 =	vmneg vm11;
	vm15 =	vgt.f32 v39, v27  }
0x167: {  	v35 =	vsel vm10, $0xFFFFFFFF, v35;
	vm10 =	vmand vm11, vm15  }
0x168: {  	v61 =	vimm.s32 $0x0;
	v63 =	vsel vm11, v43, v39;
	v27 =	vsel vm10, v39, v27  }
0x169: {  	v62 =	vimm.s32 $0x0;
	vm12 =	vgt.f32 v31, v63;
	v27 =	vsel vm11, v27, v43  }
0x16a: {  	v32 =	vsel vm11, $0xFFFFFFFF, v61;
	vm13 =	vmneg vm12;
	vm14 =	vgt.f32 v31, v27  }
0x16b: {  	[tilespmem:$0x1FF40] =	vst v32;
	v32 =	vsel vm10, $0xFFFFFFFF, v62;
	vm10 =	vmand vm13, vm14  }
0x16c: {  	v27 =	vsel vm10, v31, v27  }
0x16d: {  	v31 =	vsel vm13, v63, v31;
	v27 =	vsel vm13, v27, v63  }
0x16e: {  	v27 =	vsub.f32 v27, v31;
	_ =	sdelay $0x1  }
0x16f: {  	v27 =	vmul.f32 $1.442695020e+00, v27  }
0x170: {  	v36 =	vimm.s32 $0x0;
	v37 =	vimm.s32 $0x0;
	v28 =	vld.idx.msk [tilespmem:v28+s2+$0x0], $0xffff;
	v38 =	vsel vm9, v34, v38  }
0x171: {  	v30 =	vsel vm7, v38, v30;
	vm15 =	vgt.f32 v41, v40;
	(erf) = vpow2.f32 v27  }
0x172: {  	[tilespmem:$0x1FF20] =	vst v35;
	vm12 =	vgt.f32 v41, v30;
	v35 =	vsel vm13, $0xFFFFFFFF, v36;
	vm14 =	vmneg vm15  }
0x173: {  	[tilespmem:$0x1FF60] =	vst v35;
	v35 =	vsel vm10, $0xFFFFFFFF, v37;
	vm10 =	vmand vm14, vm12  }
0x174: {  	v43 =	vsel vm14, v40, v41;
	v30 =	vsel vm10, v41, v30  }
0x175: {  	vm13 =	vgt.f32 v28, v43;
	v30 =	vsel vm14, v30, v40  }
0x176: {  	v39 =	vimm.s32 $0x0;
	vm12 =	vmneg vm13;
	vm15 =	vgt.f32 v28, v30  }
0x177: {  	v27 =	vsel vm10, $0xFFFFFFFF, v39;
	vm10 =	vmand vm12, vm15  }
0x178: {  	v30 =	vsel vm10, v28, v30  }
0x179: {  	[tilespmem:$0x1FF70] =	vst v27;
	v28 =	vsel vm12, v43, v28;
	v27 =	vsel vm12, v30, v43  }
0x17a: {  	v12 =	vsel vm3, v33, v12;
	v27 =	vsub.f32 v27, v28;
	v45 =	vpop (erf)  }
0x17b: {  	v44 =	vimm.s32 $0x0;
	vm13 =	vgt.f32 v16, v12;
	v46 =	vadd.f32 $1.000000000e+00, v45  }
0x17c: {  	v31 =	vsel vm10, $0xFFFFFFFF, v44;
	vm10 =	vmand vm0, vm13;
	v27 =	vmul.f32 $1.442695020e+00, v27  }
0x17d: {  	v12 =	vsel vm10, v16, v12;
	(erf) = vrcp.f32 v46  }
0x17e: {  	v12 =	vsel vm0, v12, v19;
	(erf) = vpow2.f32 v27  }
0x17f: {  	v47 =	vimm.s32 $0x0;
	vm15 =	vgt.f32 v15, v12  }
0x180: {  	v30 =	vsel vm10, $0xFFFFFFFF, v47;
	vm10 =	vmand vm1, vm15  }
0x181: {  	v12 =	vsel vm10, v15, v12  }
0x182: {  	vm13 =	vgt.f32 v17, v21;
	v12 =	vsel vm1, v12, v22  }
0x183: {  	v48 =	vimm.s32 $0x0;
	vm15 =	vmneg vm13;
	vm13 =	vgt.f32 v17, v12  }
0x184: {  	v16 =	vsel vm10, $0xFFFFFFFF, v48;
	vm10 =	vmand vm15, vm13  }
0x185: {  	v49 =	vimm.s32 $0x0;
	v50 =	vimm.s32 $0x0;
	v12 =	vsel vm10, v17, v12  }
0x186: {  	v51 =	vld.idx.msk [tilespmem:v18+s2+$0x0], $0xffff;
	v54 =	vsel vm2, v42, v23;
	v52 =	vsel vm15, v21, v17;
	v12 =	vsel vm15, v12, v21;
	v53 =	vpop (erf)  }
0x187: {  	v15 =	vsel vm15, $0xFFFFFFFF, v49;
	vm15 =	vgt.f32 v29, v25;
	v12 =	vsub.f32 v12, v52;
	v55 =	vpop (erf)  }
0x188: {  	vm13 =	vgt.f32 v29, v54;
	vm15 =	vmneg vm15;
	v56 =	vadd.f32 $1.000000000e+00, v55  }
0x189: {  	[tilespmem:$0x1FFB0] =	vst v15;
	v15 =	vsel vm10, $0xFFFFFFFF, v50;
	vm10 =	vmand vm15, vm13;
	v12 =	vmul.f32 $1.442695020e+00, v12  }
0x18a: {  	v11 =	vld.idx.msk [tilespmem:v11+s2+$0x0], $0xffff;
	v58 =	vsel vm15, v25, v29;
	v18 =	vsel vm10, v29, v54;
	(erf) = vrcp.f32 v56  }
0x18b: {  	vm13 =	vgt.f32 v51, v58;
	v59 =	vsel vm15, v18, v25;
	(erf) = vpow2.f32 v12  }
0x18c: {  	v57 =	vimm.s32 $0x0;
	vm11 =	vmneg vm13;
	vm13 =	vgt.f32 v51, v59  }
0x18d: {  	v19 =	vsel vm10, $0xFFFFFFFF, v57;
	vm10 =	vmand vm11, vm13  }
0x18e: {  	[tilespmem:$0x1FFC0] =	vst v15;
	v61 =	vsel vm11, v58, v51;
	v15 =	vsel vm10, v51, v59  }
0x18f: {  	v60 =	vimm.s32 $0x0;
	v34 =	vld [tilespmem:$0x1FF60];
	vm13 =	vgt.f32 v11, v61;
	v15 =	vsel vm11, v15, v58  }
0x190: {  	v27 =	vld [tilespmem:$0x1FF20];
	v12 =	vsel vm10, $0xFFFFFFFF, v60;
	vm10 =	vmneg vm13;
	vm13 =	vgt.f32 v11, v15  }
0x191: {  	[tilespmem:$0x1FF30] =	vst v32;
	vm13 =	vmand vm10, vm13  }
0x192: {  	[tilespmem:$0x1FF50] =	vst v35;
	v28 =	vld [tilespmem:$0x1FF30];
	v15 =	vsel vm13, v11, v15  }
0x193: {  	v62 =	vimm.s32 $0x0;
	[tilespmem:$0x1FF90] =	vst v30;
	v30 =	vld [tilespmem:$0x1FF40];
	v11 =	vsel vm10, v61, v11;
	v15 =	vsel vm10, v15, v61;
	v63 =	vpop (erf)  }
0x194: {  	v32 =	vsel vm9, s13, v24;
	v33 =	vld [tilespmem:$0x1FF50];
	vm9 =	vnez.u8 v34;
	v11 =	vsub.f32 v15, v11;
	v23 =	vpop (erf)  }
0x195: {  	[tilespmem:$0x1FFA0] =	vst v16;
	v16 =	vsel vm13, $0xFFFFFFFF, v62;
	vm13 =	vnez.u8 v27;
	v25 =	vadd.f32 $1.000000000e+00, v23  }
0x196: {  	v29 =	vor.u32 $0x1, v0;
	[tilespmem:$0x1FFF0] =	vst v16;
	v16 =	vsel vm13, s13, v26;
	v11 =	vmul.f32 $1.442695020e+00, v11  }
0x197: {  	vm13 =	vnez.u8 v28;
	v14 =	vsel vm4, v16, v14;
	(erf) = vrcp.f32 v25  }
0x198: {  	(erf) = vpow2.f32 v11;
	v11 =	vsel vm13, s15, v14;
	vm13 =	vnez.u8 v30  }
0x199: {  	[tilespmem:$0x1FF80] =	vst v31;
	v49 =	vld [tilespmem:$0x1FFA0];
	v15 =	vnsel vm13, s15, v9;
	v31 =	vsel vm13, v11, v9;
	vm13 =	vnez.u8 v33  }
0x19a: {  	v46 =	vld [tilespmem:$0x1FF90];
	[tilespmem:$0x1FFD0] =	vst v19;
	v35 =	vsub.f32 $1.000000000e+00, v53;
	v9 =	vsel vm13, s14, v31;
	v16 =	vnsel vm9, s14, v15  }
0x19b: {  	v6 =	vnsel vm5, s16, v6;
	v38 =	vld [tilespmem:$0x1FF70];
	[tilespmem:v0+s9+$0x0] =	vst.idx.msk $0xffff, v53;
	v9 =	vsel vm9, v9, v15;
	v36 =	vadd.s32 v0, v16  }
0x19c: {  	v20 =	vsel vm8, s16, v20;
	v13 =	vsel vm6, s16, v13;
	v52 =	vld [tilespmem:$0x1FFB0];
	[tilespmem:v29+s9+$0x0] =	vst.idx.msk $0xffff, v35;
	v37 =	vadd.s32 v0, v9  }
0x19d: {  	v5 =	vsel vm3, v20, v5;
	v39 =	vor.u32 $0x801, v0;
	v40 =	vld [tilespmem:$0x1FF80];
	v48 =	vnsel vm0, s13, v8;
	[tilespmem:$0x1FFE0] =	vst v12  }
0x19e: {  	v50 =	vor.u32 $0x1001, v0;
	vm8 =	vnez.u8 v49;
	v51 =	vnsel vm1, s15, v48;
	v56 =	vld [tilespmem:$0x1FFD0];
	[tilespmem:v0+s10+$0x0] =	vst.idx.msk $0xffff, v16  }
0x19f: {  	v11 =	vsel vm7, v32, v6;
	v6 =	vnsel vm7, s13, v6;
	vm7 =	vnez.u8 v46;
	[tilespmem:v29+s10+$0x0] =	vst.idx.msk $0xffff, v9  }
0x1a0: {  	v44 =	vsub.f32 $1.000000000e+00, v63;
	vm13 =	vnez.u8 v38;
	v5 =	vsel vm7, s13, v5;
	[tilespmem:v36+s11+$0x0] =	vst.idx.msk $0xffff, v53  }
0x1a1: {  	v11 =	vsel vm13, s15, v11;
	v5 =	vsel vm0, v5, v8;
	vm9 =	vnez.u8 v52;
	[tilespmem:v37+s11+$0x0] =	vst.idx.msk $0xffff, v35  }
0x1a2: {  	v58 =	vld [tilespmem:$0x1FFE0];
	v11 =	vsel vm14, v11, v6;
	v6 =	vnsel vm14, s15, v6;
	vm14 =	vnez.u8 v40;
	v41 =	vpop (erf);
	[tilespmem:v2+s9+$0x0] =	vst.idx.msk $0xffff, v63  }
0x1a3: {  	vm13 =	vnez.u8 v56;
	v11 =	vsel vm14, s14, v11;
	v42 =	vnsel vm12, s14, v6;
	v53 =	vld [tilespmem:$0x1FFC0];
	v43 =	vpop (erf);
	[tilespmem:v39+s9+$0x0] =	vst.idx.msk $0xffff, v44  }
0x1a4: {  	v6 =	vsel vm12, v11, v6;
	v45 =	vadd.s32 v2, v42;
	v11 =	vadd.f32 $1.000000000e+00, v43;
	[tilespmem:v2+s10+$0x0] =	vst.idx.msk $0xffff, v42  }
0x1a5: {  	v5 =	vsel vm8, s15, v5;
	v47 =	vadd.s32 v2, v6;
	[tilespmem:v39+s10+$0x0] =	vst.idx.msk $0xffff, v6;
	v6 =	vsel vm2, v13, v10  }
0x1a6: {  	v8 =	vnsel vm9, s14, v51;
	(erf) = vrcp.f32 v11;
	v6 =	vsel vm13, s13, v6  }
0x1a7: {  	v5 =	vsel vm1, v5, v48;
	vm14 =	vnez.u8 v58;
	v6 =	vsel vm15, v6, v7  }
0x1a8: {  	vm12 =	vnez.u8 v53;
	v7 =	vnsel vm15, s13, v7;
	v6 =	vsel vm14, s15, v6  }
0x1a9: {  	v5 =	vsel vm12, s14, v5;
	[tilespmem:v45+s11+$0x0] =	vst.idx.msk $0xffff, v63;
	v60 =	vnsel vm11, s15, v7;
	v6 =	vsel vm11, v6, v7;
	v7 =	vld [tilespmem:$0x1FFF0]  }
0x1aa: {  	v55 =	vadd.s32 v3, v8;
	v54 =	vsub.f32 $1.000000000e+00, v41;
	v5 =	vsel vm9, v5, v51;
	[tilespmem:v47+s11+$0x0] =	vst.idx.msk $0xffff, v44  }
0x1ab: {  	[tilespmem:v3+s9+$0x0] =	vst.idx.msk $0xffff, v41;
	v57 =	vadd.s32 v3, v5  }
0x1ac: {  	[tilespmem:v50+s9+$0x0] =	vst.idx.msk $0xffff, v54  }
0x1ad: {  	v59 =	vor.u32 $0x1801, v0;
	[tilespmem:v3+s10+$0x0] =	vst.idx.msk $0xffff, v8  }
0x1ae: {  	[tilespmem:v50+s10+$0x0] =	vst.idx.msk $0xffff, v5;
	vm15 =	vnez.u8 v7  }
0x1af: {  	v5 =	vnsel vm10, s14, v60;
	[tilespmem:v55+s11+$0x0] =	vst.idx.msk $0xffff, v41;
	v7 =	vpop (erf);
	v6 =	vsel vm15, s14, v6  }
0x1b0: {  	v62 =	vadd.s32 v4, v5;
	[tilespmem:v57+s11+$0x0] =	vst.idx.msk $0xffff, v54;
	v61 =	vsub.f32 $1.000000000e+00, v7;
	v6 =	vsel vm10, v6, v60  }
0x1b1: {  	[tilespmem:v4+s9+$0x0] =	vst.idx.msk $0xffff, v7;
	v63 =	vadd.s32 v4, v6  }
0x1b2: {  	[tilespmem:v59+s9+$0x0] =	vst.idx.msk $0xffff, v61  }
0x1b3: {  	[tilespmem:v4+s10+$0x0] =	vst.idx.msk $0xffff, v5  }
0x1b4: {  	[tilespmem:v59+s10+$0x0] =	vst.idx.msk $0xffff, v6  }
0x1b5: {  	[tilespmem:v62+s11+$0x0] =	vst.idx.msk $0xffff, v7  }
0x1b6: {  	[tilespmem:v63+s11+$0x0] =	vst.idx.msk $0xffff, v61  }
0x1b7: {  	[hbm4b:s4+s2] =	stream.linear.scatter [tilespmem:s11], [sflag:$0x1], $0x2000, $0x38;
	[tilespmem:$0x8000] =	vst v63  }
0x1b8: {  	_ =	swait.ge [sflag:s8], $0x2000  }
0x1b9: {  	[sflag:s8] =	ssyncset.done $0x0  }
0x1ba: {  	[sflag:s8] =	ssyncadd.s32 $0xFFFFE000  }
0x1bb: {  	[hbm4b:s5+s2] =	stream.linear.scatter [tilespmem:s9], [sflag:$0x1], $0x2000, $0x38;
	[tilespmem:$0x8000] =	vst v63  }
0x1bc: {  	s12 =	sadd.s32 $0x1, s12;
	_ =	swait.ge [sflag:s8], $0x2000  }
0x1bd: {  	p0 =	sne.s32 s12, s7;
	[sflag:s8] =	ssyncset.done $0x0  }
.Ltmp1:
0x1be: {  	[sflag:s8] =	ssyncadd.s32 $0xFFFFE000;
	(pc) =	sbr.rel @p0 .LBB2_1-.Ltmp1, $4  }
0x1bf: {  	[hbm4b:s6+s2] =	stream.linear.scatter [tilespmem:s10], [sflag:$0x1], $0x2000, $0x38;
	[tilespmem:$0x8000] =	vst v63  }
0x1c0: {  	_ =	swait.ge [sflag:s8], $0x2000  }
0x1c1: {  	[sflag:s8] =	ssyncset.done $0x0  }
0x1c2: {  	[sflag:s8] =	ssyncadd.s32 $0xFFFFE000  }
0x1c3: {  	_ =	sfence.sel $0x180000  }
0x1c4: {  	[bflag:$0x0] =	sbarrier.arrive $0xFFFF  }
0x1c5: {  	p0 =	sne.s32 s1, $0x0;
	_ =	strace $0x90000047  }
0x1c6: {  	s0 =	sadd.s32 @!p0 $0x100000, s0;
	[bflag:$0x2] =	sbarrier.arrive $0xFFFF  }
0x1c7: {  	[sflag:s0] =	ssyncadd.tile.s32 @!p0 $0x1;
	_ =	shalt  }
.Lfunc_end2:
_tile_overlayer_lowered:
.L_overlay_start_2:
0x1c8: {  	(tag) =	ssettag $0x2  }
0x1c9: {  	s0 =	rddreg [dreg:$0x0];
	s2 =	stileid.u32  }
0x1ca: {  	s1 =	rddreg [dreg:$0x1];
	p0 =	sne.s32 s2, $0x0  }
0x1cb: {  	s3 =	rddreg [dreg:$0x2];
	[bflag:$0x3] =	sbarrier.arrive $0xFFFF;
	s2 =	simm.s32 @!p0 $0x1C01  }
0x1cc: {  	[timem:s3], [sflag:s2] =	dma.local @!p0 [hbm:s0], s1  }
0x1cd: {  	s0 =	simm.s32 @!p0 $0x1  }
0x1ce: {  	_ =	swait.ge @!p0 [sflag:s0], s1  }
0x1cf: {  	s1 =	ssub.s32 @!p0 $0x0, s1;
	[sflag:s0] =	ssyncset.done @!p0 $0x0  }
0x1d0: {  	[sflag:s0] =	ssyncadd.s32 @!p0 s1  }
0x1d1: {  	[bflag:$0x3] =	sbarrier.arrive $0xFFFF  }
0x1d2: {  	_ =	shalt  }

</sc_bundles>
